<compile_context>
chip_gen: v7x
topology: tpu7x:2x2x1
jax: 0.10.2.dev20260603
libtpu: 0.0.44.dev20260713+nightly
codegen_flags: <defaults>
</compile_context>

<pallas_src>
import functools

import jax
import jax.numpy as jnp
from jax import lax
from jax.experimental import pallas as pl
from jax.experimental.pallas import tpu as pltpu
from jax.experimental.pallas import tpu_sc as plsc

_B = 4096
_F = 32
_DM = 256
_DP = 272
_NFTS = 49152
_L = 16
_NBUF = 4
_RUNROLL = 4

_SC_PARAMS = pltpu.CompilerParams(use_tc_tiling_on_sc=False,
                                  needs_layout_passes=False)


def _ft_sc_call(wics, wvals, bics, bvals, ftw_padded):
    info = plsc.get_sparse_core_info()
    nw = info.num_cores * info.num_subcores
    bpw = _B // nw
    nunit = 2 * bpw
    nchunk = _DP // _L
    mesh = plsc.VectorSubcoreMesh(core_axis_name="c", subcore_axis_name="s")

    @functools.partial(
        pl.kernel,
        out_type=(
            jax.ShapeDtypeStruct((_B, _DP), jnp.float32),
            jax.ShapeDtypeStruct((_B, _DP), jnp.float32),
        ),
        mesh=mesh,
        compiler_params=_SC_PARAMS,
        scratch_types=[
            pltpu.VMEM((nunit, _F), jnp.int32),
            pltpu.VMEM((nunit, _F), jnp.float32),
            [pltpu.VMEM((_F, _DP), jnp.float32)] * _NBUF,
            pltpu.VMEM((nunit, _DP), jnp.float32),
            [pltpu.SemaphoreType.DMA] * _NBUF,
        ],
    )
    def ft_kernel(wics_h, wvals_h, bics_h, bvals_h, ftw_h, wf_o, bf_o,
                  cidx_v, cval_v, rows, acc_v, sems):
        wid = lax.axis_index("s") * info.num_cores + lax.axis_index("c")
        base = wid * bpw
        pltpu.sync_copy(wics_h.at[pl.ds(base, bpw)], cidx_v.at[pl.ds(0, bpw)])
        pltpu.sync_copy(bics_h.at[pl.ds(base, bpw)], cidx_v.at[pl.ds(bpw, bpw)])
        pltpu.sync_copy(wvals_h.at[pl.ds(base, bpw)], cval_v.at[pl.ds(0, bpw)])
        pltpu.sync_copy(bvals_h.at[pl.ds(base, bpw)], cval_v.at[pl.ds(bpw, bpw)])

        def fire(u, b):
            pltpu.async_copy(ftw_h.at[cidx_v.at[u]], rows[b], sems[b])

        def consume(u, b):
            pltpu.make_async_copy(ftw_h.at[cidx_v.at[u]], rows[b], sems[b]).wait()
            uvec = jnp.full((_L,), u, jnp.int32)

            def rstep(k, accs):
                r0 = k * _RUNROLL
                accs = list(accs)
                for dr in range(_RUNROLL):
                    r = r0 + dr
                    vv = plsc.load_gather(cval_v, [uvec, jnp.full((_L,), r, jnp.int32)])
                    for c in range(nchunk):
                        accs[c] = accs[c] + rows[b][r, pl.ds(c * _L, _L)] * vv
                return tuple(accs)

            init = tuple(jnp.zeros((_L,), jnp.float32) for _ in range(nchunk))
            accs = lax.fori_loop(0, _F // _RUNROLL, rstep, init)
            for c in range(nchunk):
                acc_v[u, pl.ds(c * _L, _L)] = accs[c]

        for b in range(_NBUF - 1):
            fire(b, b)

        def group(k, carry):
            u0 = k * _NBUF
            for b in range(_NBUF):
                u = u0 + b
                nxt = u + _NBUF - 1
                bn = (b + _NBUF - 1) % _NBUF

                @pl.when(nxt < nunit)
                def _():
                    fire(nxt, bn)

                consume(u, b)
            return carry

        lax.fori_loop(0, nunit // _NBUF, group, 0)

        pltpu.sync_copy(acc_v.at[pl.ds(0, bpw)], wf_o.at[pl.ds(base, bpw)])
        pltpu.sync_copy(acc_v.at[pl.ds(bpw, bpw)], bf_o.at[pl.ds(base, bpw)])

    return ft_kernel(wics, wvals, bics, bvals, ftw_padded)


def _head_body(wf_r, bf_r, stm_r, ftb_r, w1a_r, w1b_r, b1_r, w2_r,
               b2_r, wo_r, bo_r, o_r):
    stm = stm_r[...]
    wfull = wf_r[...]
    bfull = bf_r[...]
    wfv = wfull[:, :_DM] + ftb_r[...]
    bfv = bfull[:, :_DM] + ftb_r[...]
    pd = wfull[:, _DM:_DM + 1] - bfull[:, _DM:_DM + 1]
    x1 = jnp.clip(wfv + stm * (bfv - wfv), 0.0, 1.0)
    x2 = jnp.clip(bfv + stm * (wfv - bfv), 0.0, 1.0)
    h = jnp.dot(x1, w1a_r[...], preferred_element_type=jnp.float32)
    h = h + jnp.dot(x2, w1b_r[...], preferred_element_type=jnp.float32)
    h = jnp.clip(h + b1_r[...], 0.0, 1.0)
    h = jnp.clip(jnp.dot(h, w2_r[...], preferred_element_type=jnp.float32) + b2_r[...], 0.0, 1.0)
    y = jnp.dot(h, wo_r[...], preferred_element_type=jnp.float32) + bo_r[...]
    o_r[...] = y + pd * (0.5 - stm)


def _head_tc_call(wf, bf, stm, ftb, w1a, w1b, b1, w2, b2, wo, bo):
    bk = 512
    grid = (_B // bk,)
    row_spec = lambda w: pl.BlockSpec((bk, w), lambda i: (i, 0))
    full_spec = lambda a: pl.BlockSpec(a.shape, lambda i: tuple(0 for _ in a.shape))
    return pl.pallas_call(
        _head_body,
        grid=grid,
        in_specs=[
            row_spec(_DP), row_spec(_DP), row_spec(1),
            full_spec(ftb), full_spec(w1a), full_spec(w1b), full_spec(b1),
            full_spec(w2), full_spec(b2), full_spec(wo), full_spec(bo),
        ],
        out_specs=row_spec(1),
        out_shape=jax.ShapeDtypeStruct((_B, 1), jnp.float32),
    )(wf, bf, stm, ftb, w1a, w1b, b1, w2, b2, wo, bo)


def kernel(wft_ics, wft_vals, bft_ics, bft_vals, stm, ft_w, ft_b,
           fc1_w, fc1_b, fc2_w, fc2_b, fco_w, fco_b):
    ftw_padded = jnp.pad(ft_w, ((0, 0), (0, _DP - ft_w.shape[1])))
    wf, bf = _ft_sc_call(wft_ics, wft_vals, bft_ics, bft_vals, ftw_padded)
    ftb = ft_b[:_DM].reshape(1, _DM)
    w1a = fc1_w[:, :_DM].T
    w1b = fc1_w[:, _DM:].T
    return _head_tc_call(
        wf, bf, stm, ftb, w1a, w1b,
        fc1_b.reshape(1, 32), fc2_w.T, fc2_b.reshape(1, 32),
        fco_w.T, fco_b.reshape(1, 1))

# --- scband reference (transcript-rebuilt; emitter-appended) ---
"""Pipeline reference for scband-model-51539607552265 (READ-ONLY COPY).

The authoritative reference and input builder live on the scoring server;
editing this copy changes nothing except your own understanding.
"""

import jax, jax.numpy as jnp
import numpy as np

N_FTS = 49152
D_FT = 257
B = 4096
F = 32


def setup_inputs(seed: int = 0) -> dict:
    key = jax.random.key(seed)
    ks = jax.random.split(key, 10)
    return {
        "wft_ics": jax.random.randint(ks[0], (B, F), 0, N_FTS, dtype=jnp.int64 if jax.config.jax_enable_x64 else jnp.int32).astype(jnp.int32),
        "wft_vals": jnp.ones((B, F), dtype=jnp.float32),
        "bft_ics": jax.random.randint(ks[1], (B, F), 0, N_FTS, dtype=jnp.int64 if jax.config.jax_enable_x64 else jnp.int32).astype(jnp.int32),
        "bft_vals": jnp.ones((B, F), dtype=jnp.float32),
        "stm": jax.random.uniform(ks[2], (B, 1), dtype=jnp.float32),
        "ft_w": jax.random.normal(ks[3], (N_FTS, D_FT), dtype=jnp.float32) * 0.01,
        "ft_b": jnp.zeros((D_FT,), dtype=jnp.float32),
        "fc1_w": jax.random.normal(ks[4], (32, 512), dtype=jnp.float32) * 0.04,
        "fc1_b": jnp.zeros((32,), dtype=jnp.float32),
        "fc2_w": jax.random.normal(ks[5], (32, 32), dtype=jnp.float32) * 0.15,
        "fc2_b": jnp.zeros((32,), dtype=jnp.float32),
        "fco_w": jax.random.normal(ks[6], (1, 32), dtype=jnp.float32) * 0.15,
        "fco_b": jnp.zeros((1,), dtype=jnp.float32),
    }


def reference(wft_ics, wft_vals, bft_ics, bft_vals, stm, ft_w, ft_b, fc1_w, fc1_b, fc2_w, fc2_b, fco_w, fco_b):
    # FeatureTransformer: sparse embedding-bag style lookup with per-index values
    def ft(ics, vals):
        g = jnp.take(ft_w, ics, axis=0)            # [B, F, 257] gather
        return jnp.sum(g * vals[..., None], axis=1) + ft_b  # [B, 257]

    wf = ft(wft_ics, wft_vals)
    bf = ft(bft_ics, bft_vals)
    wfts, wpsqt = wf[:, :256], wf[:, 256:]
    bfts, bpsqt = bf[:, :256], bf[:, 256:]
    x = (1.0 - stm) * jnp.concatenate((wfts, bfts), axis=-1)
    x = x + stm * jnp.concatenate((bfts, wfts), axis=-1)
    x = jnp.clip(x, 0.0, 1.0)
    x = jnp.clip(x @ fc1_w.T + fc1_b, 0.0, 1.0)
    x = jnp.clip(x @ fc2_w.T + fc2_b, 0.0, 1.0)
    x = x @ fco_w.T + fco_b
    x = x + (wpsqt - bpsqt) * (0.5 - stm)
    return x

if __name__ == "__main__":
    import jax
    _d = setup_inputs()
    print(jax.jit(kernel)(*tuple(_d.values())))

</pallas_src>

<mosaic_0001>
#map = affine_map<(d0, d1) -> (0, 0)>
module attributes {stable_mosaic.version = 14 : i64} {
  func.func @ft_kernel(%arg0: i32, %arg1: i32, %arg2: memref<4096x32xi32, #tpu.memory_space<hbm>>, %arg3: memref<4096x32xf32, #tpu.memory_space<hbm>>, %arg4: memref<4096x32xi32, #tpu.memory_space<hbm>>, %arg5: memref<4096x32xf32, #tpu.memory_space<hbm>>, %arg6: memref<49152x272xf32, #tpu.memory_space<hbm>>, %arg7: memref<4096x272xf32, #tpu.memory_space<hbm>>, %arg8: memref<4096x272xf32, #tpu.memory_space<hbm>>, %arg9: memref<256x32xi32, #tpu.memory_space<vmem>>, %arg10: memref<256x32xf32, #tpu.memory_space<vmem>>, %arg11: memref<32x272xf32, #tpu.memory_space<vmem>>, %arg12: memref<32x272xf32, #tpu.memory_space<vmem>>, %arg13: memref<32x272xf32, #tpu.memory_space<vmem>>, %arg14: memref<32x272xf32, #tpu.memory_space<vmem>>, %arg15: memref<256x272xf32, #tpu.memory_space<vmem>>, %arg16: memref<!tpu.dma_semaphore, #tpu.memory_space<semaphore_mem>>, %arg17: memref<!tpu.dma_semaphore, #tpu.memory_space<semaphore_mem>>, %arg18: memref<!tpu.dma_semaphore, #tpu.memory_space<semaphore_mem>>, %arg19: memref<!tpu.dma_semaphore, #tpu.memory_space<semaphore_mem>>) attributes {dimension_semantics = [#tpu.dimension_semantics<core_parallel>, #tpu.dimension_semantics<subcore_parallel>], iteration_bounds = array<i64: 2, 16>, scalar_prefetch = 0 : i64, scratch_operands = 11 : i64, tpu.core_type = #tpu.core_type<sc_vector_subcore>, window_params = [{transform_indices = #map}, {transform_indices = #map}, {transform_indices = #map}, {transform_indices = #map}, {transform_indices = #map}, {transform_indices = #map}, {transform_indices = #map}]} {
    %mul3A = arith.constant 2 : i32
    %mul3A_0 = arith.muli %arg1, %mul3A : i32
    %add3A = arith.addi %mul3A_0, %arg0 : i32
    %mul3A_1 = arith.constant 128 : i32
    %mul3A_2 = arith.muli %add3A, %mul3A_1 : i32
    "tpu.region"() ({
      %run_scoped3A = tpu.sem_alloc : memref<!tpu.dma_semaphore, #tpu.memory_space<semaphore_mem>>
      %dma_start3A_28 = arith.constant 0 : i32
      %dma_start3A_29 = arith.constant 0 : i32
      %dma_start3A_30 = tpu.memref_slice %arg9[%dma_start3A_28, %dma_start3A_29] : memref<256x32xi32, #tpu.memory_space<vmem>> -> memref<128x32xi32, #tpu.memory_space<vmem>>
      %dma_start3A_31 = arith.constant 0 : i32
      %dma_start3A_32 = tpu.memref_slice %arg2[%mul3A_2, %dma_start3A_31] : memref<4096x32xi32, #tpu.memory_space<hbm>> -> memref<128x32xi32, #tpu.memory_space<hbm>>
      %dma_start3A_33 = arith.constant 0 : i32
      %dma_start3A_34 = arith.constant 0 : i32
      %dma_start3A_35 = tpu.memref_slice %arg9[%dma_start3A_33, %dma_start3A_34] : memref<256x32xi32, #tpu.memory_space<vmem>> -> memref<128x32xi32, #tpu.memory_space<vmem>>
      %dma_start3A_36 = arith.constant 0 : i32
      %dma_start3A_37 = tpu.memref_slice %arg2[%mul3A_2, %dma_start3A_36] : memref<4096x32xi32, #tpu.memory_space<hbm>> -> memref<128x32xi32, #tpu.memory_space<hbm>>
      tpu.enqueue_dma source(%dma_start3A_37 : memref<128x32xi32, #tpu.memory_space<hbm>>) target(%dma_start3A_35 : memref<128x32xi32, #tpu.memory_space<vmem>>) target_semaphore(%run_scoped3A : memref<!tpu.dma_semaphore, #tpu.memory_space<semaphore_mem>>)
      %dma_wait3A = arith.constant 0 : i32
      %dma_wait3A_38 = arith.constant 0 : i32
      %dma_wait3A_39 = tpu.memref_slice %arg9[%dma_wait3A, %dma_wait3A_38] : memref<256x32xi32, #tpu.memory_space<vmem>> -> memref<128x32xi32, #tpu.memory_space<vmem>>
      %dma_wait3A_40 = arith.constant 0 : i32
      %dma_wait3A_41 = tpu.memref_slice %arg2[%mul3A_2, %dma_wait3A_40] : memref<4096x32xi32, #tpu.memory_space<hbm>> -> memref<128x32xi32, #tpu.memory_space<hbm>>
      %dma_wait3A_42 = arith.constant 0 : i32
      %dma_wait3A_43 = arith.constant 0 : i32
      %dma_wait3A_44 = tpu.memref_slice %arg9[%dma_wait3A_42, %dma_wait3A_43] : memref<256x32xi32, #tpu.memory_space<vmem>> -> memref<128x32xi32, #tpu.memory_space<vmem>>
      %dma_wait3A_45 = arith.constant 0 : i32
      %dma_wait3A_46 = tpu.memref_slice %arg2[%mul3A_2, %dma_wait3A_45] : memref<4096x32xi32, #tpu.memory_space<hbm>> -> memref<128x32xi32, #tpu.memory_space<hbm>>
      tpu.wait_dma2 semaphore(%run_scoped3A : memref<!tpu.dma_semaphore, #tpu.memory_space<semaphore_mem>>) src(%dma_wait3A_46 : memref<128x32xi32, #tpu.memory_space<hbm>>) dst(%dma_wait3A_44 : memref<128x32xi32, #tpu.memory_space<vmem>>)
      tpu.yield
    }) : () -> ()
    "tpu.region"() ({
      %run_scoped3A = tpu.sem_alloc : memref<!tpu.dma_semaphore, #tpu.memory_space<semaphore_mem>>
      %dma_start3A_28 = arith.constant 128 : i32
      %dma_start3A_29 = arith.constant 0 : i32
      %dma_start3A_30 = tpu.memref_slice %arg9[%dma_start3A_28, %dma_start3A_29] : memref<256x32xi32, #tpu.memory_space<vmem>> -> memref<128x32xi32, #tpu.memory_space<vmem>>
      %dma_start3A_31 = arith.constant 0 : i32
      %dma_start3A_32 = tpu.memref_slice %arg4[%mul3A_2, %dma_start3A_31] : memref<4096x32xi32, #tpu.memory_space<hbm>> -> memref<128x32xi32, #tpu.memory_space<hbm>>
      %dma_start3A_33 = arith.constant 128 : i32
      %dma_start3A_34 = arith.constant 0 : i32
      %dma_start3A_35 = tpu.memref_slice %arg9[%dma_start3A_33, %dma_start3A_34] : memref<256x32xi32, #tpu.memory_space<vmem>> -> memref<128x32xi32, #tpu.memory_space<vmem>>
      %dma_start3A_36 = arith.constant 0 : i32
      %dma_start3A_37 = tpu.memref_slice %arg4[%mul3A_2, %dma_start3A_36] : memref<4096x32xi32, #tpu.memory_space<hbm>> -> memref<128x32xi32, #tpu.memory_space<hbm>>
      tpu.enqueue_dma source(%dma_start3A_37 : memref<128x32xi32, #tpu.memory_space<hbm>>) target(%dma_start3A_35 : memref<128x32xi32, #tpu.memory_space<vmem>>) target_semaphore(%run_scoped3A : memref<!tpu.dma_semaphore, #tpu.memory_space<semaphore_mem>>)
      %dma_wait3A = arith.constant 128 : i32
      %dma_wait3A_38 = arith.constant 0 : i32
      %dma_wait3A_39 = tpu.memref_slice %arg9[%dma_wait3A, %dma_wait3A_38] : memref<256x32xi32, #tpu.memory_space<vmem>> -> memref<128x32xi32, #tpu.memory_space<vmem>>
      %dma_wait3A_40 = arith.constant 0 : i32
      %dma_wait3A_41 = tpu.memref_slice %arg4[%mul3A_2, %dma_wait3A_40] : memref<4096x32xi32, #tpu.memory_space<hbm>> -> memref<128x32xi32, #tpu.memory_space<hbm>>
      %dma_wait3A_42 = arith.constant 128 : i32
      %dma_wait3A_43 = arith.constant 0 : i32
      %dma_wait3A_44 = tpu.memref_slice %arg9[%dma_wait3A_42, %dma_wait3A_43] : memref<256x32xi32, #tpu.memory_space<vmem>> -> memref<128x32xi32, #tpu.memory_space<vmem>>
      %dma_wait3A_45 = arith.constant 0 : i32
      %dma_wait3A_46 = tpu.memref_slice %arg4[%mul3A_2, %dma_wait3A_45] : memref<4096x32xi32, #tpu.memory_space<hbm>> -> memref<128x32xi32, #tpu.memory_space<hbm>>
      tpu.wait_dma2 semaphore(%run_scoped3A : memref<!tpu.dma_semaphore, #tpu.memory_space<semaphore_mem>>) src(%dma_wait3A_46 : memref<128x32xi32, #tpu.memory_space<hbm>>) dst(%dma_wait3A_44 : memref<128x32xi32, #tpu.memory_space<vmem>>)
      tpu.yield
    }) : () -> ()
    "tpu.region"() ({
      %run_scoped3A = tpu.sem_alloc : memref<!tpu.dma_semaphore, #tpu.memory_space<semaphore_mem>>
      %dma_start3A_28 = arith.constant 0 : i32
      %dma_start3A_29 = arith.constant 0 : i32
      %dma_start3A_30 = tpu.memref_slice %arg10[%dma_start3A_28, %dma_start3A_29] : memref<256x32xf32, #tpu.memory_space<vmem>> -> memref<128x32xf32, #tpu.memory_space<vmem>>
      %dma_start3A_31 = arith.constant 0 : i32
      %dma_start3A_32 = tpu.memref_slice %arg3[%mul3A_2, %dma_start3A_31] : memref<4096x32xf32, #tpu.memory_space<hbm>> -> memref<128x32xf32, #tpu.memory_space<hbm>>
      %dma_start3A_33 = arith.constant 0 : i32
      %dma_start3A_34 = arith.constant 0 : i32
      %dma_start3A_35 = tpu.memref_slice %arg10[%dma_start3A_33, %dma_start3A_34] : memref<256x32xf32, #tpu.memory_space<vmem>> -> memref<128x32xf32, #tpu.memory_space<vmem>>
      %dma_start3A_36 = arith.constant 0 : i32
      %dma_start3A_37 = tpu.memref_slice %arg3[%mul3A_2, %dma_start3A_36] : memref<4096x32xf32, #tpu.memory_space<hbm>> -> memref<128x32xf32, #tpu.memory_space<hbm>>
      tpu.enqueue_dma source(%dma_start3A_37 : memref<128x32xf32, #tpu.memory_space<hbm>>) target(%dma_start3A_35 : memref<128x32xf32, #tpu.memory_space<vmem>>) target_semaphore(%run_scoped3A : memref<!tpu.dma_semaphore, #tpu.memory_space<semaphore_mem>>)
      %dma_wait3A = arith.constant 0 : i32
      %dma_wait3A_38 = arith.constant 0 : i32
      %dma_wait3A_39 = tpu.memref_slice %arg10[%dma_wait3A, %dma_wait3A_38] : memref<256x32xf32, #tpu.memory_space<vmem>> -> memref<128x32xf32, #tpu.memory_space<vmem>>
      %dma_wait3A_40 = arith.constant 0 : i32
      %dma_wait3A_41 = tpu.memref_slice %arg3[%mul3A_2, %dma_wait3A_40] : memref<4096x32xf32, #tpu.memory_space<hbm>> -> memref<128x32xf32, #tpu.memory_space<hbm>>
      %dma_wait3A_42 = arith.constant 0 : i32
      %dma_wait3A_43 = arith.constant 0 : i32
      %dma_wait3A_44 = tpu.memref_slice %arg10[%dma_wait3A_42, %dma_wait3A_43] : memref<256x32xf32, #tpu.memory_space<vmem>> -> memref<128x32xf32, #tpu.memory_space<vmem>>
      %dma_wait3A_45 = arith.constant 0 : i32
      %dma_wait3A_46 = tpu.memref_slice %arg3[%mul3A_2, %dma_wait3A_45] : memref<4096x32xf32, #tpu.memory_space<hbm>> -> memref<128x32xf32, #tpu.memory_space<hbm>>
      tpu.wait_dma2 semaphore(%run_scoped3A : memref<!tpu.dma_semaphore, #tpu.memory_space<semaphore_mem>>) src(%dma_wait3A_46 : memref<128x32xf32, #tpu.memory_space<hbm>>) dst(%dma_wait3A_44 : memref<128x32xf32, #tpu.memory_space<vmem>>)
      tpu.yield
    }) : () -> ()
    "tpu.region"() ({
      %run_scoped3A = tpu.sem_alloc : memref<!tpu.dma_semaphore, #tpu.memory_space<semaphore_mem>>
      %dma_start3A_28 = arith.constant 128 : i32
      %dma_start3A_29 = arith.constant 0 : i32
      %dma_start3A_30 = tpu.memref_slice %arg10[%dma_start3A_28, %dma_start3A_29] : memref<256x32xf32, #tpu.memory_space<vmem>> -> memref<128x32xf32, #tpu.memory_space<vmem>>
      %dma_start3A_31 = arith.constant 0 : i32
      %dma_start3A_32 = tpu.memref_slice %arg5[%mul3A_2, %dma_start3A_31] : memref<4096x32xf32, #tpu.memory_space<hbm>> -> memref<128x32xf32, #tpu.memory_space<hbm>>
      %dma_start3A_33 = arith.constant 128 : i32
      %dma_start3A_34 = arith.constant 0 : i32
      %dma_start3A_35 = tpu.memref_slice %arg10[%dma_start3A_33, %dma_start3A_34] : memref<256x32xf32, #tpu.memory_space<vmem>> -> memref<128x32xf32, #tpu.memory_space<vmem>>
      %dma_start3A_36 = arith.constant 0 : i32
      %dma_start3A_37 = tpu.memref_slice %arg5[%mul3A_2, %dma_start3A_36] : memref<4096x32xf32, #tpu.memory_space<hbm>> -> memref<128x32xf32, #tpu.memory_space<hbm>>
      tpu.enqueue_dma source(%dma_start3A_37 : memref<128x32xf32, #tpu.memory_space<hbm>>) target(%dma_start3A_35 : memref<128x32xf32, #tpu.memory_space<vmem>>) target_semaphore(%run_scoped3A : memref<!tpu.dma_semaphore, #tpu.memory_space<semaphore_mem>>)
      %dma_wait3A = arith.constant 128 : i32
      %dma_wait3A_38 = arith.constant 0 : i32
      %dma_wait3A_39 = tpu.memref_slice %arg10[%dma_wait3A, %dma_wait3A_38] : memref<256x32xf32, #tpu.memory_space<vmem>> -> memref<128x32xf32, #tpu.memory_space<vmem>>
      %dma_wait3A_40 = arith.constant 0 : i32
      %dma_wait3A_41 = tpu.memref_slice %arg5[%mul3A_2, %dma_wait3A_40] : memref<4096x32xf32, #tpu.memory_space<hbm>> -> memref<128x32xf32, #tpu.memory_space<hbm>>
      %dma_wait3A_42 = arith.constant 128 : i32
      %dma_wait3A_43 = arith.constant 0 : i32
      %dma_wait3A_44 = tpu.memref_slice %arg10[%dma_wait3A_42, %dma_wait3A_43] : memref<256x32xf32, #tpu.memory_space<vmem>> -> memref<128x32xf32, #tpu.memory_space<vmem>>
      %dma_wait3A_45 = arith.constant 0 : i32
      %dma_wait3A_46 = tpu.memref_slice %arg5[%mul3A_2, %dma_wait3A_45] : memref<4096x32xf32, #tpu.memory_space<hbm>> -> memref<128x32xf32, #tpu.memory_space<hbm>>
      tpu.wait_dma2 semaphore(%run_scoped3A : memref<!tpu.dma_semaphore, #tpu.memory_space<semaphore_mem>>) src(%dma_wait3A_46 : memref<128x32xf32, #tpu.memory_space<hbm>>) dst(%dma_wait3A_44 : memref<128x32xf32, #tpu.memory_space<vmem>>)
      tpu.yield
    }) : () -> ()
    %dma_start3A = arith.constant 0 : i32
    %dma_start3A_3 = arith.constant 0 : i32
    %dma_start3A_4 = tpu.memref_slice %arg9[%dma_start3A, %dma_start3A_3] : memref<256x32xi32, #tpu.memory_space<vmem>> -> memref<1x32xi32, #tpu.memory_space<vmem>>
    %dma_start3A_5 = tpu.memref_squeeze %dma_start3A_4 : memref<1x32xi32, #tpu.memory_space<vmem>> -> memref<32xi32, #tpu.memory_space<vmem>>
    %dma_start3A_6 = arith.constant 0 : i32
    %dma_start3A_7 = arith.constant 0 : i32
    %dma_start3A_8 = tpu.memref_slice %arg6[%dma_start3A_6, %dma_start3A_7] : memref<49152x272xf32, #tpu.memory_space<hbm>> -> memref<49152x272xf32, #tpu.memory_space<hbm>>
    tpu.enqueue_indirect_dma source(%dma_start3A_8 : memref<49152x272xf32, #tpu.memory_space<hbm>>) target(%arg11 : memref<32x272xf32, #tpu.memory_space<vmem>>) offsets(%dma_start3A_5 : memref<32xi32, #tpu.memory_space<vmem>>) semaphore(%arg16 : memref<!tpu.dma_semaphore, #tpu.memory_space<semaphore_mem>>)
    %dma_start3A_9 = arith.constant 1 : i32
    %dma_start3A_10 = arith.constant 0 : i32
    %dma_start3A_11 = tpu.memref_slice %arg9[%dma_start3A_9, %dma_start3A_10] : memref<256x32xi32, #tpu.memory_space<vmem>> -> memref<1x32xi32, #tpu.memory_space<vmem>>
    %dma_start3A_12 = tpu.memref_squeeze %dma_start3A_11 : memref<1x32xi32, #tpu.memory_space<vmem>> -> memref<32xi32, #tpu.memory_space<vmem>>
    %dma_start3A_13 = arith.constant 0 : i32
    %dma_start3A_14 = arith.constant 0 : i32
    %dma_start3A_15 = tpu.memref_slice %arg6[%dma_start3A_13, %dma_start3A_14] : memref<49152x272xf32, #tpu.memory_space<hbm>> -> memref<49152x272xf32, #tpu.memory_space<hbm>>
    tpu.enqueue_indirect_dma source(%dma_start3A_15 : memref<49152x272xf32, #tpu.memory_space<hbm>>) target(%arg12 : memref<32x272xf32, #tpu.memory_space<vmem>>) offsets(%dma_start3A_12 : memref<32xi32, #tpu.memory_space<vmem>>) semaphore(%arg17 : memref<!tpu.dma_semaphore, #tpu.memory_space<semaphore_mem>>)
    %dma_start3A_16 = arith.constant 2 : i32
    %dma_start3A_17 = arith.constant 0 : i32
    %dma_start3A_18 = tpu.memref_slice %arg9[%dma_start3A_16, %dma_start3A_17] : memref<256x32xi32, #tpu.memory_space<vmem>> -> memref<1x32xi32, #tpu.memory_space<vmem>>
    %dma_start3A_19 = tpu.memref_squeeze %dma_start3A_18 : memref<1x32xi32, #tpu.memory_space<vmem>> -> memref<32xi32, #tpu.memory_space<vmem>>
    %dma_start3A_20 = arith.constant 0 : i32
    %dma_start3A_21 = arith.constant 0 : i32
    %dma_start3A_22 = tpu.memref_slice %arg6[%dma_start3A_20, %dma_start3A_21] : memref<49152x272xf32, #tpu.memory_space<hbm>> -> memref<49152x272xf32, #tpu.memory_space<hbm>>
    tpu.enqueue_indirect_dma source(%dma_start3A_22 : memref<49152x272xf32, #tpu.memory_space<hbm>>) target(%arg13 : memref<32x272xf32, #tpu.memory_space<vmem>>) offsets(%dma_start3A_19 : memref<32xi32, #tpu.memory_space<vmem>>) semaphore(%arg18 : memref<!tpu.dma_semaphore, #tpu.memory_space<semaphore_mem>>)
    %scan3A = arith.constant 0 : i32
    %scan3A_23 = arith.constant 0 : i32
    %scan3A_24 = arith.constant 64 : i32
    %scan3A_25 = arith.addi %scan3A_23, %scan3A_24 : i32
    %scan3A_26 = arith.constant 1 : i32
    scf.for %scan3A_28 = %scan3A_23 to %scan3A_25 step %scan3A_26  : i32 {
      %mul3A_29 = arith.constant 4 : i32
      %mul3A_30 = arith.muli %scan3A_28, %mul3A_29 : i32
      %add3A_31 = arith.constant 0 : i32
      %add3A_32 = arith.addi %mul3A_30, %add3A_31 : i32
      %add3A_33 = arith.constant 4 : i32
      %add3A_34 = arith.addi %add3A_32, %add3A_33 : i32
      %sub3A = arith.constant 1 : i32
      %sub3A_35 = arith.subi %add3A_34, %sub3A : i32
      %lt3A = arith.constant 256 : i32
      %lt3A_36 = arith.cmpi slt, %sub3A_35, %lt3A : i32
      %convert_element_type3A = arith.extui %lt3A_36 : i1 to i32
      %cond3A = arith.constant 0 : i32
      %cond3A_37 = arith.cmpi ne, %convert_element_type3A, %cond3A : i32
      scf.if %cond3A_37 {
        %dma_start3A_460 = arith.constant 0 : i32
        %dma_start3A_461 = tpu.memref_slice %arg9[%sub3A_35, %dma_start3A_460] : memref<256x32xi32, #tpu.memory_space<vmem>> -> memref<1x32xi32, #tpu.memory_space<vmem>>
        %dma_start3A_462 = tpu.memref_squeeze %dma_start3A_461 : memref<1x32xi32, #tpu.memory_space<vmem>> -> memref<32xi32, #tpu.memory_space<vmem>>
        %dma_start3A_463 = arith.constant 0 : i32
        %dma_start3A_464 = arith.constant 0 : i32
        %dma_start3A_465 = tpu.memref_slice %arg6[%dma_start3A_463, %dma_start3A_464] : memref<49152x272xf32, #tpu.memory_space<hbm>> -> memref<49152x272xf32, #tpu.memory_space<hbm>>
        tpu.enqueue_indirect_dma source(%dma_start3A_465 : memref<49152x272xf32, #tpu.memory_space<hbm>>) target(%arg14 : memref<32x272xf32, #tpu.memory_space<vmem>>) offsets(%dma_start3A_462 : memref<32xi32, #tpu.memory_space<vmem>>) semaphore(%arg19 : memref<!tpu.dma_semaphore, #tpu.memory_space<semaphore_mem>>)
      } else {
      }
      %dma_wait3A = arith.constant 0 : i32
      %dma_wait3A_38 = tpu.memref_slice %arg9[%add3A_32, %dma_wait3A] : memref<256x32xi32, #tpu.memory_space<vmem>> -> memref<1x32xi32, #tpu.memory_space<vmem>>
      %dma_wait3A_39 = tpu.memref_squeeze %dma_wait3A_38 : memref<1x32xi32, #tpu.memory_space<vmem>> -> memref<32xi32, #tpu.memory_space<vmem>>
      %dma_wait3A_40 = arith.constant 0 : i32
      %dma_wait3A_41 = arith.constant 0 : i32
      %dma_wait3A_42 = tpu.memref_slice %arg6[%dma_wait3A_40, %dma_wait3A_41] : memref<49152x272xf32, #tpu.memory_space<hbm>> -> memref<49152x272xf32, #tpu.memory_space<hbm>>
      tpu.wait_indirect_dma semaphore(%arg16 : memref<!tpu.dma_semaphore, #tpu.memory_space<semaphore_mem>>) src(%dma_wait3A_42 : memref<49152x272xf32, #tpu.memory_space<hbm>>) dst(%arg11 : memref<32x272xf32, #tpu.memory_space<vmem>>)
      %broadcast_in_dim3A = vector.broadcast %add3A_32 : i32 to vector<16xi32>
      %broadcast_in_dim3A_43 = arith.constant 0.000000e+00 : f32
      %broadcast_in_dim3A_44 = vector.broadcast %broadcast_in_dim3A_43 : f32 to vector<16xf32>
      %broadcast_in_dim3A_45 = arith.constant 0.000000e+00 : f32
      %broadcast_in_dim3A_46 = vector.broadcast %broadcast_in_dim3A_45 : f32 to vector<16xf32>
      %broadcast_in_dim3A_47 = arith.constant 0.000000e+00 : f32
      %broadcast_in_dim3A_48 = vector.broadcast %broadcast_in_dim3A_47 : f32 to vector<16xf32>
      %broadcast_in_dim3A_49 = arith.constant 0.000000e+00 : f32
      %broadcast_in_dim3A_50 = vector.broadcast %broadcast_in_dim3A_49 : f32 to vector<16xf32>
      %broadcast_in_dim3A_51 = arith.constant 0.000000e+00 : f32
      %broadcast_in_dim3A_52 = vector.broadcast %broadcast_in_dim3A_51 : f32 to vector<16xf32>
      %broadcast_in_dim3A_53 = arith.constant 0.000000e+00 : f32
      %broadcast_in_dim3A_54 = vector.broadcast %broadcast_in_dim3A_53 : f32 to vector<16xf32>
      %broadcast_in_dim3A_55 = arith.constant 0.000000e+00 : f32
      %broadcast_in_dim3A_56 = vector.broadcast %broadcast_in_dim3A_55 : f32 to vector<16xf32>
      %broadcast_in_dim3A_57 = arith.constant 0.000000e+00 : f32
      %broadcast_in_dim3A_58 = vector.broadcast %broadcast_in_dim3A_57 : f32 to vector<16xf32>
      %broadcast_in_dim3A_59 = arith.constant 0.000000e+00 : f32
      %broadcast_in_dim3A_60 = vector.broadcast %broadcast_in_dim3A_59 : f32 to vector<16xf32>
      %broadcast_in_dim3A_61 = arith.constant 0.000000e+00 : f32
      %broadcast_in_dim3A_62 = vector.broadcast %broadcast_in_dim3A_61 : f32 to vector<16xf32>
      %broadcast_in_dim3A_63 = arith.constant 0.000000e+00 : f32
      %broadcast_in_dim3A_64 = vector.broadcast %broadcast_in_dim3A_63 : f32 to vector<16xf32>
      %broadcast_in_dim3A_65 = arith.constant 0.000000e+00 : f32
      %broadcast_in_dim3A_66 = vector.broadcast %broadcast_in_dim3A_65 : f32 to vector<16xf32>
      %broadcast_in_dim3A_67 = arith.constant 0.000000e+00 : f32
      %broadcast_in_dim3A_68 = vector.broadcast %broadcast_in_dim3A_67 : f32 to vector<16xf32>
      %broadcast_in_dim3A_69 = arith.constant 0.000000e+00 : f32
      %broadcast_in_dim3A_70 = vector.broadcast %broadcast_in_dim3A_69 : f32 to vector<16xf32>
      %broadcast_in_dim3A_71 = arith.constant 0.000000e+00 : f32
      %broadcast_in_dim3A_72 = vector.broadcast %broadcast_in_dim3A_71 : f32 to vector<16xf32>
      %broadcast_in_dim3A_73 = arith.constant 0.000000e+00 : f32
      %broadcast_in_dim3A_74 = vector.broadcast %broadcast_in_dim3A_73 : f32 to vector<16xf32>
      %broadcast_in_dim3A_75 = arith.constant 0.000000e+00 : f32
      %broadcast_in_dim3A_76 = vector.broadcast %broadcast_in_dim3A_75 : f32 to vector<16xf32>
      %scan3A_77 = arith.constant 0 : i32
      %scan3A_78 = arith.constant 8 : i32
      %scan3A_79 = arith.addi %scan3A_77, %scan3A_78 : i32
      %scan3A_80 = arith.constant 1 : i32
      %scan3A_81:17 = scf.for %scan3A_460 = %scan3A_77 to %scan3A_79 step %scan3A_80 iter_args(%scan3A_461 = %broadcast_in_dim3A_44, %scan3A_462 = %broadcast_in_dim3A_46, %scan3A_463 = %broadcast_in_dim3A_48, %scan3A_464 = %broadcast_in_dim3A_50, %scan3A_465 = %broadcast_in_dim3A_52, %scan3A_466 = %broadcast_in_dim3A_54, %scan3A_467 = %broadcast_in_dim3A_56, %scan3A_468 = %broadcast_in_dim3A_58, %scan3A_469 = %broadcast_in_dim3A_60, %scan3A_470 = %broadcast_in_dim3A_62, %scan3A_471 = %broadcast_in_dim3A_64, %scan3A_472 = %broadcast_in_dim3A_66, %scan3A_473 = %broadcast_in_dim3A_68, %scan3A_474 = %broadcast_in_dim3A_70, %scan3A_475 = %broadcast_in_dim3A_72, %scan3A_476 = %broadcast_in_dim3A_74, %scan3A_477 = %broadcast_in_dim3A_76) -> (vector<16xf32>, vector<16xf32>, vector<16xf32>, vector<16xf32>, vector<16xf32>, vector<16xf32>, vector<16xf32>, vector<16xf32>, vector<16xf32>, vector<16xf32>, vector<16xf32>, vector<16xf32>, vector<16xf32>, vector<16xf32>, vector<16xf32>, vector<16xf32>, vector<16xf32>)  : i32 {
        %mul3A_478 = arith.constant 4 : i32
        %mul3A_479 = arith.muli %scan3A_460, %mul3A_478 : i32
        %add3A_480 = arith.constant 0 : i32
        %add3A_481 = arith.addi %mul3A_479, %add3A_480 : i32
        %broadcast_in_dim3A_482 = vector.broadcast %add3A_481 : i32 to vector<16xi32>
        %gather3A = tpu.vector_load_idx %arg10[%broadcast_in_dim3A, %broadcast_in_dim3A_482] : memref<256x32xf32, #tpu.memory_space<vmem>>[vector<16xi32>, vector<16xi32>], vector<16xf32>,
        %get3A = arith.index_cast %add3A_481 : i32 to index
        %get3A_483 = arith.constant 0 : index
        %get3A_484 = tpu.vector_load %arg11[%get3A, %get3A_483] {strides = array<i32>} : memref<32x272xf32, #tpu.memory_space<vmem>>, vector<16xf32>,
        %mul3A_485 = arith.mulf %get3A_484, %gather3A : vector<16xf32>
        %add3A_486 = arith.addf %scan3A_461, %mul3A_485 : vector<16xf32>
        %get3A_487 = arith.index_cast %add3A_481 : i32 to index
        %get3A_488 = arith.constant 16 : index
        %get3A_489 = tpu.vector_load %arg11[%get3A_487, %get3A_488] {strides = array<i32>} : memref<32x272xf32, #tpu.memory_space<vmem>>, vector<16xf32>,
        %mul3A_490 = arith.mulf %get3A_489, %gather3A : vector<16xf32>
        %add3A_491 = arith.addf %scan3A_462, %mul3A_490 : vector<16xf32>
        %get3A_492 = arith.index_cast %add3A_481 : i32 to index
        %get3A_493 = arith.constant 32 : index
        %get3A_494 = tpu.vector_load %arg11[%get3A_492, %get3A_493] {strides = array<i32>} : memref<32x272xf32, #tpu.memory_space<vmem>>, vector<16xf32>,
        %mul3A_495 = arith.mulf %get3A_494, %gather3A : vector<16xf32>
        %add3A_496 = arith.addf %scan3A_463, %mul3A_495 : vector<16xf32>
        %get3A_497 = arith.index_cast %add3A_481 : i32 to index
        %get3A_498 = arith.constant 48 : index
        %get3A_499 = tpu.vector_load %arg11[%get3A_497, %get3A_498] {strides = array<i32>} : memref<32x272xf32, #tpu.memory_space<vmem>>, vector<16xf32>,
        %mul3A_500 = arith.mulf %get3A_499, %gather3A : vector<16xf32>
        %add3A_501 = arith.addf %scan3A_464, %mul3A_500 : vector<16xf32>
        %get3A_502 = arith.index_cast %add3A_481 : i32 to index
        %get3A_503 = arith.constant 64 : index
        %get3A_504 = tpu.vector_load %arg11[%get3A_502, %get3A_503] {strides = array<i32>} : memref<32x272xf32, #tpu.memory_space<vmem>>, vector<16xf32>,
        %mul3A_505 = arith.mulf %get3A_504, %gather3A : vector<16xf32>
        %add3A_506 = arith.addf %scan3A_465, %mul3A_505 : vector<16xf32>
        %get3A_507 = arith.index_cast %add3A_481 : i32 to index
        %get3A_508 = arith.constant 80 : index
        %get3A_509 = tpu.vector_load %arg11[%get3A_507, %get3A_508] {strides = array<i32>} : memref<32x272xf32, #tpu.memory_space<vmem>>, vector<16xf32>,
        %mul3A_510 = arith.mulf %get3A_509, %gather3A : vector<16xf32>
        %add3A_511 = arith.addf %scan3A_466, %mul3A_510 : vector<16xf32>
        %get3A_512 = arith.index_cast %add3A_481 : i32 to index
        %get3A_513 = arith.constant 96 : index
        %get3A_514 = tpu.vector_load %arg11[%get3A_512, %get3A_513] {strides = array<i32>} : memref<32x272xf32, #tpu.memory_space<vmem>>, vector<16xf32>,
        %mul3A_515 = arith.mulf %get3A_514, %gather3A : vector<16xf32>
        %add3A_516 = arith.addf %scan3A_467, %mul3A_515 : vector<16xf32>
        %get3A_517 = arith.index_cast %add3A_481 : i32 to index
        %get3A_518 = arith.constant 112 : index
        %get3A_519 = tpu.vector_load %arg11[%get3A_517, %get3A_518] {strides = array<i32>} : memref<32x272xf32, #tpu.memory_space<vmem>>, vector<16xf32>,
        %mul3A_520 = arith.mulf %get3A_519, %gather3A : vector<16xf32>
        %add3A_521 = arith.addf %scan3A_468, %mul3A_520 : vector<16xf32>
        %get3A_522 = arith.index_cast %add3A_481 : i32 to index
        %get3A_523 = arith.constant 128 : index
        %get3A_524 = tpu.vector_load %arg11[%get3A_522, %get3A_523] {strides = array<i32>} : memref<32x272xf32, #tpu.memory_space<vmem>>, vector<16xf32>,
        %mul3A_525 = arith.mulf %get3A_524, %gather3A : vector<16xf32>
        %add3A_526 = arith.addf %scan3A_469, %mul3A_525 : vector<16xf32>
        %get3A_527 = arith.index_cast %add3A_481 : i32 to index
        %get3A_528 = arith.constant 144 : index
        %get3A_529 = tpu.vector_load %arg11[%get3A_527, %get3A_528] {strides = array<i32>} : memref<32x272xf32, #tpu.memory_space<vmem>>, vector<16xf32>,
        %mul3A_530 = arith.mulf %get3A_529, %gather3A : vector<16xf32>
        %add3A_531 = arith.addf %scan3A_470, %mul3A_530 : vector<16xf32>
        %get3A_532 = arith.index_cast %add3A_481 : i32 to index
        %get3A_533 = arith.constant 160 : index
        %get3A_534 = tpu.vector_load %arg11[%get3A_532, %get3A_533] {strides = array<i32>} : memref<32x272xf32, #tpu.memory_space<vmem>>, vector<16xf32>,
        %mul3A_535 = arith.mulf %get3A_534, %gather3A : vector<16xf32>
        %add3A_536 = arith.addf %scan3A_471, %mul3A_535 : vector<16xf32>
        %get3A_537 = arith.index_cast %add3A_481 : i32 to index
        %get3A_538 = arith.constant 176 : index
        %get3A_539 = tpu.vector_load %arg11[%get3A_537, %get3A_538] {strides = array<i32>} : memref<32x272xf32, #tpu.memory_space<vmem>>, vector<16xf32>,
        %mul3A_540 = arith.mulf %get3A_539, %gather3A : vector<16xf32>
        %add3A_541 = arith.addf %scan3A_472, %mul3A_540 : vector<16xf32>
        %get3A_542 = arith.index_cast %add3A_481 : i32 to index
        %get3A_543 = arith.constant 192 : index
        %get3A_544 = tpu.vector_load %arg11[%get3A_542, %get3A_543] {strides = array<i32>} : memref<32x272xf32, #tpu.memory_space<vmem>>, vector<16xf32>,
        %mul3A_545 = arith.mulf %get3A_544, %gather3A : vector<16xf32>
        %add3A_546 = arith.addf %scan3A_473, %mul3A_545 : vector<16xf32>
        %get3A_547 = arith.index_cast %add3A_481 : i32 to index
        %get3A_548 = arith.constant 208 : index
        %get3A_549 = tpu.vector_load %arg11[%get3A_547, %get3A_548] {strides = array<i32>} : memref<32x272xf32, #tpu.memory_space<vmem>>, vector<16xf32>,
        %mul3A_550 = arith.mulf %get3A_549, %gather3A : vector<16xf32>
        %add3A_551 = arith.addf %scan3A_474, %mul3A_550 : vector<16xf32>
        %get3A_552 = arith.index_cast %add3A_481 : i32 to index
        %get3A_553 = arith.constant 224 : index
        %get3A_554 = tpu.vector_load %arg11[%get3A_552, %get3A_553] {strides = array<i32>} : memref<32x272xf32, #tpu.memory_space<vmem>>, vector<16xf32>,
        %mul3A_555 = arith.mulf %get3A_554, %gather3A : vector<16xf32>
        %add3A_556 = arith.addf %scan3A_475, %mul3A_555 : vector<16xf32>
        %get3A_557 = arith.index_cast %add3A_481 : i32 to index
        %get3A_558 = arith.constant 240 : index
        %get3A_559 = tpu.vector_load %arg11[%get3A_557, %get3A_558] {strides = array<i32>} : memref<32x272xf32, #tpu.memory_space<vmem>>, vector<16xf32>,
        %mul3A_560 = arith.mulf %get3A_559, %gather3A : vector<16xf32>
        %add3A_561 = arith.addf %scan3A_476, %mul3A_560 : vector<16xf32>
        %get3A_562 = arith.index_cast %add3A_481 : i32 to index
        %get3A_563 = arith.constant 256 : index
        %get3A_564 = tpu.vector_load %arg11[%get3A_562, %get3A_563] {strides = array<i32>} : memref<32x272xf32, #tpu.memory_space<vmem>>, vector<16xf32>,
        %mul3A_565 = arith.mulf %get3A_564, %gather3A : vector<16xf32>
        %add3A_566 = arith.addf %scan3A_477, %mul3A_565 : vector<16xf32>
        %add3A_567 = arith.constant 1 : i32
        %add3A_568 = arith.addi %mul3A_479, %add3A_567 : i32
        %broadcast_in_dim3A_569 = vector.broadcast %add3A_568 : i32 to vector<16xi32>
        %gather3A_570 = tpu.vector_load_idx %arg10[%broadcast_in_dim3A, %broadcast_in_dim3A_569] : memref<256x32xf32, #tpu.memory_space<vmem>>[vector<16xi32>, vector<16xi32>], vector<16xf32>,
        %get3A_571 = arith.index_cast %add3A_568 : i32 to index
        %get3A_572 = arith.constant 0 : index
        %get3A_573 = tpu.vector_load %arg11[%get3A_571, %get3A_572] {strides = array<i32>} : memref<32x272xf32, #tpu.memory_space<vmem>>, vector<16xf32>,
        %mul3A_574 = arith.mulf %get3A_573, %gather3A_570 : vector<16xf32>
        %add3A_575 = arith.addf %add3A_486, %mul3A_574 : vector<16xf32>
        %get3A_576 = arith.index_cast %add3A_568 : i32 to index
        %get3A_577 = arith.constant 16 : index
        %get3A_578 = tpu.vector_load %arg11[%get3A_576, %get3A_577] {strides = array<i32>} : memref<32x272xf32, #tpu.memory_space<vmem>>, vector<16xf32>,
        %mul3A_579 = arith.mulf %get3A_578, %gather3A_570 : vector<16xf32>
        %add3A_580 = arith.addf %add3A_491, %mul3A_579 : vector<16xf32>
        %get3A_581 = arith.index_cast %add3A_568 : i32 to index
        %get3A_582 = arith.constant 32 : index
        %get3A_583 = tpu.vector_load %arg11[%get3A_581, %get3A_582] {strides = array<i32>} : memref<32x272xf32, #tpu.memory_space<vmem>>, vector<16xf32>,
        %mul3A_584 = arith.mulf %get3A_583, %gather3A_570 : vector<16xf32>
        %add3A_585 = arith.addf %add3A_496, %mul3A_584 : vector<16xf32>
        %get3A_586 = arith.index_cast %add3A_568 : i32 to index
        %get3A_587 = arith.constant 48 : index
        %get3A_588 = tpu.vector_load %arg11[%get3A_586, %get3A_587] {strides = array<i32>} : memref<32x272xf32, #tpu.memory_space<vmem>>, vector<16xf32>,
        %mul3A_589 = arith.mulf %get3A_588, %gather3A_570 : vector<16xf32>
        %add3A_590 = arith.addf %add3A_501, %mul3A_589 : vector<16xf32>
        %get3A_591 = arith.index_cast %add3A_568 : i32 to index
        %get3A_592 = arith.constant 64 : index
        %get3A_593 = tpu.vector_load %arg11[%get3A_591, %get3A_592] {strides = array<i32>} : memref<32x272xf32, #tpu.memory_space<vmem>>, vector<16xf32>,
        %mul3A_594 = arith.mulf %get3A_593, %gather3A_570 : vector<16xf32>
        %add3A_595 = arith.addf %add3A_506, %mul3A_594 : vector<16xf32>
        %get3A_596 = arith.index_cast %add3A_568 : i32 to index
        %get3A_597 = arith.constant 80 : index
        %get3A_598 = tpu.vector_load %arg11[%get3A_596, %get3A_597] {strides = array<i32>} : memref<32x272xf32, #tpu.memory_space<vmem>>, vector<16xf32>,
        %mul3A_599 = arith.mulf %get3A_598, %gather3A_570 : vector<16xf32>
        %add3A_600 = arith.addf %add3A_511, %mul3A_599 : vector<16xf32>
        %get3A_601 = arith.index_cast %add3A_568 : i32 to index
        %get3A_602 = arith.constant 96 : index
        %get3A_603 = tpu.vector_load %arg11[%get3A_601, %get3A_602] {strides = array<i32>} : memref<32x272xf32, #tpu.memory_space<vmem>>, vector<16xf32>,
        %mul3A_604 = arith.mulf %get3A_603, %gather3A_570 : vector<16xf32>
        %add3A_605 = arith.addf %add3A_516, %mul3A_604 : vector<16xf32>
        %get3A_606 = arith.index_cast %add3A_568 : i32 to index
        %get3A_607 = arith.constant 112 : index
        %get3A_608 = tpu.vector_load %arg11[%get3A_606, %get3A_607] {strides = array<i32>} : memref<32x272xf32, #tpu.memory_space<vmem>>, vector<16xf32>,
        %mul3A_609 = arith.mulf %get3A_608, %gather3A_570 : vector<16xf32>
        %add3A_610 = arith.addf %add3A_521, %mul3A_609 : vector<16xf32>
        %get3A_611 = arith.index_cast %add3A_568 : i32 to index
        %get3A_612 = arith.constant 128 : index
        %get3A_613 = tpu.vector_load %arg11[%get3A_611, %get3A_612] {strides = array<i32>} : memref<32x272xf32, #tpu.memory_space<vmem>>, vector<16xf32>,
        %mul3A_614 = arith.mulf %get3A_613, %gather3A_570 : vector<16xf32>
        %add3A_615 = arith.addf %add3A_526, %mul3A_614 : vector<16xf32>
        %get3A_616 = arith.index_cast %add3A_568 : i32 to index
        %get3A_617 = arith.constant 144 : index
        %get3A_618 = tpu.vector_load %arg11[%get3A_616, %get3A_617] {strides = array<i32>} : memref<32x272xf32, #tpu.memory_space<vmem>>, vector<16xf32>,
        %mul3A_619 = arith.mulf %get3A_618, %gather3A_570 : vector<16xf32>
        %add3A_620 = arith.addf %add3A_531, %mul3A_619 : vector<16xf32>
        %get3A_621 = arith.index_cast %add3A_568 : i32 to index
        %get3A_622 = arith.constant 160 : index
        %get3A_623 = tpu.vector_load %arg11[%get3A_621, %get3A_622] {strides = array<i32>} : memref<32x272xf32, #tpu.memory_space<vmem>>, vector<16xf32>,
        %mul3A_624 = arith.mulf %get3A_623, %gather3A_570 : vector<16xf32>
        %add3A_625 = arith.addf %add3A_536, %mul3A_624 : vector<16xf32>
        %get3A_626 = arith.index_cast %add3A_568 : i32 to index
        %get3A_627 = arith.constant 176 : index
        %get3A_628 = tpu.vector_load %arg11[%get3A_626, %get3A_627] {strides = array<i32>} : memref<32x272xf32, #tpu.memory_space<vmem>>, vector<16xf32>,
        %mul3A_629 = arith.mulf %get3A_628, %gather3A_570 : vector<16xf32>
        %add3A_630 = arith.addf %add3A_541, %mul3A_629 : vector<16xf32>
        %get3A_631 = arith.index_cast %add3A_568 : i32 to index
        %get3A_632 = arith.constant 192 : index
        %get3A_633 = tpu.vector_load %arg11[%get3A_631, %get3A_632] {strides = array<i32>} : memref<32x272xf32, #tpu.memory_space<vmem>>, vector<16xf32>,
        %mul3A_634 = arith.mulf %get3A_633, %gather3A_570 : vector<16xf32>
        %add3A_635 = arith.addf %add3A_546, %mul3A_634 : vector<16xf32>
        %get3A_636 = arith.index_cast %add3A_568 : i32 to index
        %get3A_637 = arith.constant 208 : index
        %get3A_638 = tpu.vector_load %arg11[%get3A_636, %get3A_637] {strides = array<i32>} : memref<32x272xf32, #tpu.memory_space<vmem>>, vector<16xf32>,
        %mul3A_639 = arith.mulf %get3A_638, %gather3A_570 : vector<16xf32>
        %add3A_640 = arith.addf %add3A_551, %mul3A_639 : vector<16xf32>
        %get3A_641 = arith.index_cast %add3A_568 : i32 to index
        %get3A_642 = arith.constant 224 : index
        %get3A_643 = tpu.vector_load %arg11[%get3A_641, %get3A_642] {strides = array<i32>} : memref<32x272xf32, #tpu.memory_space<vmem>>, vector<16xf32>,
        %mul3A_644 = arith.mulf %get3A_643, %gather3A_570 : vector<16xf32>
        %add3A_645 = arith.addf %add3A_556, %mul3A_644 : vector<16xf32>
        %get3A_646 = arith.index_cast %add3A_568 : i32 to index
        %get3A_647 = arith.constant 240 : index
        %get3A_648 = tpu.vector_load %arg11[%get3A_646, %get3A_647] {strides = array<i32>} : memref<32x272xf32, #tpu.memory_space<vmem>>, vector<16xf32>,
        %mul3A_649 = arith.mulf %get3A_648, %gather3A_570 : vector<16xf32>
        %add3A_650 = arith.addf %add3A_561, %mul3A_649 : vector<16xf32>
        %get3A_651 = arith.index_cast %add3A_568 : i32 to index
        %get3A_652 = arith.constant 256 : index
        %get3A_653 = tpu.vector_load %arg11[%get3A_651, %get3A_652] {strides = array<i32>} : memref<32x272xf32, #tpu.memory_space<vmem>>, vector<16xf32>,
        %mul3A_654 = arith.mulf %get3A_653, %gather3A_570 : vector<16xf32>
        %add3A_655 = arith.addf %add3A_566, %mul3A_654 : vector<16xf32>
        %add3A_656 = arith.constant 2 : i32
        %add3A_657 = arith.addi %mul3A_479, %add3A_656 : i32
        %broadcast_in_dim3A_658 = vector.broadcast %add3A_657 : i32 to vector<16xi32>
        %gather3A_659 = tpu.vector_load_idx %arg10[%broadcast_in_dim3A, %broadcast_in_dim3A_658] : memref<256x32xf32, #tpu.memory_space<vmem>>[vector<16xi32>, vector<16xi32>], vector<16xf32>,
        %get3A_660 = arith.index_cast %add3A_657 : i32 to index
        %get3A_661 = arith.constant 0 : index
        %get3A_662 = tpu.vector_load %arg11[%get3A_660, %get3A_661] {strides = array<i32>} : memref<32x272xf32, #tpu.memory_space<vmem>>, vector<16xf32>,
        %mul3A_663 = arith.mulf %get3A_662, %gather3A_659 : vector<16xf32>
        %add3A_664 = arith.addf %add3A_575, %mul3A_663 : vector<16xf32>
        %get3A_665 = arith.index_cast %add3A_657 : i32 to index
        %get3A_666 = arith.constant 16 : index
        %get3A_667 = tpu.vector_load %arg11[%get3A_665, %get3A_666] {strides = array<i32>} : memref<32x272xf32, #tpu.memory_space<vmem>>, vector<16xf32>,
        %mul3A_668 = arith.mulf %get3A_667, %gather3A_659 : vector<16xf32>
        %add3A_669 = arith.addf %add3A_580, %mul3A_668 : vector<16xf32>
        %get3A_670 = arith.index_cast %add3A_657 : i32 to index
        %get3A_671 = arith.constant 32 : index
        %get3A_672 = tpu.vector_load %arg11[%get3A_670, %get3A_671] {strides = array<i32>} : memref<32x272xf32, #tpu.memory_space<vmem>>, vector<16xf32>,
        %mul3A_673 = arith.mulf %get3A_672, %gather3A_659 : vector<16xf32>
        %add3A_674 = arith.addf %add3A_585, %mul3A_673 : vector<16xf32>
        %get3A_675 = arith.index_cast %add3A_657 : i32 to index
        %get3A_676 = arith.constant 48 : index
        %get3A_677 = tpu.vector_load %arg11[%get3A_675, %get3A_676] {strides = array<i32>} : memref<32x272xf32, #tpu.memory_space<vmem>>, vector<16xf32>,
        %mul3A_678 = arith.mulf %get3A_677, %gather3A_659 : vector<16xf32>
        %add3A_679 = arith.addf %add3A_590, %mul3A_678 : vector<16xf32>
        %get3A_680 = arith.index_cast %add3A_657 : i32 to index
        %get3A_681 = arith.constant 64 : index
        %get3A_682 = tpu.vector_load %arg11[%get3A_680, %get3A_681] {strides = array<i32>} : memref<32x272xf32, #tpu.memory_space<vmem>>, vector<16xf32>,
        %mul3A_683 = arith.mulf %get3A_682, %gather3A_659 : vector<16xf32>
        %add3A_684 = arith.addf %add3A_595, %mul3A_683 : vector<16xf32>
        %get3A_685 = arith.index_cast %add3A_657 : i32 to index
        %get3A_686 = arith.constant 80 : index
        %get3A_687 = tpu.vector_load %arg11[%get3A_685, %get3A_686] {strides = array<i32>} : memref<32x272xf32, #tpu.memory_space<vmem>>, vector<16xf32>,
        %mul3A_688 = arith.mulf %get3A_687, %gather3A_659 : vector<16xf32>
        %add3A_689 = arith.addf %add3A_600, %mul3A_688 : vector<16xf32>
        %get3A_690 = arith.index_cast %add3A_657 : i32 to index
        %get3A_691 = arith.constant 96 : index
        %get3A_692 = tpu.vector_load %arg11[%get3A_690, %get3A_691] {strides = array<i32>} : memref<32x272xf32, #tpu.memory_space<vmem>>, vector<16xf32>,
        %mul3A_693 = arith.mulf %get3A_692, %gather3A_659 : vector<16xf32>
        %add3A_694 = arith.addf %add3A_605, %mul3A_693 : vector<16xf32>
        %get3A_695 = arith.index_cast %add3A_657 : i32 to index
        %get3A_696 = arith.constant 112 : index
        %get3A_697 = tpu.vector_load %arg11[%get3A_695, %get3A_696] {strides = array<i32>} : memref<32x272xf32, #tpu.memory_space<vmem>>, vector<16xf32>,
        %mul3A_698 = arith.mulf %get3A_697, %gather3A_659 : vector<16xf32>
        %add3A_699 = arith.addf %add3A_610, %mul3A_698 : vector<16xf32>
        %get3A_700 = arith.index_cast %add3A_657 : i32 to index
        %get3A_701 = arith.constant 128 : index
        %get3A_702 = tpu.vector_load %arg11[%get3A_700, %get3A_701] {strides = array<i32>} : memref<32x272xf32, #tpu.memory_space<vmem>>, vector<16xf32>,
        %mul3A_703 = arith.mulf %get3A_702, %gather3A_659 : vector<16xf32>
        %add3A_704 = arith.addf %add3A_615, %mul3A_703 : vector<16xf32>
        %get3A_705 = arith.index_cast %add3A_657 : i32 to index
        %get3A_706 = arith.constant 144 : index
        %get3A_707 = tpu.vector_load %arg11[%get3A_705, %get3A_706] {strides = array<i32>} : memref<32x272xf32, #tpu.memory_space<vmem>>, vector<16xf32>,
        %mul3A_708 = arith.mulf %get3A_707, %gather3A_659 : vector<16xf32>
        %add3A_709 = arith.addf %add3A_620, %mul3A_708 : vector<16xf32>
        %get3A_710 = arith.index_cast %add3A_657 : i32 to index
        %get3A_711 = arith.constant 160 : index
        %get3A_712 = tpu.vector_load %arg11[%get3A_710, %get3A_711] {strides = array<i32>} : memref<32x272xf32, #tpu.memory_space<vmem>>, vector<16xf32>,
        %mul3A_713 = arith.mulf %get3A_712, %gather3A_659 : vector<16xf32>
        %add3A_714 = arith.addf %add3A_625, %mul3A_713 : vector<16xf32>
        %get3A_715 = arith.index_cast %add3A_657 : i32 to index
        %get3A_716 = arith.constant 176 : index
        %get3A_717 = tpu.vector_load %arg11[%get3A_715, %get3A_716] {strides = array<i32>} : memref<32x272xf32, #tpu.memory_space<vmem>>, vector<16xf32>,
        %mul3A_718 = arith.mulf %get3A_717, %gather3A_659 : vector<16xf32>
        %add3A_719 = arith.addf %add3A_630, %mul3A_718 : vector<16xf32>
        %get3A_720 = arith.index_cast %add3A_657 : i32 to index
        %get3A_721 = arith.constant 192 : index
        %get3A_722 = tpu.vector_load %arg11[%get3A_720, %get3A_721] {strides = array<i32>} : memref<32x272xf32, #tpu.memory_space<vmem>>, vector<16xf32>,
        %mul3A_723 = arith.mulf %get3A_722, %gather3A_659 : vector<16xf32>
        %add3A_724 = arith.addf %add3A_635, %mul3A_723 : vector<16xf32>
        %get3A_725 = arith.index_cast %add3A_657 : i32 to index
        %get3A_726 = arith.constant 208 : index
        %get3A_727 = tpu.vector_load %arg11[%get3A_725, %get3A_726] {strides = array<i32>} : memref<32x272xf32, #tpu.memory_space<vmem>>, vector<16xf32>,
        %mul3A_728 = arith.mulf %get3A_727, %gather3A_659 : vector<16xf32>
        %add3A_729 = arith.addf %add3A_640, %mul3A_728 : vector<16xf32>
        %get3A_730 = arith.index_cast %add3A_657 : i32 to index
        %get3A_731 = arith.constant 224 : index
        %get3A_732 = tpu.vector_load %arg11[%get3A_730, %get3A_731] {strides = array<i32>} : memref<32x272xf32, #tpu.memory_space<vmem>>, vector<16xf32>,
        %mul3A_733 = arith.mulf %get3A_732, %gather3A_659 : vector<16xf32>
        %add3A_734 = arith.addf %add3A_645, %mul3A_733 : vector<16xf32>
        %get3A_735 = arith.index_cast %add3A_657 : i32 to index
        %get3A_736 = arith.constant 240 : index
        %get3A_737 = tpu.vector_load %arg11[%get3A_735, %get3A_736] {strides = array<i32>} : memref<32x272xf32, #tpu.memory_space<vmem>>, vector<16xf32>,
        %mul3A_738 = arith.mulf %get3A_737, %gather3A_659 : vector<16xf32>
        %add3A_739 = arith.addf %add3A_650, %mul3A_738 : vector<16xf32>
        %get3A_740 = arith.index_cast %add3A_657 : i32 to index
        %get3A_741 = arith.constant 256 : index
        %get3A_742 = tpu.vector_load %arg11[%get3A_740, %get3A_741] {strides = array<i32>} : memref<32x272xf32, #tpu.memory_space<vmem>>, vector<16xf32>,
        %mul3A_743 = arith.mulf %get3A_742, %gather3A_659 : vector<16xf32>
        %add3A_744 = arith.addf %add3A_655, %mul3A_743 : vector<16xf32>
        %add3A_745 = arith.constant 3 : i32
        %add3A_746 = arith.addi %mul3A_479, %add3A_745 : i32
        %broadcast_in_dim3A_747 = vector.broadcast %add3A_746 : i32 to vector<16xi32>
        %gather3A_748 = tpu.vector_load_idx %arg10[%broadcast_in_dim3A, %broadcast_in_dim3A_747] : memref<256x32xf32, #tpu.memory_space<vmem>>[vector<16xi32>, vector<16xi32>], vector<16xf32>,
        %get3A_749 = arith.index_cast %add3A_746 : i32 to index
        %get3A_750 = arith.constant 0 : index
        %get3A_751 = tpu.vector_load %arg11[%get3A_749, %get3A_750] {strides = array<i32>} : memref<32x272xf32, #tpu.memory_space<vmem>>, vector<16xf32>,
        %mul3A_752 = arith.mulf %get3A_751, %gather3A_748 : vector<16xf32>
        %add3A_753 = arith.addf %add3A_664, %mul3A_752 : vector<16xf32>
        %get3A_754 = arith.index_cast %add3A_746 : i32 to index
        %get3A_755 = arith.constant 16 : index
        %get3A_756 = tpu.vector_load %arg11[%get3A_754, %get3A_755] {strides = array<i32>} : memref<32x272xf32, #tpu.memory_space<vmem>>, vector<16xf32>,
        %mul3A_757 = arith.mulf %get3A_756, %gather3A_748 : vector<16xf32>
        %add3A_758 = arith.addf %add3A_669, %mul3A_757 : vector<16xf32>
        %get3A_759 = arith.index_cast %add3A_746 : i32 to index
        %get3A_760 = arith.constant 32 : index
        %get3A_761 = tpu.vector_load %arg11[%get3A_759, %get3A_760] {strides = array<i32>} : memref<32x272xf32, #tpu.memory_space<vmem>>, vector<16xf32>,
        %mul3A_762 = arith.mulf %get3A_761, %gather3A_748 : vector<16xf32>
        %add3A_763 = arith.addf %add3A_674, %mul3A_762 : vector<16xf32>
        %get3A_764 = arith.index_cast %add3A_746 : i32 to index
        %get3A_765 = arith.constant 48 : index
        %get3A_766 = tpu.vector_load %arg11[%get3A_764, %get3A_765] {strides = array<i32>} : memref<32x272xf32, #tpu.memory_space<vmem>>, vector<16xf32>,
        %mul3A_767 = arith.mulf %get3A_766, %gather3A_748 : vector<16xf32>
        %add3A_768 = arith.addf %add3A_679, %mul3A_767 : vector<16xf32>
        %get3A_769 = arith.index_cast %add3A_746 : i32 to index
        %get3A_770 = arith.constant 64 : index
        %get3A_771 = tpu.vector_load %arg11[%get3A_769, %get3A_770] {strides = array<i32>} : memref<32x272xf32, #tpu.memory_space<vmem>>, vector<16xf32>,
        %mul3A_772 = arith.mulf %get3A_771, %gather3A_748 : vector<16xf32>
        %add3A_773 = arith.addf %add3A_684, %mul3A_772 : vector<16xf32>
        %get3A_774 = arith.index_cast %add3A_746 : i32 to index
        %get3A_775 = arith.constant 80 : index
        %get3A_776 = tpu.vector_load %arg11[%get3A_774, %get3A_775] {strides = array<i32>} : memref<32x272xf32, #tpu.memory_space<vmem>>, vector<16xf32>,
        %mul3A_777 = arith.mulf %get3A_776, %gather3A_748 : vector<16xf32>
        %add3A_778 = arith.addf %add3A_689, %mul3A_777 : vector<16xf32>
        %get3A_779 = arith.index_cast %add3A_746 : i32 to index
        %get3A_780 = arith.constant 96 : index
        %get3A_781 = tpu.vector_load %arg11[%get3A_779, %get3A_780] {strides = array<i32>} : memref<32x272xf32, #tpu.memory_space<vmem>>, vector<16xf32>,
        %mul3A_782 = arith.mulf %get3A_781, %gather3A_748 : vector<16xf32>
        %add3A_783 = arith.addf %add3A_694, %mul3A_782 : vector<16xf32>
        %get3A_784 = arith.index_cast %add3A_746 : i32 to index
        %get3A_785 = arith.constant 112 : index
        %get3A_786 = tpu.vector_load %arg11[%get3A_784, %get3A_785] {strides = array<i32>} : memref<32x272xf32, #tpu.memory_space<vmem>>, vector<16xf32>,
        %mul3A_787 = arith.mulf %get3A_786, %gather3A_748 : vector<16xf32>
        %add3A_788 = arith.addf %add3A_699, %mul3A_787 : vector<16xf32>
        %get3A_789 = arith.index_cast %add3A_746 : i32 to index
        %get3A_790 = arith.constant 128 : index
        %get3A_791 = tpu.vector_load %arg11[%get3A_789, %get3A_790] {strides = array<i32>} : memref<32x272xf32, #tpu.memory_space<vmem>>, vector<16xf32>,
        %mul3A_792 = arith.mulf %get3A_791, %gather3A_748 : vector<16xf32>
        %add3A_793 = arith.addf %add3A_704, %mul3A_792 : vector<16xf32>
        %get3A_794 = arith.index_cast %add3A_746 : i32 to index
        %get3A_795 = arith.constant 144 : index
        %get3A_796 = tpu.vector_load %arg11[%get3A_794, %get3A_795] {strides = array<i32>} : memref<32x272xf32, #tpu.memory_space<vmem>>, vector<16xf32>,
        %mul3A_797 = arith.mulf %get3A_796, %gather3A_748 : vector<16xf32>
        %add3A_798 = arith.addf %add3A_709, %mul3A_797 : vector<16xf32>
        %get3A_799 = arith.index_cast %add3A_746 : i32 to index
        %get3A_800 = arith.constant 160 : index
        %get3A_801 = tpu.vector_load %arg11[%get3A_799, %get3A_800] {strides = array<i32>} : memref<32x272xf32, #tpu.memory_space<vmem>>, vector<16xf32>,
        %mul3A_802 = arith.mulf %get3A_801, %gather3A_748 : vector<16xf32>
        %add3A_803 = arith.addf %add3A_714, %mul3A_802 : vector<16xf32>
        %get3A_804 = arith.index_cast %add3A_746 : i32 to index
        %get3A_805 = arith.constant 176 : index
        %get3A_806 = tpu.vector_load %arg11[%get3A_804, %get3A_805] {strides = array<i32>} : memref<32x272xf32, #tpu.memory_space<vmem>>, vector<16xf32>,
        %mul3A_807 = arith.mulf %get3A_806, %gather3A_748 : vector<16xf32>
        %add3A_808 = arith.addf %add3A_719, %mul3A_807 : vector<16xf32>
        %get3A_809 = arith.index_cast %add3A_746 : i32 to index
        %get3A_810 = arith.constant 192 : index
        %get3A_811 = tpu.vector_load %arg11[%get3A_809, %get3A_810] {strides = array<i32>} : memref<32x272xf32, #tpu.memory_space<vmem>>, vector<16xf32>,
        %mul3A_812 = arith.mulf %get3A_811, %gather3A_748 : vector<16xf32>
        %add3A_813 = arith.addf %add3A_724, %mul3A_812 : vector<16xf32>
        %get3A_814 = arith.index_cast %add3A_746 : i32 to index
        %get3A_815 = arith.constant 208 : index
        %get3A_816 = tpu.vector_load %arg11[%get3A_814, %get3A_815] {strides = array<i32>} : memref<32x272xf32, #tpu.memory_space<vmem>>, vector<16xf32>,
        %mul3A_817 = arith.mulf %get3A_816, %gather3A_748 : vector<16xf32>
        %add3A_818 = arith.addf %add3A_729, %mul3A_817 : vector<16xf32>
        %get3A_819 = arith.index_cast %add3A_746 : i32 to index
        %get3A_820 = arith.constant 224 : index
        %get3A_821 = tpu.vector_load %arg11[%get3A_819, %get3A_820] {strides = array<i32>} : memref<32x272xf32, #tpu.memory_space<vmem>>, vector<16xf32>,
        %mul3A_822 = arith.mulf %get3A_821, %gather3A_748 : vector<16xf32>
        %add3A_823 = arith.addf %add3A_734, %mul3A_822 : vector<16xf32>
        %get3A_824 = arith.index_cast %add3A_746 : i32 to index
        %get3A_825 = arith.constant 240 : index
        %get3A_826 = tpu.vector_load %arg11[%get3A_824, %get3A_825] {strides = array<i32>} : memref<32x272xf32, #tpu.memory_space<vmem>>, vector<16xf32>,
        %mul3A_827 = arith.mulf %get3A_826, %gather3A_748 : vector<16xf32>
        %add3A_828 = arith.addf %add3A_739, %mul3A_827 : vector<16xf32>
        %get3A_829 = arith.index_cast %add3A_746 : i32 to index
        %get3A_830 = arith.constant 256 : index
        %get3A_831 = tpu.vector_load %arg11[%get3A_829, %get3A_830] {strides = array<i32>} : memref<32x272xf32, #tpu.memory_space<vmem>>, vector<16xf32>,
        %mul3A_832 = arith.mulf %get3A_831, %gather3A_748 : vector<16xf32>
        %add3A_833 = arith.addf %add3A_744, %mul3A_832 : vector<16xf32>
        scf.yield %add3A_753, %add3A_758, %add3A_763, %add3A_768, %add3A_773, %add3A_778, %add3A_783, %add3A_788, %add3A_793, %add3A_798, %add3A_803, %add3A_808, %add3A_813, %add3A_818, %add3A_823, %add3A_828, %add3A_833 : vector<16xf32>, vector<16xf32>, vector<16xf32>, vector<16xf32>, vector<16xf32>, vector<16xf32>, vector<16xf32>, vector<16xf32>, vector<16xf32>, vector<16xf32>, vector<16xf32>, vector<16xf32>, vector<16xf32>, vector<16xf32>, vector<16xf32>, vector<16xf32>, vector<16xf32>
      }
      %scan3A_82 = arith.constant 8 : i32
      %swap3A = arith.index_cast %add3A_32 : i32 to index
      %swap3A_83 = arith.constant 0 : index
      %swap3A_84 = tpu.vector_load %arg15[%swap3A, %swap3A_83] {strides = array<i32>} : memref<256x272xf32, #tpu.memory_space<vmem>>, vector<16xf32>,
      tpu.vector_store %arg15[%swap3A, %swap3A_83], %scan3A_81#0 {strides = array<i32>} : memref<256x272xf32, #tpu.memory_space<vmem>>, vector<16xf32>,
      %swap3A_85 = arith.index_cast %add3A_32 : i32 to index
      %swap3A_86 = arith.constant 16 : index
      %swap3A_87 = tpu.vector_load %arg15[%swap3A_85, %swap3A_86] {strides = array<i32>} : memref<256x272xf32, #tpu.memory_space<vmem>>, vector<16xf32>,
      tpu.vector_store %arg15[%swap3A_85, %swap3A_86], %scan3A_81#1 {strides = array<i32>} : memref<256x272xf32, #tpu.memory_space<vmem>>, vector<16xf32>,
      %swap3A_88 = arith.index_cast %add3A_32 : i32 to index
      %swap3A_89 = arith.constant 32 : index
      %swap3A_90 = tpu.vector_load %arg15[%swap3A_88, %swap3A_89] {strides = array<i32>} : memref<256x272xf32, #tpu.memory_space<vmem>>, vector<16xf32>,
      tpu.vector_store %arg15[%swap3A_88, %swap3A_89], %scan3A_81#2 {strides = array<i32>} : memref<256x272xf32, #tpu.memory_space<vmem>>, vector<16xf32>,
      %swap3A_91 = arith.index_cast %add3A_32 : i32 to index
      %swap3A_92 = arith.constant 48 : index
      %swap3A_93 = tpu.vector_load %arg15[%swap3A_91, %swap3A_92] {strides = array<i32>} : memref<256x272xf32, #tpu.memory_space<vmem>>, vector<16xf32>,
      tpu.vector_store %arg15[%swap3A_91, %swap3A_92], %scan3A_81#3 {strides = array<i32>} : memref<256x272xf32, #tpu.memory_space<vmem>>, vector<16xf32>,
      %swap3A_94 = arith.index_cast %add3A_32 : i32 to index
      %swap3A_95 = arith.constant 64 : index
      %swap3A_96 = tpu.vector_load %arg15[%swap3A_94, %swap3A_95] {strides = array<i32>} : memref<256x272xf32, #tpu.memory_space<vmem>>, vector<16xf32>,
      tpu.vector_store %arg15[%swap3A_94, %swap3A_95], %scan3A_81#4 {strides = array<i32>} : memref<256x272xf32, #tpu.memory_space<vmem>>, vector<16xf32>,
      %swap3A_97 = arith.index_cast %add3A_32 : i32 to index
      %swap3A_98 = arith.constant 80 : index
      %swap3A_99 = tpu.vector_load %arg15[%swap3A_97, %swap3A_98] {strides = array<i32>} : memref<256x272xf32, #tpu.memory_space<vmem>>, vector<16xf32>,
      tpu.vector_store %arg15[%swap3A_97, %swap3A_98], %scan3A_81#5 {strides = array<i32>} : memref<256x272xf32, #tpu.memory_space<vmem>>, vector<16xf32>,
      %swap3A_100 = arith.index_cast %add3A_32 : i32 to index
      %swap3A_101 = arith.constant 96 : index
      %swap3A_102 = tpu.vector_load %arg15[%swap3A_100, %swap3A_101] {strides = array<i32>} : memref<256x272xf32, #tpu.memory_space<vmem>>, vector<16xf32>,
      tpu.vector_store %arg15[%swap3A_100, %swap3A_101], %scan3A_81#6 {strides = array<i32>} : memref<256x272xf32, #tpu.memory_space<vmem>>, vector<16xf32>,
      %swap3A_103 = arith.index_cast %add3A_32 : i32 to index
      %swap3A_104 = arith.constant 112 : index
      %swap3A_105 = tpu.vector_load %arg15[%swap3A_103, %swap3A_104] {strides = array<i32>} : memref<256x272xf32, #tpu.memory_space<vmem>>, vector<16xf32>,
      tpu.vector_store %arg15[%swap3A_103, %swap3A_104], %scan3A_81#7 {strides = array<i32>} : memref<256x272xf32, #tpu.memory_space<vmem>>, vector<16xf32>,
      %swap3A_106 = arith.index_cast %add3A_32 : i32 to index
      %swap3A_107 = arith.constant 128 : index
      %swap3A_108 = tpu.vector_load %arg15[%swap3A_106, %swap3A_107] {strides = array<i32>} : memref<256x272xf32, #tpu.memory_space<vmem>>, vector<16xf32>,
      tpu.vector_store %arg15[%swap3A_106, %swap3A_107], %scan3A_81#8 {strides = array<i32>} : memref<256x272xf32, #tpu.memory_space<vmem>>, vector<16xf32>,
      %swap3A_109 = arith.index_cast %add3A_32 : i32 to index
      %swap3A_110 = arith.constant 144 : index
      %swap3A_111 = tpu.vector_load %arg15[%swap3A_109, %swap3A_110] {strides = array<i32>} : memref<256x272xf32, #tpu.memory_space<vmem>>, vector<16xf32>,
      tpu.vector_store %arg15[%swap3A_109, %swap3A_110], %scan3A_81#9 {strides = array<i32>} : memref<256x272xf32, #tpu.memory_space<vmem>>, vector<16xf32>,
      %swap3A_112 = arith.index_cast %add3A_32 : i32 to index
      %swap3A_113 = arith.constant 160 : index
      %swap3A_114 = tpu.vector_load %arg15[%swap3A_112, %swap3A_113] {strides = array<i32>} : memref<256x272xf32, #tpu.memory_space<vmem>>, vector<16xf32>,
      tpu.vector_store %arg15[%swap3A_112, %swap3A_113], %scan3A_81#10 {strides = array<i32>} : memref<256x272xf32, #tpu.memory_space<vmem>>, vector<16xf32>,
      %swap3A_115 = arith.index_cast %add3A_32 : i32 to index
      %swap3A_116 = arith.constant 176 : index
      %swap3A_117 = tpu.vector_load %arg15[%swap3A_115, %swap3A_116] {strides = array<i32>} : memref<256x272xf32, #tpu.memory_space<vmem>>, vector<16xf32>,
      tpu.vector_store %arg15[%swap3A_115, %swap3A_116], %scan3A_81#11 {strides = array<i32>} : memref<256x272xf32, #tpu.memory_space<vmem>>, vector<16xf32>,
      %swap3A_118 = arith.index_cast %add3A_32 : i32 to index
      %swap3A_119 = arith.constant 192 : index
      %swap3A_120 = tpu.vector_load %arg15[%swap3A_118, %swap3A_119] {strides = array<i32>} : memref<256x272xf32, #tpu.memory_space<vmem>>, vector<16xf32>,
      tpu.vector_store %arg15[%swap3A_118, %swap3A_119], %scan3A_81#12 {strides = array<i32>} : memref<256x272xf32, #tpu.memory_space<vmem>>, vector<16xf32>,
      %swap3A_121 = arith.index_cast %add3A_32 : i32 to index
      %swap3A_122 = arith.constant 208 : index
      %swap3A_123 = tpu.vector_load %arg15[%swap3A_121, %swap3A_122] {strides = array<i32>} : memref<256x272xf32, #tpu.memory_space<vmem>>, vector<16xf32>,
      tpu.vector_store %arg15[%swap3A_121, %swap3A_122], %scan3A_81#13 {strides = array<i32>} : memref<256x272xf32, #tpu.memory_space<vmem>>, vector<16xf32>,
      %swap3A_124 = arith.index_cast %add3A_32 : i32 to index
      %swap3A_125 = arith.constant 224 : index
      %swap3A_126 = tpu.vector_load %arg15[%swap3A_124, %swap3A_125] {strides = array<i32>} : memref<256x272xf32, #tpu.memory_space<vmem>>, vector<16xf32>,
      tpu.vector_store %arg15[%swap3A_124, %swap3A_125], %scan3A_81#14 {strides = array<i32>} : memref<256x272xf32, #tpu.memory_space<vmem>>, vector<16xf32>,
      %swap3A_127 = arith.index_cast %add3A_32 : i32 to index
      %swap3A_128 = arith.constant 240 : index
      %swap3A_129 = tpu.vector_load %arg15[%swap3A_127, %swap3A_128] {strides = array<i32>} : memref<256x272xf32, #tpu.memory_space<vmem>>, vector<16xf32>,
      tpu.vector_store %arg15[%swap3A_127, %swap3A_128], %scan3A_81#15 {strides = array<i32>} : memref<256x272xf32, #tpu.memory_space<vmem>>, vector<16xf32>,
      %swap3A_130 = arith.index_cast %add3A_32 : i32 to index
      %swap3A_131 = arith.constant 256 : index
      %swap3A_132 = tpu.vector_load %arg15[%swap3A_130, %swap3A_131] {strides = array<i32>} : memref<256x272xf32, #tpu.memory_space<vmem>>, vector<16xf32>,
      tpu.vector_store %arg15[%swap3A_130, %swap3A_131], %scan3A_81#16 {strides = array<i32>} : memref<256x272xf32, #tpu.memory_space<vmem>>, vector<16xf32>,
      %add3A_133 = arith.constant 1 : i32
      %add3A_134 = arith.addi %mul3A_30, %add3A_133 : i32
      %add3A_135 = arith.constant 4 : i32
      %add3A_136 = arith.addi %add3A_134, %add3A_135 : i32
      %sub3A_137 = arith.constant 1 : i32
      %sub3A_138 = arith.subi %add3A_136, %sub3A_137 : i32
      %lt3A_139 = arith.constant 256 : i32
      %lt3A_140 = arith.cmpi slt, %sub3A_138, %lt3A_139 : i32
      %convert_element_type3A_141 = arith.extui %lt3A_140 : i1 to i32
      %cond3A_142 = arith.constant 0 : i32
      %cond3A_143 = arith.cmpi ne, %convert_element_type3A_141, %cond3A_142 : i32
      scf.if %cond3A_143 {
        %dma_start3A_460 = arith.constant 0 : i32
        %dma_start3A_461 = tpu.memref_slice %arg9[%sub3A_138, %dma_start3A_460] : memref<256x32xi32, #tpu.memory_space<vmem>> -> memref<1x32xi32, #tpu.memory_space<vmem>>
        %dma_start3A_462 = tpu.memref_squeeze %dma_start3A_461 : memref<1x32xi32, #tpu.memory_space<vmem>> -> memref<32xi32, #tpu.memory_space<vmem>>
        %dma_start3A_463 = arith.constant 0 : i32
        %dma_start3A_464 = arith.constant 0 : i32
        %dma_start3A_465 = tpu.memref_slice %arg6[%dma_start3A_463, %dma_start3A_464] : memref<49152x272xf32, #tpu.memory_space<hbm>> -> memref<49152x272xf32, #tpu.memory_space<hbm>>
        tpu.enqueue_indirect_dma source(%dma_start3A_465 : memref<49152x272xf32, #tpu.memory_space<hbm>>) target(%arg11 : memref<32x272xf32, #tpu.memory_space<vmem>>) offsets(%dma_start3A_462 : memref<32xi32, #tpu.memory_space<vmem>>) semaphore(%arg16 : memref<!tpu.dma_semaphore, #tpu.memory_space<semaphore_mem>>)
      } else {
      }
      %dma_wait3A_144 = arith.constant 0 : i32
      %dma_wait3A_145 = tpu.memref_slice %arg9[%add3A_134, %dma_wait3A_144] : memref<256x32xi32, #tpu.memory_space<vmem>> -> memref<1x32xi32, #tpu.memory_space<vmem>>
      %dma_wait3A_146 = tpu.memref_squeeze %dma_wait3A_145 : memref<1x32xi32, #tpu.memory_space<vmem>> -> memref<32xi32, #tpu.memory_space<vmem>>
      %dma_wait3A_147 = arith.constant 0 : i32
      %dma_wait3A_148 = arith.constant 0 : i32
      %dma_wait3A_149 = tpu.memref_slice %arg6[%dma_wait3A_147, %dma_wait3A_148] : memref<49152x272xf32, #tpu.memory_space<hbm>> -> memref<49152x272xf32, #tpu.memory_space<hbm>>
      tpu.wait_indirect_dma semaphore(%arg17 : memref<!tpu.dma_semaphore, #tpu.memory_space<semaphore_mem>>) src(%dma_wait3A_149 : memref<49152x272xf32, #tpu.memory_space<hbm>>) dst(%arg12 : memref<32x272xf32, #tpu.memory_space<vmem>>)
      %broadcast_in_dim3A_150 = vector.broadcast %add3A_134 : i32 to vector<16xi32>
      %broadcast_in_dim3A_151 = arith.constant 0.000000e+00 : f32
      %broadcast_in_dim3A_152 = vector.broadcast %broadcast_in_dim3A_151 : f32 to vector<16xf32>
      %broadcast_in_dim3A_153 = arith.constant 0.000000e+00 : f32
      %broadcast_in_dim3A_154 = vector.broadcast %broadcast_in_dim3A_153 : f32 to vector<16xf32>
      %broadcast_in_dim3A_155 = arith.constant 0.000000e+00 : f32
      %broadcast_in_dim3A_156 = vector.broadcast %broadcast_in_dim3A_155 : f32 to vector<16xf32>
      %broadcast_in_dim3A_157 = arith.constant 0.000000e+00 : f32
      %broadcast_in_dim3A_158 = vector.broadcast %broadcast_in_dim3A_157 : f32 to vector<16xf32>
      %broadcast_in_dim3A_159 = arith.constant 0.000000e+00 : f32
      %broadcast_in_dim3A_160 = vector.broadcast %broadcast_in_dim3A_159 : f32 to vector<16xf32>
      %broadcast_in_dim3A_161 = arith.constant 0.000000e+00 : f32
      %broadcast_in_dim3A_162 = vector.broadcast %broadcast_in_dim3A_161 : f32 to vector<16xf32>
      %broadcast_in_dim3A_163 = arith.constant 0.000000e+00 : f32
      %broadcast_in_dim3A_164 = vector.broadcast %broadcast_in_dim3A_163 : f32 to vector<16xf32>
      %broadcast_in_dim3A_165 = arith.constant 0.000000e+00 : f32
      %broadcast_in_dim3A_166 = vector.broadcast %broadcast_in_dim3A_165 : f32 to vector<16xf32>
      %broadcast_in_dim3A_167 = arith.constant 0.000000e+00 : f32
      %broadcast_in_dim3A_168 = vector.broadcast %broadcast_in_dim3A_167 : f32 to vector<16xf32>
      %broadcast_in_dim3A_169 = arith.constant 0.000000e+00 : f32
      %broadcast_in_dim3A_170 = vector.broadcast %broadcast_in_dim3A_169 : f32 to vector<16xf32>
      %broadcast_in_dim3A_171 = arith.constant 0.000000e+00 : f32
      %broadcast_in_dim3A_172 = vector.broadcast %broadcast_in_dim3A_171 : f32 to vector<16xf32>
      %broadcast_in_dim3A_173 = arith.constant 0.000000e+00 : f32
      %broadcast_in_dim3A_174 = vector.broadcast %broadcast_in_dim3A_173 : f32 to vector<16xf32>
      %broadcast_in_dim3A_175 = arith.constant 0.000000e+00 : f32
      %broadcast_in_dim3A_176 = vector.broadcast %broadcast_in_dim3A_175 : f32 to vector<16xf32>
      %broadcast_in_dim3A_177 = arith.constant 0.000000e+00 : f32
      %broadcast_in_dim3A_178 = vector.broadcast %broadcast_in_dim3A_177 : f32 to vector<16xf32>
      %broadcast_in_dim3A_179 = arith.constant 0.000000e+00 : f32
      %broadcast_in_dim3A_180 = vector.broadcast %broadcast_in_dim3A_179 : f32 to vector<16xf32>
      %broadcast_in_dim3A_181 = arith.constant 0.000000e+00 : f32
      %broadcast_in_dim3A_182 = vector.broadcast %broadcast_in_dim3A_181 : f32 to vector<16xf32>
      %broadcast_in_dim3A_183 = arith.constant 0.000000e+00 : f32
      %broadcast_in_dim3A_184 = vector.broadcast %broadcast_in_dim3A_183 : f32 to vector<16xf32>
      %scan3A_185 = arith.constant 0 : i32
      %scan3A_186 = arith.constant 8 : i32
      %scan3A_187 = arith.addi %scan3A_185, %scan3A_186 : i32
      %scan3A_188 = arith.constant 1 : i32
      %scan3A_189:17 = scf.for %scan3A_460 = %scan3A_185 to %scan3A_187 step %scan3A_188 iter_args(%scan3A_461 = %broadcast_in_dim3A_152, %scan3A_462 = %broadcast_in_dim3A_154, %scan3A_463 = %broadcast_in_dim3A_156, %scan3A_464 = %broadcast_in_dim3A_158, %scan3A_465 = %broadcast_in_dim3A_160, %scan3A_466 = %broadcast_in_dim3A_162, %scan3A_467 = %broadcast_in_dim3A_164, %scan3A_468 = %broadcast_in_dim3A_166, %scan3A_469 = %broadcast_in_dim3A_168, %scan3A_470 = %broadcast_in_dim3A_170, %scan3A_471 = %broadcast_in_dim3A_172, %scan3A_472 = %broadcast_in_dim3A_174, %scan3A_473 = %broadcast_in_dim3A_176, %scan3A_474 = %broadcast_in_dim3A_178, %scan3A_475 = %broadcast_in_dim3A_180, %scan3A_476 = %broadcast_in_dim3A_182, %scan3A_477 = %broadcast_in_dim3A_184) -> (vector<16xf32>, vector<16xf32>, vector<16xf32>, vector<16xf32>, vector<16xf32>, vector<16xf32>, vector<16xf32>, vector<16xf32>, vector<16xf32>, vector<16xf32>, vector<16xf32>, vector<16xf32>, vector<16xf32>, vector<16xf32>, vector<16xf32>, vector<16xf32>, vector<16xf32>)  : i32 {
        %mul3A_478 = arith.constant 4 : i32
        %mul3A_479 = arith.muli %scan3A_460, %mul3A_478 : i32
        %add3A_480 = arith.constant 0 : i32
        %add3A_481 = arith.addi %mul3A_479, %add3A_480 : i32
        %broadcast_in_dim3A_482 = vector.broadcast %add3A_481 : i32 to vector<16xi32>
        %gather3A = tpu.vector_load_idx %arg10[%broadcast_in_dim3A_150, %broadcast_in_dim3A_482] : memref<256x32xf32, #tpu.memory_space<vmem>>[vector<16xi32>, vector<16xi32>], vector<16xf32>,
        %get3A = arith.index_cast %add3A_481 : i32 to index
        %get3A_483 = arith.constant 0 : index
        %get3A_484 = tpu.vector_load %arg12[%get3A, %get3A_483] {strides = array<i32>} : memref<32x272xf32, #tpu.memory_space<vmem>>, vector<16xf32>,
        %mul3A_485 = arith.mulf %get3A_484, %gather3A : vector<16xf32>
        %add3A_486 = arith.addf %scan3A_461, %mul3A_485 : vector<16xf32>
        %get3A_487 = arith.index_cast %add3A_481 : i32 to index
        %get3A_488 = arith.constant 16 : index
        %get3A_489 = tpu.vector_load %arg12[%get3A_487, %get3A_488] {strides = array<i32>} : memref<32x272xf32, #tpu.memory_space<vmem>>, vector<16xf32>,
        %mul3A_490 = arith.mulf %get3A_489, %gather3A : vector<16xf32>
        %add3A_491 = arith.addf %scan3A_462, %mul3A_490 : vector<16xf32>
        %get3A_492 = arith.index_cast %add3A_481 : i32 to index
        %get3A_493 = arith.constant 32 : index
        %get3A_494 = tpu.vector_load %arg12[%get3A_492, %get3A_493] {strides = array<i32>} : memref<32x272xf32, #tpu.memory_space<vmem>>, vector<16xf32>,
        %mul3A_495 = arith.mulf %get3A_494, %gather3A : vector<16xf32>
        %add3A_496 = arith.addf %scan3A_463, %mul3A_495 : vector<16xf32>
        %get3A_497 = arith.index_cast %add3A_481 : i32 to index
        %get3A_498 = arith.constant 48 : index
        %get3A_499 = tpu.vector_load %arg12[%get3A_497, %get3A_498] {strides = array<i32>} : memref<32x272xf32, #tpu.memory_space<vmem>>, vector<16xf32>,
        %mul3A_500 = arith.mulf %get3A_499, %gather3A : vector<16xf32>
        %add3A_501 = arith.addf %scan3A_464, %mul3A_500 : vector<16xf32>
        %get3A_502 = arith.index_cast %add3A_481 : i32 to index
        %get3A_503 = arith.constant 64 : index
        %get3A_504 = tpu.vector_load %arg12[%get3A_502, %get3A_503] {strides = array<i32>} : memref<32x272xf32, #tpu.memory_space<vmem>>, vector<16xf32>,
        %mul3A_505 = arith.mulf %get3A_504, %gather3A : vector<16xf32>
        %add3A_506 = arith.addf %scan3A_465, %mul3A_505 : vector<16xf32>
        %get3A_507 = arith.index_cast %add3A_481 : i32 to index
        %get3A_508 = arith.constant 80 : index
        %get3A_509 = tpu.vector_load %arg12[%get3A_507, %get3A_508] {strides = array<i32>} : memref<32x272xf32, #tpu.memory_space<vmem>>, vector<16xf32>,
        %mul3A_510 = arith.mulf %get3A_509, %gather3A : vector<16xf32>
        %add3A_511 = arith.addf %scan3A_466, %mul3A_510 : vector<16xf32>
        %get3A_512 = arith.index_cast %add3A_481 : i32 to index
        %get3A_513 = arith.constant 96 : index
        %get3A_514 = tpu.vector_load %arg12[%get3A_512, %get3A_513] {strides = array<i32>} : memref<32x272xf32, #tpu.memory_space<vmem>>, vector<16xf32>,
        %mul3A_515 = arith.mulf %get3A_514, %gather3A : vector<16xf32>
        %add3A_516 = arith.addf %scan3A_467, %mul3A_515 : vector<16xf32>
        %get3A_517 = arith.index_cast %add3A_481 : i32 to index
        %get3A_518 = arith.constant 112 : index
        %get3A_519 = tpu.vector_load %arg12[%get3A_517, %get3A_518] {strides = array<i32>} : memref<32x272xf32, #tpu.memory_space<vmem>>, vector<16xf32>,
        %mul3A_520 = arith.mulf %get3A_519, %gather3A : vector<16xf32>
        %add3A_521 = arith.addf %scan3A_468, %mul3A_520 : vector<16xf32>
        %get3A_522 = arith.index_cast %add3A_481 : i32 to index
        %get3A_523 = arith.constant 128 : index
        %get3A_524 = tpu.vector_load %arg12[%get3A_522, %get3A_523] {strides = array<i32>} : memref<32x272xf32, #tpu.memory_space<vmem>>, vector<16xf32>,
        %mul3A_525 = arith.mulf %get3A_524, %gather3A : vector<16xf32>
        %add3A_526 = arith.addf %scan3A_469, %mul3A_525 : vector<16xf32>
        %get3A_527 = arith.index_cast %add3A_481 : i32 to index
        %get3A_528 = arith.constant 144 : index
        %get3A_529 = tpu.vector_load %arg12[%get3A_527, %get3A_528] {strides = array<i32>} : memref<32x272xf32, #tpu.memory_space<vmem>>, vector<16xf32>,
        %mul3A_530 = arith.mulf %get3A_529, %gather3A : vector<16xf32>
        %add3A_531 = arith.addf %scan3A_470, %mul3A_530 : vector<16xf32>
        %get3A_532 = arith.index_cast %add3A_481 : i32 to index
        %get3A_533 = arith.constant 160 : index
        %get3A_534 = tpu.vector_load %arg12[%get3A_532, %get3A_533] {strides = array<i32>} : memref<32x272xf32, #tpu.memory_space<vmem>>, vector<16xf32>,
        %mul3A_535 = arith.mulf %get3A_534, %gather3A : vector<16xf32>
        %add3A_536 = arith.addf %scan3A_471, %mul3A_535 : vector<16xf32>
        %get3A_537 = arith.index_cast %add3A_481 : i32 to index
        %get3A_538 = arith.constant 176 : index
        %get3A_539 = tpu.vector_load %arg12[%get3A_537, %get3A_538] {strides = array<i32>} : memref<32x272xf32, #tpu.memory_space<vmem>>, vector<16xf32>,
        %mul3A_540 = arith.mulf %get3A_539, %gather3A : vector<16xf32>
        %add3A_541 = arith.addf %scan3A_472, %mul3A_540 : vector<16xf32>
        %get3A_542 = arith.index_cast %add3A_481 : i32 to index
        %get3A_543 = arith.constant 192 : index
        %get3A_544 = tpu.vector_load %arg12[%get3A_542, %get3A_543] {strides = array<i32>} : memref<32x272xf32, #tpu.memory_space<vmem>>, vector<16xf32>,
        %mul3A_545 = arith.mulf %get3A_544, %gather3A : vector<16xf32>
        %add3A_546 = arith.addf %scan3A_473, %mul3A_545 : vector<16xf32>
        %get3A_547 = arith.index_cast %add3A_481 : i32 to index
        %get3A_548 = arith.constant 208 : index
        %get3A_549 = tpu.vector_load %arg12[%get3A_547, %get3A_548] {strides = array<i32>} : memref<32x272xf32, #tpu.memory_space<vmem>>, vector<16xf32>,
        %mul3A_550 = arith.mulf %get3A_549, %gather3A : vector<16xf32>
        %add3A_551 = arith.addf %scan3A_474, %mul3A_550 : vector<16xf32>
        %get3A_552 = arith.index_cast %add3A_481 : i32 to index
        %get3A_553 = arith.constant 224 : index
        %get3A_554 = tpu.vector_load %arg12[%get3A_552, %get3A_553] {strides = array<i32>} : memref<32x272xf32, #tpu.memory_space<vmem>>, vector<16xf32>,
        %mul3A_555 = arith.mulf %get3A_554, %gather3A : vector<16xf32>
        %add3A_556 = arith.addf %scan3A_475, %mul3A_555 : vector<16xf32>
        %get3A_557 = arith.index_cast %add3A_481 : i32 to index
        %get3A_558 = arith.constant 240 : index
        %get3A_559 = tpu.vector_load %arg12[%get3A_557, %get3A_558] {strides = array<i32>} : memref<32x272xf32, #tpu.memory_space<vmem>>, vector<16xf32>,
        %mul3A_560 = arith.mulf %get3A_559, %gather3A : vector<16xf32>
        %add3A_561 = arith.addf %scan3A_476, %mul3A_560 : vector<16xf32>
        %get3A_562 = arith.index_cast %add3A_481 : i32 to index
        %get3A_563 = arith.constant 256 : index
        %get3A_564 = tpu.vector_load %arg12[%get3A_562, %get3A_563] {strides = array<i32>} : memref<32x272xf32, #tpu.memory_space<vmem>>, vector<16xf32>,
        %mul3A_565 = arith.mulf %get3A_564, %gather3A : vector<16xf32>
        %add3A_566 = arith.addf %scan3A_477, %mul3A_565 : vector<16xf32>
        %add3A_567 = arith.constant 1 : i32
        %add3A_568 = arith.addi %mul3A_479, %add3A_567 : i32
        %broadcast_in_dim3A_569 = vector.broadcast %add3A_568 : i32 to vector<16xi32>
        %gather3A_570 = tpu.vector_load_idx %arg10[%broadcast_in_dim3A_150, %broadcast_in_dim3A_569] : memref<256x32xf32, #tpu.memory_space<vmem>>[vector<16xi32>, vector<16xi32>], vector<16xf32>,
        %get3A_571 = arith.index_cast %add3A_568 : i32 to index
        %get3A_572 = arith.constant 0 : index
        %get3A_573 = tpu.vector_load %arg12[%get3A_571, %get3A_572] {strides = array<i32>} : memref<32x272xf32, #tpu.memory_space<vmem>>, vector<16xf32>,
        %mul3A_574 = arith.mulf %get3A_573, %gather3A_570 : vector<16xf32>
        %add3A_575 = arith.addf %add3A_486, %mul3A_574 : vector<16xf32>
        %get3A_576 = arith.index_cast %add3A_568 : i32 to index
        %get3A_577 = arith.constant 16 : index
        %get3A_578 = tpu.vector_load %arg12[%get3A_576, %get3A_577] {strides = array<i32>} : memref<32x272xf32, #tpu.memory_space<vmem>>, vector<16xf32>,
        %mul3A_579 = arith.mulf %get3A_578, %gather3A_570 : vector<16xf32>
        %add3A_580 = arith.addf %add3A_491, %mul3A_579 : vector<16xf32>
        %get3A_581 = arith.index_cast %add3A_568 : i32 to index
        %get3A_582 = arith.constant 32 : index
        %get3A_583 = tpu.vector_load %arg12[%get3A_581, %get3A_582] {strides = array<i32>} : memref<32x272xf32, #tpu.memory_space<vmem>>, vector<16xf32>,
        %mul3A_584 = arith.mulf %get3A_583, %gather3A_570 : vector<16xf32>
        %add3A_585 = arith.addf %add3A_496, %mul3A_584 : vector<16xf32>
        %get3A_586 = arith.index_cast %add3A_568 : i32 to index
        %get3A_587 = arith.constant 48 : index
        %get3A_588 = tpu.vector_load %arg12[%get3A_586, %get3A_587] {strides = array<i32>} : memref<32x272xf32, #tpu.memory_space<vmem>>, vector<16xf32>,
        %mul3A_589 = arith.mulf %get3A_588, %gather3A_570 : vector<16xf32>
        %add3A_590 = arith.addf %add3A_501, %mul3A_589 : vector<16xf32>
        %get3A_591 = arith.index_cast %add3A_568 : i32 to index
        %get3A_592 = arith.constant 64 : index
        %get3A_593 = tpu.vector_load %arg12[%get3A_591, %get3A_592] {strides = array<i32>} : memref<32x272xf32, #tpu.memory_space<vmem>>, vector<16xf32>,
        %mul3A_594 = arith.mulf %get3A_593, %gather3A_570 : vector<16xf32>
        %add3A_595 = arith.addf %add3A_506, %mul3A_594 : vector<16xf32>
        %get3A_596 = arith.index_cast %add3A_568 : i32 to index
        %get3A_597 = arith.constant 80 : index
        %get3A_598 = tpu.vector_load %arg12[%get3A_596, %get3A_597] {strides = array<i32>} : memref<32x272xf32, #tpu.memory_space<vmem>>, vector<16xf32>,
        %mul3A_599 = arith.mulf %get3A_598, %gather3A_570 : vector<16xf32>
        %add3A_600 = arith.addf %add3A_511, %mul3A_599 : vector<16xf32>
        %get3A_601 = arith.index_cast %add3A_568 : i32 to index
        %get3A_602 = arith.constant 96 : index
        %get3A_603 = tpu.vector_load %arg12[%get3A_601, %get3A_602] {strides = array<i32>} : memref<32x272xf32, #tpu.memory_space<vmem>>, vector<16xf32>,
        %mul3A_604 = arith.mulf %get3A_603, %gather3A_570 : vector<16xf32>
        %add3A_605 = arith.addf %add3A_516, %mul3A_604 : vector<16xf32>
        %get3A_606 = arith.index_cast %add3A_568 : i32 to index
        %get3A_607 = arith.constant 112 : index
        %get3A_608 = tpu.vector_load %arg12[%get3A_606, %get3A_607] {strides = array<i32>} : memref<32x272xf32, #tpu.memory_space<vmem>>, vector<16xf32>,
        %mul3A_609 = arith.mulf %get3A_608, %gather3A_570 : vector<16xf32>
        %add3A_610 = arith.addf %add3A_521, %mul3A_609 : vector<16xf32>
        %get3A_611 = arith.index_cast %add3A_568 : i32 to index
        %get3A_612 = arith.constant 128 : index
        %get3A_613 = tpu.vector_load %arg12[%get3A_611, %get3A_612] {strides = array<i32>} : memref<32x272xf32, #tpu.memory_space<vmem>>, vector<16xf32>,
        %mul3A_614 = arith.mulf %get3A_613, %gather3A_570 : vector<16xf32>
        %add3A_615 = arith.addf %add3A_526, %mul3A_614 : vector<16xf32>
        %get3A_616 = arith.index_cast %add3A_568 : i32 to index
        %get3A_617 = arith.constant 144 : index
        %get3A_618 = tpu.vector_load %arg12[%get3A_616, %get3A_617] {strides = array<i32>} : memref<32x272xf32, #tpu.memory_space<vmem>>, vector<16xf32>,
        %mul3A_619 = arith.mulf %get3A_618, %gather3A_570 : vector<16xf32>
        %add3A_620 = arith.addf %add3A_531, %mul3A_619 : vector<16xf32>
        %get3A_621 = arith.index_cast %add3A_568 : i32 to index
        %get3A_622 = arith.constant 160 : index
        %get3A_623 = tpu.vector_load %arg12[%get3A_621, %get3A_622] {strides = array<i32>} : memref<32x272xf32, #tpu.memory_space<vmem>>, vector<16xf32>,
        %mul3A_624 = arith.mulf %get3A_623, %gather3A_570 : vector<16xf32>
        %add3A_625 = arith.addf %add3A_536, %mul3A_624 : vector<16xf32>
        %get3A_626 = arith.index_cast %add3A_568 : i32 to index
        %get3A_627 = arith.constant 176 : index
        %get3A_628 = tpu.vector_load %arg12[%get3A_626, %get3A_627] {strides = array<i32>} : memref<32x272xf32, #tpu.memory_space<vmem>>, vector<16xf32>,
        %mul3A_629 = arith.mulf %get3A_628, %gather3A_570 : vector<16xf32>
        %add3A_630 = arith.addf %add3A_541, %mul3A_629 : vector<16xf32>
        %get3A_631 = arith.index_cast %add3A_568 : i32 to index
        %get3A_632 = arith.constant 192 : index
        %get3A_633 = tpu.vector_load %arg12[%get3A_631, %get3A_632] {strides = array<i32>} : memref<32x272xf32, #tpu.memory_space<vmem>>, vector<16xf32>,
        %mul3A_634 = arith.mulf %get3A_633, %gather3A_570 : vector<16xf32>
        %add3A_635 = arith.addf %add3A_546, %mul3A_634 : vector<16xf32>
        %get3A_636 = arith.index_cast %add3A_568 : i32 to index
        %get3A_637 = arith.constant 208 : index
        %get3A_638 = tpu.vector_load %arg12[%get3A_636, %get3A_637] {strides = array<i32>} : memref<32x272xf32, #tpu.memory_space<vmem>>, vector<16xf32>,
        %mul3A_639 = arith.mulf %get3A_638, %gather3A_570 : vector<16xf32>
        %add3A_640 = arith.addf %add3A_551, %mul3A_639 : vector<16xf32>
        %get3A_641 = arith.index_cast %add3A_568 : i32 to index
        %get3A_642 = arith.constant 224 : index
        %get3A_643 = tpu.vector_load %arg12[%get3A_641, %get3A_642] {strides = array<i32>} : memref<32x272xf32, #tpu.memory_space<vmem>>, vector<16xf32>,
        %mul3A_644 = arith.mulf %get3A_643, %gather3A_570 : vector<16xf32>
        %add3A_645 = arith.addf %add3A_556, %mul3A_644 : vector<16xf32>
        %get3A_646 = arith.index_cast %add3A_568 : i32 to index
        %get3A_647 = arith.constant 240 : index
        %get3A_648 = tpu.vector_load %arg12[%get3A_646, %get3A_647] {strides = array<i32>} : memref<32x272xf32, #tpu.memory_space<vmem>>, vector<16xf32>,
        %mul3A_649 = arith.mulf %get3A_648, %gather3A_570 : vector<16xf32>
        %add3A_650 = arith.addf %add3A_561, %mul3A_649 : vector<16xf32>
        %get3A_651 = arith.index_cast %add3A_568 : i32 to index
        %get3A_652 = arith.constant 256 : index
        %get3A_653 = tpu.vector_load %arg12[%get3A_651, %get3A_652] {strides = array<i32>} : memref<32x272xf32, #tpu.memory_space<vmem>>, vector<16xf32>,
        %mul3A_654 = arith.mulf %get3A_653, %gather3A_570 : vector<16xf32>
        %add3A_655 = arith.addf %add3A_566, %mul3A_654 : vector<16xf32>
        %add3A_656 = arith.constant 2 : i32
        %add3A_657 = arith.addi %mul3A_479, %add3A_656 : i32
        %broadcast_in_dim3A_658 = vector.broadcast %add3A_657 : i32 to vector<16xi32>
        %gather3A_659 = tpu.vector_load_idx %arg10[%broadcast_in_dim3A_150, %broadcast_in_dim3A_658] : memref<256x32xf32, #tpu.memory_space<vmem>>[vector<16xi32>, vector<16xi32>], vector<16xf32>,
        %get3A_660 = arith.index_cast %add3A_657 : i32 to index
        %get3A_661 = arith.constant 0 : index
        %get3A_662 = tpu.vector_load %arg12[%get3A_660, %get3A_661] {strides = array<i32>} : memref<32x272xf32, #tpu.memory_space<vmem>>, vector<16xf32>,
        %mul3A_663 = arith.mulf %get3A_662, %gather3A_659 : vector<16xf32>
        %add3A_664 = arith.addf %add3A_575, %mul3A_663 : vector<16xf32>
        %get3A_665 = arith.index_cast %add3A_657 : i32 to index
        %get3A_666 = arith.constant 16 : index
        %get3A_667 = tpu.vector_load %arg12[%get3A_665, %get3A_666] {strides = array<i32>} : memref<32x272xf32, #tpu.memory_space<vmem>>, vector<16xf32>,
        %mul3A_668 = arith.mulf %get3A_667, %gather3A_659 : vector<16xf32>
        %add3A_669 = arith.addf %add3A_580, %mul3A_668 : vector<16xf32>
        %get3A_670 = arith.index_cast %add3A_657 : i32 to index
        %get3A_671 = arith.constant 32 : index
        %get3A_672 = tpu.vector_load %arg12[%get3A_670, %get3A_671] {strides = array<i32>} : memref<32x272xf32, #tpu.memory_space<vmem>>, vector<16xf32>,
        %mul3A_673 = arith.mulf %get3A_672, %gather3A_659 : vector<16xf32>
        %add3A_674 = arith.addf %add3A_585, %mul3A_673 : vector<16xf32>
        %get3A_675 = arith.index_cast %add3A_657 : i32 to index
        %get3A_676 = arith.constant 48 : index
        %get3A_677 = tpu.vector_load %arg12[%get3A_675, %get3A_676] {strides = array<i32>} : memref<32x272xf32, #tpu.memory_space<vmem>>, vector<16xf32>,
        %mul3A_678 = arith.mulf %get3A_677, %gather3A_659 : vector<16xf32>
        %add3A_679 = arith.addf %add3A_590, %mul3A_678 : vector<16xf32>
        %get3A_680 = arith.index_cast %add3A_657 : i32 to index
        %get3A_681 = arith.constant 64 : index
        %get3A_682 = tpu.vector_load %arg12[%get3A_680, %get3A_681] {strides = array<i32>} : memref<32x272xf32, #tpu.memory_space<vmem>>, vector<16xf32>,
        %mul3A_683 = arith.mulf %get3A_682, %gather3A_659 : vector<16xf32>
        %add3A_684 = arith.addf %add3A_595, %mul3A_683 : vector<16xf32>
        %get3A_685 = arith.index_cast %add3A_657 : i32 to index
        %get3A_686 = arith.constant 80 : index
        %get3A_687 = tpu.vector_load %arg12[%get3A_685, %get3A_686] {strides = array<i32>} : memref<32x272xf32, #tpu.memory_space<vmem>>, vector<16xf32>,
        %mul3A_688 = arith.mulf %get3A_687, %gather3A_659 : vector<16xf32>
        %add3A_689 = arith.addf %add3A_600, %mul3A_688 : vector<16xf32>
        %get3A_690 = arith.index_cast %add3A_657 : i32 to index
        %get3A_691 = arith.constant 96 : index
        %get3A_692 = tpu.vector_load %arg12[%get3A_690, %get3A_691] {strides = array<i32>} : memref<32x272xf32, #tpu.memory_space<vmem>>, vector<16xf32>,
        %mul3A_693 = arith.mulf %get3A_692, %gather3A_659 : vector<16xf32>
        %add3A_694 = arith.addf %add3A_605, %mul3A_693 : vector<16xf32>
        %get3A_695 = arith.index_cast %add3A_657 : i32 to index
        %get3A_696 = arith.constant 112 : index
        %get3A_697 = tpu.vector_load %arg12[%get3A_695, %get3A_696] {strides = array<i32>} : memref<32x272xf32, #tpu.memory_space<vmem>>, vector<16xf32>,
        %mul3A_698 = arith.mulf %get3A_697, %gather3A_659 : vector<16xf32>
        %add3A_699 = arith.addf %add3A_610, %mul3A_698 : vector<16xf32>
        %get3A_700 = arith.index_cast %add3A_657 : i32 to index
        %get3A_701 = arith.constant 128 : index
        %get3A_702 = tpu.vector_load %arg12[%get3A_700, %get3A_701] {strides = array<i32>} : memref<32x272xf32, #tpu.memory_space<vmem>>, vector<16xf32>,
        %mul3A_703 = arith.mulf %get3A_702, %gather3A_659 : vector<16xf32>
        %add3A_704 = arith.addf %add3A_615, %mul3A_703 : vector<16xf32>
        %get3A_705 = arith.index_cast %add3A_657 : i32 to index
        %get3A_706 = arith.constant 144 : index
        %get3A_707 = tpu.vector_load %arg12[%get3A_705, %get3A_706] {strides = array<i32>} : memref<32x272xf32, #tpu.memory_space<vmem>>, vector<16xf32>,
        %mul3A_708 = arith.mulf %get3A_707, %gather3A_659 : vector<16xf32>
        %add3A_709 = arith.addf %add3A_620, %mul3A_708 : vector<16xf32>
        %get3A_710 = arith.index_cast %add3A_657 : i32 to index
        %get3A_711 = arith.constant 160 : index
        %get3A_712 = tpu.vector_load %arg12[%get3A_710, %get3A_711] {strides = array<i32>} : memref<32x272xf32, #tpu.memory_space<vmem>>, vector<16xf32>,
        %mul3A_713 = arith.mulf %get3A_712, %gather3A_659 : vector<16xf32>
        %add3A_714 = arith.addf %add3A_625, %mul3A_713 : vector<16xf32>
        %get3A_715 = arith.index_cast %add3A_657 : i32 to index
        %get3A_716 = arith.constant 176 : index
        %get3A_717 = tpu.vector_load %arg12[%get3A_715, %get3A_716] {strides = array<i32>} : memref<32x272xf32, #tpu.memory_space<vmem>>, vector<16xf32>,
        %mul3A_718 = arith.mulf %get3A_717, %gather3A_659 : vector<16xf32>
        %add3A_719 = arith.addf %add3A_630, %mul3A_718 : vector<16xf32>
        %get3A_720 = arith.index_cast %add3A_657 : i32 to index
        %get3A_721 = arith.constant 192 : index
        %get3A_722 = tpu.vector_load %arg12[%get3A_720, %get3A_721] {strides = array<i32>} : memref<32x272xf32, #tpu.memory_space<vmem>>, vector<16xf32>,
        %mul3A_723 = arith.mulf %get3A_722, %gather3A_659 : vector<16xf32>
        %add3A_724 = arith.addf %add3A_635, %mul3A_723 : vector<16xf32>
        %get3A_725 = arith.index_cast %add3A_657 : i32 to index
        %get3A_726 = arith.constant 208 : index
        %get3A_727 = tpu.vector_load %arg12[%get3A_725, %get3A_726] {strides = array<i32>} : memref<32x272xf32, #tpu.memory_space<vmem>>, vector<16xf32>,
        %mul3A_728 = arith.mulf %get3A_727, %gather3A_659 : vector<16xf32>
        %add3A_729 = arith.addf %add3A_640, %mul3A_728 : vector<16xf32>
        %get3A_730 = arith.index_cast %add3A_657 : i32 to index
        %get3A_731 = arith.constant 224 : index
        %get3A_732 = tpu.vector_load %arg12[%get3A_730, %get3A_731] {strides = array<i32>} : memref<32x272xf32, #tpu.memory_space<vmem>>, vector<16xf32>,
        %mul3A_733 = arith.mulf %get3A_732, %gather3A_659 : vector<16xf32>
        %add3A_734 = arith.addf %add3A_645, %mul3A_733 : vector<16xf32>
        %get3A_735 = arith.index_cast %add3A_657 : i32 to index
        %get3A_736 = arith.constant 240 : index
        %get3A_737 = tpu.vector_load %arg12[%get3A_735, %get3A_736] {strides = array<i32>} : memref<32x272xf32, #tpu.memory_space<vmem>>, vector<16xf32>,
        %mul3A_738 = arith.mulf %get3A_737, %gather3A_659 : vector<16xf32>
        %add3A_739 = arith.addf %add3A_650, %mul3A_738 : vector<16xf32>
        %get3A_740 = arith.index_cast %add3A_657 : i32 to index
        %get3A_741 = arith.constant 256 : index
        %get3A_742 = tpu.vector_load %arg12[%get3A_740, %get3A_741] {strides = array<i32>} : memref<32x272xf32, #tpu.memory_space<vmem>>, vector<16xf32>,
        %mul3A_743 = arith.mulf %get3A_742, %gather3A_659 : vector<16xf32>
        %add3A_744 = arith.addf %add3A_655, %mul3A_743 : vector<16xf32>
        %add3A_745 = arith.constant 3 : i32
        %add3A_746 = arith.addi %mul3A_479, %add3A_745 : i32
        %broadcast_in_dim3A_747 = vector.broadcast %add3A_746 : i32 to vector<16xi32>
        %gather3A_748 = tpu.vector_load_idx %arg10[%broadcast_in_dim3A_150, %broadcast_in_dim3A_747] : memref<256x32xf32, #tpu.memory_space<vmem>>[vector<16xi32>, vector<16xi32>], vector<16xf32>,
        %get3A_749 = arith.index_cast %add3A_746 : i32 to index
        %get3A_750 = arith.constant 0 : index
        %get3A_751 = tpu.vector_load %arg12[%get3A_749, %get3A_750] {strides = array<i32>} : memref<32x272xf32, #tpu.memory_space<vmem>>, vector<16xf32>,
        %mul3A_752 = arith.mulf %get3A_751, %gather3A_748 : vector<16xf32>
        %add3A_753 = arith.addf %add3A_664, %mul3A_752 : vector<16xf32>
        %get3A_754 = arith.index_cast %add3A_746 : i32 to index
        %get3A_755 = arith.constant 16 : index
        %get3A_756 = tpu.vector_load %arg12[%get3A_754, %get3A_755] {strides = array<i32>} : memref<32x272xf32, #tpu.memory_space<vmem>>, vector<16xf32>,
        %mul3A_757 = arith.mulf %get3A_756, %gather3A_748 : vector<16xf32>
        %add3A_758 = arith.addf %add3A_669, %mul3A_757 : vector<16xf32>
        %get3A_759 = arith.index_cast %add3A_746 : i32 to index
        %get3A_760 = arith.constant 32 : index
        %get3A_761 = tpu.vector_load %arg12[%get3A_759, %get3A_760] {strides = array<i32>} : memref<32x272xf32, #tpu.memory_space<vmem>>, vector<16xf32>,
        %mul3A_762 = arith.mulf %get3A_761, %gather3A_748 : vector<16xf32>
        %add3A_763 = arith.addf %add3A_674, %mul3A_762 : vector<16xf32>
        %get3A_764 = arith.index_cast %add3A_746 : i32 to index
        %get3A_765 = arith.constant 48 : index
        %get3A_766 = tpu.vector_load %arg12[%get3A_764, %get3A_765] {strides = array<i32>} : memref<32x272xf32, #tpu.memory_space<vmem>>, vector<16xf32>,
        %mul3A_767 = arith.mulf %get3A_766, %gather3A_748 : vector<16xf32>
        %add3A_768 = arith.addf %add3A_679, %mul3A_767 : vector<16xf32>
        %get3A_769 = arith.index_cast %add3A_746 : i32 to index
        %get3A_770 = arith.constant 64 : index
        %get3A_771 = tpu.vector_load %arg12[%get3A_769, %get3A_770] {strides = array<i32>} : memref<32x272xf32, #tpu.memory_space<vmem>>, vector<16xf32>,
        %mul3A_772 = arith.mulf %get3A_771, %gather3A_748 : vector<16xf32>
        %add3A_773 = arith.addf %add3A_684, %mul3A_772 : vector<16xf32>
        %get3A_774 = arith.index_cast %add3A_746 : i32 to index
        %get3A_775 = arith.constant 80 : index
        %get3A_776 = tpu.vector_load %arg12[%get3A_774, %get3A_775] {strides = array<i32>} : memref<32x272xf32, #tpu.memory_space<vmem>>, vector<16xf32>,
        %mul3A_777 = arith.mulf %get3A_776, %gather3A_748 : vector<16xf32>
        %add3A_778 = arith.addf %add3A_689, %mul3A_777 : vector<16xf32>
        %get3A_779 = arith.index_cast %add3A_746 : i32 to index
        %get3A_780 = arith.constant 96 : index
        %get3A_781 = tpu.vector_load %arg12[%get3A_779, %get3A_780] {strides = array<i32>} : memref<32x272xf32, #tpu.memory_space<vmem>>, vector<16xf32>,
        %mul3A_782 = arith.mulf %get3A_781, %gather3A_748 : vector<16xf32>
        %add3A_783 = arith.addf %add3A_694, %mul3A_782 : vector<16xf32>
        %get3A_784 = arith.index_cast %add3A_746 : i32 to index
        %get3A_785 = arith.constant 112 : index
        %get3A_786 = tpu.vector_load %arg12[%get3A_784, %get3A_785] {strides = array<i32>} : memref<32x272xf32, #tpu.memory_space<vmem>>, vector<16xf32>,
        %mul3A_787 = arith.mulf %get3A_786, %gather3A_748 : vector<16xf32>
        %add3A_788 = arith.addf %add3A_699, %mul3A_787 : vector<16xf32>
        %get3A_789 = arith.index_cast %add3A_746 : i32 to index
        %get3A_790 = arith.constant 128 : index
        %get3A_791 = tpu.vector_load %arg12[%get3A_789, %get3A_790] {strides = array<i32>} : memref<32x272xf32, #tpu.memory_space<vmem>>, vector<16xf32>,
        %mul3A_792 = arith.mulf %get3A_791, %gather3A_748 : vector<16xf32>
        %add3A_793 = arith.addf %add3A_704, %mul3A_792 : vector<16xf32>
        %get3A_794 = arith.index_cast %add3A_746 : i32 to index
        %get3A_795 = arith.constant 144 : index
        %get3A_796 = tpu.vector_load %arg12[%get3A_794, %get3A_795] {strides = array<i32>} : memref<32x272xf32, #tpu.memory_space<vmem>>, vector<16xf32>,
        %mul3A_797 = arith.mulf %get3A_796, %gather3A_748 : vector<16xf32>
        %add3A_798 = arith.addf %add3A_709, %mul3A_797 : vector<16xf32>
        %get3A_799 = arith.index_cast %add3A_746 : i32 to index
        %get3A_800 = arith.constant 160 : index
        %get3A_801 = tpu.vector_load %arg12[%get3A_799, %get3A_800] {strides = array<i32>} : memref<32x272xf32, #tpu.memory_space<vmem>>, vector<16xf32>,
        %mul3A_802 = arith.mulf %get3A_801, %gather3A_748 : vector<16xf32>
        %add3A_803 = arith.addf %add3A_714, %mul3A_802 : vector<16xf32>
        %get3A_804 = arith.index_cast %add3A_746 : i32 to index
        %get3A_805 = arith.constant 176 : index
        %get3A_806 = tpu.vector_load %arg12[%get3A_804, %get3A_805] {strides = array<i32>} : memref<32x272xf32, #tpu.memory_space<vmem>>, vector<16xf32>,
        %mul3A_807 = arith.mulf %get3A_806, %gather3A_748 : vector<16xf32>
        %add3A_808 = arith.addf %add3A_719, %mul3A_807 : vector<16xf32>
        %get3A_809 = arith.index_cast %add3A_746 : i32 to index
        %get3A_810 = arith.constant 192 : index
        %get3A_811 = tpu.vector_load %arg12[%get3A_809, %get3A_810] {strides = array<i32>} : memref<32x272xf32, #tpu.memory_space<vmem>>, vector<16xf32>,
        %mul3A_812 = arith.mulf %get3A_811, %gather3A_748 : vector<16xf32>
        %add3A_813 = arith.addf %add3A_724, %mul3A_812 : vector<16xf32>
        %get3A_814 = arith.index_cast %add3A_746 : i32 to index
        %get3A_815 = arith.constant 208 : index
        %get3A_816 = tpu.vector_load %arg12[%get3A_814, %get3A_815] {strides = array<i32>} : memref<32x272xf32, #tpu.memory_space<vmem>>, vector<16xf32>,
        %mul3A_817 = arith.mulf %get3A_816, %gather3A_748 : vector<16xf32>
        %add3A_818 = arith.addf %add3A_729, %mul3A_817 : vector<16xf32>
        %get3A_819 = arith.index_cast %add3A_746 : i32 to index
        %get3A_820 = arith.constant 224 : index
        %get3A_821 = tpu.vector_load %arg12[%get3A_819, %get3A_820] {strides = array<i32>} : memref<32x272xf32, #tpu.memory_space<vmem>>, vector<16xf32>,
        %mul3A_822 = arith.mulf %get3A_821, %gather3A_748 : vector<16xf32>
        %add3A_823 = arith.addf %add3A_734, %mul3A_822 : vector<16xf32>
        %get3A_824 = arith.index_cast %add3A_746 : i32 to index
        %get3A_825 = arith.constant 240 : index
        %get3A_826 = tpu.vector_load %arg12[%get3A_824, %get3A_825] {strides = array<i32>} : memref<32x272xf32, #tpu.memory_space<vmem>>, vector<16xf32>,
        %mul3A_827 = arith.mulf %get3A_826, %gather3A_748 : vector<16xf32>
        %add3A_828 = arith.addf %add3A_739, %mul3A_827 : vector<16xf32>
        %get3A_829 = arith.index_cast %add3A_746 : i32 to index
        %get3A_830 = arith.constant 256 : index
        %get3A_831 = tpu.vector_load %arg12[%get3A_829, %get3A_830] {strides = array<i32>} : memref<32x272xf32, #tpu.memory_space<vmem>>, vector<16xf32>,
        %mul3A_832 = arith.mulf %get3A_831, %gather3A_748 : vector<16xf32>
        %add3A_833 = arith.addf %add3A_744, %mul3A_832 : vector<16xf32>
        scf.yield %add3A_753, %add3A_758, %add3A_763, %add3A_768, %add3A_773, %add3A_778, %add3A_783, %add3A_788, %add3A_793, %add3A_798, %add3A_803, %add3A_808, %add3A_813, %add3A_818, %add3A_823, %add3A_828, %add3A_833 : vector<16xf32>, vector<16xf32>, vector<16xf32>, vector<16xf32>, vector<16xf32>, vector<16xf32>, vector<16xf32>, vector<16xf32>, vector<16xf32>, vector<16xf32>, vector<16xf32>, vector<16xf32>, vector<16xf32>, vector<16xf32>, vector<16xf32>, vector<16xf32>, vector<16xf32>
      }
      %scan3A_190 = arith.constant 8 : i32
      %swap3A_191 = arith.index_cast %add3A_134 : i32 to index
      %swap3A_192 = arith.constant 0 : index
      %swap3A_193 = tpu.vector_load %arg15[%swap3A_191, %swap3A_192] {strides = array<i32>} : memref<256x272xf32, #tpu.memory_space<vmem>>, vector<16xf32>,
      tpu.vector_store %arg15[%swap3A_191, %swap3A_192], %scan3A_189#0 {strides = array<i32>} : memref<256x272xf32, #tpu.memory_space<vmem>>, vector<16xf32>,
      %swap3A_194 = arith.index_cast %add3A_134 : i32 to index
      %swap3A_195 = arith.constant 16 : index
      %swap3A_196 = tpu.vector_load %arg15[%swap3A_194, %swap3A_195] {strides = array<i32>} : memref<256x272xf32, #tpu.memory_space<vmem>>, vector<16xf32>,
      tpu.vector_store %arg15[%swap3A_194, %swap3A_195], %scan3A_189#1 {strides = array<i32>} : memref<256x272xf32, #tpu.memory_space<vmem>>, vector<16xf32>,
      %swap3A_197 = arith.index_cast %add3A_134 : i32 to index
      %swap3A_198 = arith.constant 32 : index
      %swap3A_199 = tpu.vector_load %arg15[%swap3A_197, %swap3A_198] {strides = array<i32>} : memref<256x272xf32, #tpu.memory_space<vmem>>, vector<16xf32>,
      tpu.vector_store %arg15[%swap3A_197, %swap3A_198], %scan3A_189#2 {strides = array<i32>} : memref<256x272xf32, #tpu.memory_space<vmem>>, vector<16xf32>,
      %swap3A_200 = arith.index_cast %add3A_134 : i32 to index
      %swap3A_201 = arith.constant 48 : index
      %swap3A_202 = tpu.vector_load %arg15[%swap3A_200, %swap3A_201] {strides = array<i32>} : memref<256x272xf32, #tpu.memory_space<vmem>>, vector<16xf32>,
      tpu.vector_store %arg15[%swap3A_200, %swap3A_201], %scan3A_189#3 {strides = array<i32>} : memref<256x272xf32, #tpu.memory_space<vmem>>, vector<16xf32>,
      %swap3A_203 = arith.index_cast %add3A_134 : i32 to index
      %swap3A_204 = arith.constant 64 : index
      %swap3A_205 = tpu.vector_load %arg15[%swap3A_203, %swap3A_204] {strides = array<i32>} : memref<256x272xf32, #tpu.memory_space<vmem>>, vector<16xf32>,
      tpu.vector_store %arg15[%swap3A_203, %swap3A_204], %scan3A_189#4 {strides = array<i32>} : memref<256x272xf32, #tpu.memory_space<vmem>>, vector<16xf32>,
      %swap3A_206 = arith.index_cast %add3A_134 : i32 to index
      %swap3A_207 = arith.constant 80 : index
      %swap3A_208 = tpu.vector_load %arg15[%swap3A_206, %swap3A_207] {strides = array<i32>} : memref<256x272xf32, #tpu.memory_space<vmem>>, vector<16xf32>,
      tpu.vector_store %arg15[%swap3A_206, %swap3A_207], %scan3A_189#5 {strides = array<i32>} : memref<256x272xf32, #tpu.memory_space<vmem>>, vector<16xf32>,
      %swap3A_209 = arith.index_cast %add3A_134 : i32 to index
      %swap3A_210 = arith.constant 96 : index
      %swap3A_211 = tpu.vector_load %arg15[%swap3A_209, %swap3A_210] {strides = array<i32>} : memref<256x272xf32, #tpu.memory_space<vmem>>, vector<16xf32>,
      tpu.vector_store %arg15[%swap3A_209, %swap3A_210], %scan3A_189#6 {strides = array<i32>} : memref<256x272xf32, #tpu.memory_space<vmem>>, vector<16xf32>,
      %swap3A_212 = arith.index_cast %add3A_134 : i32 to index
      %swap3A_213 = arith.constant 112 : index
      %swap3A_214 = tpu.vector_load %arg15[%swap3A_212, %swap3A_213] {strides = array<i32>} : memref<256x272xf32, #tpu.memory_space<vmem>>, vector<16xf32>,
      tpu.vector_store %arg15[%swap3A_212, %swap3A_213], %scan3A_189#7 {strides = array<i32>} : memref<256x272xf32, #tpu.memory_space<vmem>>, vector<16xf32>,
      %swap3A_215 = arith.index_cast %add3A_134 : i32 to index
      %swap3A_216 = arith.constant 128 : index
      %swap3A_217 = tpu.vector_load %arg15[%swap3A_215, %swap3A_216] {strides = array<i32>} : memref<256x272xf32, #tpu.memory_space<vmem>>, vector<16xf32>,
      tpu.vector_store %arg15[%swap3A_215, %swap3A_216], %scan3A_189#8 {strides = array<i32>} : memref<256x272xf32, #tpu.memory_space<vmem>>, vector<16xf32>,
      %swap3A_218 = arith.index_cast %add3A_134 : i32 to index
      %swap3A_219 = arith.constant 144 : index
      %swap3A_220 = tpu.vector_load %arg15[%swap3A_218, %swap3A_219] {strides = array<i32>} : memref<256x272xf32, #tpu.memory_space<vmem>>, vector<16xf32>,
      tpu.vector_store %arg15[%swap3A_218, %swap3A_219], %scan3A_189#9 {strides = array<i32>} : memref<256x272xf32, #tpu.memory_space<vmem>>, vector<16xf32>,
      %swap3A_221 = arith.index_cast %add3A_134 : i32 to index
      %swap3A_222 = arith.constant 160 : index
      %swap3A_223 = tpu.vector_load %arg15[%swap3A_221, %swap3A_222] {strides = array<i32>} : memref<256x272xf32, #tpu.memory_space<vmem>>, vector<16xf32>,
      tpu.vector_store %arg15[%swap3A_221, %swap3A_222], %scan3A_189#10 {strides = array<i32>} : memref<256x272xf32, #tpu.memory_space<vmem>>, vector<16xf32>,
      %swap3A_224 = arith.index_cast %add3A_134 : i32 to index
      %swap3A_225 = arith.constant 176 : index
      %swap3A_226 = tpu.vector_load %arg15[%swap3A_224, %swap3A_225] {strides = array<i32>} : memref<256x272xf32, #tpu.memory_space<vmem>>, vector<16xf32>,
      tpu.vector_store %arg15[%swap3A_224, %swap3A_225], %scan3A_189#11 {strides = array<i32>} : memref<256x272xf32, #tpu.memory_space<vmem>>, vector<16xf32>,
      %swap3A_227 = arith.index_cast %add3A_134 : i32 to index
      %swap3A_228 = arith.constant 192 : index
      %swap3A_229 = tpu.vector_load %arg15[%swap3A_227, %swap3A_228] {strides = array<i32>} : memref<256x272xf32, #tpu.memory_space<vmem>>, vector<16xf32>,
      tpu.vector_store %arg15[%swap3A_227, %swap3A_228], %scan3A_189#12 {strides = array<i32>} : memref<256x272xf32, #tpu.memory_space<vmem>>, vector<16xf32>,
      %swap3A_230 = arith.index_cast %add3A_134 : i32 to index
      %swap3A_231 = arith.constant 208 : index
      %swap3A_232 = tpu.vector_load %arg15[%swap3A_230, %swap3A_231] {strides = array<i32>} : memref<256x272xf32, #tpu.memory_space<vmem>>, vector<16xf32>,
      tpu.vector_store %arg15[%swap3A_230, %swap3A_231], %scan3A_189#13 {strides = array<i32>} : memref<256x272xf32, #tpu.memory_space<vmem>>, vector<16xf32>,
      %swap3A_233 = arith.index_cast %add3A_134 : i32 to index
      %swap3A_234 = arith.constant 224 : index
      %swap3A_235 = tpu.vector_load %arg15[%swap3A_233, %swap3A_234] {strides = array<i32>} : memref<256x272xf32, #tpu.memory_space<vmem>>, vector<16xf32>,
      tpu.vector_store %arg15[%swap3A_233, %swap3A_234], %scan3A_189#14 {strides = array<i32>} : memref<256x272xf32, #tpu.memory_space<vmem>>, vector<16xf32>,
      %swap3A_236 = arith.index_cast %add3A_134 : i32 to index
      %swap3A_237 = arith.constant 240 : index
      %swap3A_238 = tpu.vector_load %arg15[%swap3A_236, %swap3A_237] {strides = array<i32>} : memref<256x272xf32, #tpu.memory_space<vmem>>, vector<16xf32>,
      tpu.vector_store %arg15[%swap3A_236, %swap3A_237], %scan3A_189#15 {strides = array<i32>} : memref<256x272xf32, #tpu.memory_space<vmem>>, vector<16xf32>,
      %swap3A_239 = arith.index_cast %add3A_134 : i32 to index
      %swap3A_240 = arith.constant 256 : index
      %swap3A_241 = tpu.vector_load %arg15[%swap3A_239, %swap3A_240] {strides = array<i32>} : memref<256x272xf32, #tpu.memory_space<vmem>>, vector<16xf32>,
      tpu.vector_store %arg15[%swap3A_239, %swap3A_240], %scan3A_189#16 {strides = array<i32>} : memref<256x272xf32, #tpu.memory_space<vmem>>, vector<16xf32>,
      %add3A_242 = arith.constant 2 : i32
      %add3A_243 = arith.addi %mul3A_30, %add3A_242 : i32
      %add3A_244 = arith.constant 4 : i32
      %add3A_245 = arith.addi %add3A_243, %add3A_244 : i32
      %sub3A_246 = arith.constant 1 : i32
      %sub3A_247 = arith.subi %add3A_245, %sub3A_246 : i32
      %lt3A_248 = arith.constant 256 : i32
      %lt3A_249 = arith.cmpi slt, %sub3A_247, %lt3A_248 : i32
      %convert_element_type3A_250 = arith.extui %lt3A_249 : i1 to i32
      %cond3A_251 = arith.constant 0 : i32
      %cond3A_252 = arith.cmpi ne, %convert_element_type3A_250, %cond3A_251 : i32
      scf.if %cond3A_252 {
        %dma_start3A_460 = arith.constant 0 : i32
        %dma_start3A_461 = tpu.memref_slice %arg9[%sub3A_247, %dma_start3A_460] : memref<256x32xi32, #tpu.memory_space<vmem>> -> memref<1x32xi32, #tpu.memory_space<vmem>>
        %dma_start3A_462 = tpu.memref_squeeze %dma_start3A_461 : memref<1x32xi32, #tpu.memory_space<vmem>> -> memref<32xi32, #tpu.memory_space<vmem>>
        %dma_start3A_463 = arith.constant 0 : i32
        %dma_start3A_464 = arith.constant 0 : i32
        %dma_start3A_465 = tpu.memref_slice %arg6[%dma_start3A_463, %dma_start3A_464] : memref<49152x272xf32, #tpu.memory_space<hbm>> -> memref<49152x272xf32, #tpu.memory_space<hbm>>
        tpu.enqueue_indirect_dma source(%dma_start3A_465 : memref<49152x272xf32, #tpu.memory_space<hbm>>) target(%arg12 : memref<32x272xf32, #tpu.memory_space<vmem>>) offsets(%dma_start3A_462 : memref<32xi32, #tpu.memory_space<vmem>>) semaphore(%arg17 : memref<!tpu.dma_semaphore, #tpu.memory_space<semaphore_mem>>)
      } else {
      }
      %dma_wait3A_253 = arith.constant 0 : i32
      %dma_wait3A_254 = tpu.memref_slice %arg9[%add3A_243, %dma_wait3A_253] : memref<256x32xi32, #tpu.memory_space<vmem>> -> memref<1x32xi32, #tpu.memory_space<vmem>>
      %dma_wait3A_255 = tpu.memref_squeeze %dma_wait3A_254 : memref<1x32xi32, #tpu.memory_space<vmem>> -> memref<32xi32, #tpu.memory_space<vmem>>
      %dma_wait3A_256 = arith.constant 0 : i32
      %dma_wait3A_257 = arith.constant 0 : i32
      %dma_wait3A_258 = tpu.memref_slice %arg6[%dma_wait3A_256, %dma_wait3A_257] : memref<49152x272xf32, #tpu.memory_space<hbm>> -> memref<49152x272xf32, #tpu.memory_space<hbm>>
      tpu.wait_indirect_dma semaphore(%arg18 : memref<!tpu.dma_semaphore, #tpu.memory_space<semaphore_mem>>) src(%dma_wait3A_258 : memref<49152x272xf32, #tpu.memory_space<hbm>>) dst(%arg13 : memref<32x272xf32, #tpu.memory_space<vmem>>)
      %broadcast_in_dim3A_259 = vector.broadcast %add3A_243 : i32 to vector<16xi32>
      %broadcast_in_dim3A_260 = arith.constant 0.000000e+00 : f32
      %broadcast_in_dim3A_261 = vector.broadcast %broadcast_in_dim3A_260 : f32 to vector<16xf32>
      %broadcast_in_dim3A_262 = arith.constant 0.000000e+00 : f32
      %broadcast_in_dim3A_263 = vector.broadcast %broadcast_in_dim3A_262 : f32 to vector<16xf32>
      %broadcast_in_dim3A_264 = arith.constant 0.000000e+00 : f32
      %broadcast_in_dim3A_265 = vector.broadcast %broadcast_in_dim3A_264 : f32 to vector<16xf32>
      %broadcast_in_dim3A_266 = arith.constant 0.000000e+00 : f32
      %broadcast_in_dim3A_267 = vector.broadcast %broadcast_in_dim3A_266 : f32 to vector<16xf32>
      %broadcast_in_dim3A_268 = arith.constant 0.000000e+00 : f32
      %broadcast_in_dim3A_269 = vector.broadcast %broadcast_in_dim3A_268 : f32 to vector<16xf32>
      %broadcast_in_dim3A_270 = arith.constant 0.000000e+00 : f32
      %broadcast_in_dim3A_271 = vector.broadcast %broadcast_in_dim3A_270 : f32 to vector<16xf32>
      %broadcast_in_dim3A_272 = arith.constant 0.000000e+00 : f32
      %broadcast_in_dim3A_273 = vector.broadcast %broadcast_in_dim3A_272 : f32 to vector<16xf32>
      %broadcast_in_dim3A_274 = arith.constant 0.000000e+00 : f32
      %broadcast_in_dim3A_275 = vector.broadcast %broadcast_in_dim3A_274 : f32 to vector<16xf32>
      %broadcast_in_dim3A_276 = arith.constant 0.000000e+00 : f32
      %broadcast_in_dim3A_277 = vector.broadcast %broadcast_in_dim3A_276 : f32 to vector<16xf32>
      %broadcast_in_dim3A_278 = arith.constant 0.000000e+00 : f32
      %broadcast_in_dim3A_279 = vector.broadcast %broadcast_in_dim3A_278 : f32 to vector<16xf32>
      %broadcast_in_dim3A_280 = arith.constant 0.000000e+00 : f32
      %broadcast_in_dim3A_281 = vector.broadcast %broadcast_in_dim3A_280 : f32 to vector<16xf32>
      %broadcast_in_dim3A_282 = arith.constant 0.000000e+00 : f32
      %broadcast_in_dim3A_283 = vector.broadcast %broadcast_in_dim3A_282 : f32 to vector<16xf32>
      %broadcast_in_dim3A_284 = arith.constant 0.000000e+00 : f32
      %broadcast_in_dim3A_285 = vector.broadcast %broadcast_in_dim3A_284 : f32 to vector<16xf32>
      %broadcast_in_dim3A_286 = arith.constant 0.000000e+00 : f32
      %broadcast_in_dim3A_287 = vector.broadcast %broadcast_in_dim3A_286 : f32 to vector<16xf32>
      %broadcast_in_dim3A_288 = arith.constant 0.000000e+00 : f32
      %broadcast_in_dim3A_289 = vector.broadcast %broadcast_in_dim3A_288 : f32 to vector<16xf32>
      %broadcast_in_dim3A_290 = arith.constant 0.000000e+00 : f32
      %broadcast_in_dim3A_291 = vector.broadcast %broadcast_in_dim3A_290 : f32 to vector<16xf32>
      %broadcast_in_dim3A_292 = arith.constant 0.000000e+00 : f32
      %broadcast_in_dim3A_293 = vector.broadcast %broadcast_in_dim3A_292 : f32 to vector<16xf32>
      %scan3A_294 = arith.constant 0 : i32
      %scan3A_295 = arith.constant 8 : i32
      %scan3A_296 = arith.addi %scan3A_294, %scan3A_295 : i32
      %scan3A_297 = arith.constant 1 : i32
      %scan3A_298:17 = scf.for %scan3A_460 = %scan3A_294 to %scan3A_296 step %scan3A_297 iter_args(%scan3A_461 = %broadcast_in_dim3A_261, %scan3A_462 = %broadcast_in_dim3A_263, %scan3A_463 = %broadcast_in_dim3A_265, %scan3A_464 = %broadcast_in_dim3A_267, %scan3A_465 = %broadcast_in_dim3A_269, %scan3A_466 = %broadcast_in_dim3A_271, %scan3A_467 = %broadcast_in_dim3A_273, %scan3A_468 = %broadcast_in_dim3A_275, %scan3A_469 = %broadcast_in_dim3A_277, %scan3A_470 = %broadcast_in_dim3A_279, %scan3A_471 = %broadcast_in_dim3A_281, %scan3A_472 = %broadcast_in_dim3A_283, %scan3A_473 = %broadcast_in_dim3A_285, %scan3A_474 = %broadcast_in_dim3A_287, %scan3A_475 = %broadcast_in_dim3A_289, %scan3A_476 = %broadcast_in_dim3A_291, %scan3A_477 = %broadcast_in_dim3A_293) -> (vector<16xf32>, vector<16xf32>, vector<16xf32>, vector<16xf32>, vector<16xf32>, vector<16xf32>, vector<16xf32>, vector<16xf32>, vector<16xf32>, vector<16xf32>, vector<16xf32>, vector<16xf32>, vector<16xf32>, vector<16xf32>, vector<16xf32>, vector<16xf32>, vector<16xf32>)  : i32 {
        %mul3A_478 = arith.constant 4 : i32
        %mul3A_479 = arith.muli %scan3A_460, %mul3A_478 : i32
        %add3A_480 = arith.constant 0 : i32
        %add3A_481 = arith.addi %mul3A_479, %add3A_480 : i32
        %broadcast_in_dim3A_482 = vector.broadcast %add3A_481 : i32 to vector<16xi32>
        %gather3A = tpu.vector_load_idx %arg10[%broadcast_in_dim3A_259, %broadcast_in_dim3A_482] : memref<256x32xf32, #tpu.memory_space<vmem>>[vector<16xi32>, vector<16xi32>], vector<16xf32>,
        %get3A = arith.index_cast %add3A_481 : i32 to index
        %get3A_483 = arith.constant 0 : index
        %get3A_484 = tpu.vector_load %arg13[%get3A, %get3A_483] {strides = array<i32>} : memref<32x272xf32, #tpu.memory_space<vmem>>, vector<16xf32>,
        %mul3A_485 = arith.mulf %get3A_484, %gather3A : vector<16xf32>
        %add3A_486 = arith.addf %scan3A_461, %mul3A_485 : vector<16xf32>
        %get3A_487 = arith.index_cast %add3A_481 : i32 to index
        %get3A_488 = arith.constant 16 : index
        %get3A_489 = tpu.vector_load %arg13[%get3A_487, %get3A_488] {strides = array<i32>} : memref<32x272xf32, #tpu.memory_space<vmem>>, vector<16xf32>,
        %mul3A_490 = arith.mulf %get3A_489, %gather3A : vector<16xf32>
        %add3A_491 = arith.addf %scan3A_462, %mul3A_490 : vector<16xf32>
        %get3A_492 = arith.index_cast %add3A_481 : i32 to index
        %get3A_493 = arith.constant 32 : index
        %get3A_494 = tpu.vector_load %arg13[%get3A_492, %get3A_493] {strides = array<i32>} : memref<32x272xf32, #tpu.memory_space<vmem>>, vector<16xf32>,
        %mul3A_495 = arith.mulf %get3A_494, %gather3A : vector<16xf32>
        %add3A_496 = arith.addf %scan3A_463, %mul3A_495 : vector<16xf32>
        %get3A_497 = arith.index_cast %add3A_481 : i32 to index
        %get3A_498 = arith.constant 48 : index
        %get3A_499 = tpu.vector_load %arg13[%get3A_497, %get3A_498] {strides = array<i32>} : memref<32x272xf32, #tpu.memory_space<vmem>>, vector<16xf32>,
        %mul3A_500 = arith.mulf %get3A_499, %gather3A : vector<16xf32>
        %add3A_501 = arith.addf %scan3A_464, %mul3A_500 : vector<16xf32>
        %get3A_502 = arith.index_cast %add3A_481 : i32 to index
        %get3A_503 = arith.constant 64 : index
        %get3A_504 = tpu.vector_load %arg13[%get3A_502, %get3A_503] {strides = array<i32>} : memref<32x272xf32, #tpu.memory_space<vmem>>, vector<16xf32>,
        %mul3A_505 = arith.mulf %get3A_504, %gather3A : vector<16xf32>
        %add3A_506 = arith.addf %scan3A_465, %mul3A_505 : vector<16xf32>
        %get3A_507 = arith.index_cast %add3A_481 : i32 to index
        %get3A_508 = arith.constant 80 : index
        %get3A_509 = tpu.vector_load %arg13[%get3A_507, %get3A_508] {strides = array<i32>} : memref<32x272xf32, #tpu.memory_space<vmem>>, vector<16xf32>,
        %mul3A_510 = arith.mulf %get3A_509, %gather3A : vector<16xf32>
        %add3A_511 = arith.addf %scan3A_466, %mul3A_510 : vector<16xf32>
        %get3A_512 = arith.index_cast %add3A_481 : i32 to index
        %get3A_513 = arith.constant 96 : index
        %get3A_514 = tpu.vector_load %arg13[%get3A_512, %get3A_513] {strides = array<i32>} : memref<32x272xf32, #tpu.memory_space<vmem>>, vector<16xf32>,
        %mul3A_515 = arith.mulf %get3A_514, %gather3A : vector<16xf32>
        %add3A_516 = arith.addf %scan3A_467, %mul3A_515 : vector<16xf32>
        %get3A_517 = arith.index_cast %add3A_481 : i32 to index
        %get3A_518 = arith.constant 112 : index
        %get3A_519 = tpu.vector_load %arg13[%get3A_517, %get3A_518] {strides = array<i32>} : memref<32x272xf32, #tpu.memory_space<vmem>>, vector<16xf32>,
        %mul3A_520 = arith.mulf %get3A_519, %gather3A : vector<16xf32>
        %add3A_521 = arith.addf %scan3A_468, %mul3A_520 : vector<16xf32>
        %get3A_522 = arith.index_cast %add3A_481 : i32 to index
        %get3A_523 = arith.constant 128 : index
        %get3A_524 = tpu.vector_load %arg13[%get3A_522, %get3A_523] {strides = array<i32>} : memref<32x272xf32, #tpu.memory_space<vmem>>, vector<16xf32>,
        %mul3A_525 = arith.mulf %get3A_524, %gather3A : vector<16xf32>
        %add3A_526 = arith.addf %scan3A_469, %mul3A_525 : vector<16xf32>
        %get3A_527 = arith.index_cast %add3A_481 : i32 to index
        %get3A_528 = arith.constant 144 : index
        %get3A_529 = tpu.vector_load %arg13[%get3A_527, %get3A_528] {strides = array<i32>} : memref<32x272xf32, #tpu.memory_space<vmem>>, vector<16xf32>,
        %mul3A_530 = arith.mulf %get3A_529, %gather3A : vector<16xf32>
        %add3A_531 = arith.addf %scan3A_470, %mul3A_530 : vector<16xf32>
        %get3A_532 = arith.index_cast %add3A_481 : i32 to index
        %get3A_533 = arith.constant 160 : index
        %get3A_534 = tpu.vector_load %arg13[%get3A_532, %get3A_533] {strides = array<i32>} : memref<32x272xf32, #tpu.memory_space<vmem>>, vector<16xf32>,
        %mul3A_535 = arith.mulf %get3A_534, %gather3A : vector<16xf32>
        %add3A_536 = arith.addf %scan3A_471, %mul3A_535 : vector<16xf32>
        %get3A_537 = arith.index_cast %add3A_481 : i32 to index
        %get3A_538 = arith.constant 176 : index
        %get3A_539 = tpu.vector_load %arg13[%get3A_537, %get3A_538] {strides = array<i32>} : memref<32x272xf32, #tpu.memory_space<vmem>>, vector<16xf32>,
        %mul3A_540 = arith.mulf %get3A_539, %gather3A : vector<16xf32>
        %add3A_541 = arith.addf %scan3A_472, %mul3A_540 : vector<16xf32>
        %get3A_542 = arith.index_cast %add3A_481 : i32 to index
        %get3A_543 = arith.constant 192 : index
        %get3A_544 = tpu.vector_load %arg13[%get3A_542, %get3A_543] {strides = array<i32>} : memref<32x272xf32, #tpu.memory_space<vmem>>, vector<16xf32>,
        %mul3A_545 = arith.mulf %get3A_544, %gather3A : vector<16xf32>
        %add3A_546 = arith.addf %scan3A_473, %mul3A_545 : vector<16xf32>
        %get3A_547 = arith.index_cast %add3A_481 : i32 to index
        %get3A_548 = arith.constant 208 : index
        %get3A_549 = tpu.vector_load %arg13[%get3A_547, %get3A_548] {strides = array<i32>} : memref<32x272xf32, #tpu.memory_space<vmem>>, vector<16xf32>,
        %mul3A_550 = arith.mulf %get3A_549, %gather3A : vector<16xf32>
        %add3A_551 = arith.addf %scan3A_474, %mul3A_550 : vector<16xf32>
        %get3A_552 = arith.index_cast %add3A_481 : i32 to index
        %get3A_553 = arith.constant 224 : index
        %get3A_554 = tpu.vector_load %arg13[%get3A_552, %get3A_553] {strides = array<i32>} : memref<32x272xf32, #tpu.memory_space<vmem>>, vector<16xf32>,
        %mul3A_555 = arith.mulf %get3A_554, %gather3A : vector<16xf32>
        %add3A_556 = arith.addf %scan3A_475, %mul3A_555 : vector<16xf32>
        %get3A_557 = arith.index_cast %add3A_481 : i32 to index
        %get3A_558 = arith.constant 240 : index
        %get3A_559 = tpu.vector_load %arg13[%get3A_557, %get3A_558] {strides = array<i32>} : memref<32x272xf32, #tpu.memory_space<vmem>>, vector<16xf32>,
        %mul3A_560 = arith.mulf %get3A_559, %gather3A : vector<16xf32>
        %add3A_561 = arith.addf %scan3A_476, %mul3A_560 : vector<16xf32>
        %get3A_562 = arith.index_cast %add3A_481 : i32 to index
        %get3A_563 = arith.constant 256 : index
        %get3A_564 = tpu.vector_load %arg13[%get3A_562, %get3A_563] {strides = array<i32>} : memref<32x272xf32, #tpu.memory_space<vmem>>, vector<16xf32>,
        %mul3A_565 = arith.mulf %get3A_564, %gather3A : vector<16xf32>
        %add3A_566 = arith.addf %scan3A_477, %mul3A_565 : vector<16xf32>
        %add3A_567 = arith.constant 1 : i32
        %add3A_568 = arith.addi %mul3A_479, %add3A_567 : i32
        %broadcast_in_dim3A_569 = vector.broadcast %add3A_568 : i32 to vector<16xi32>
        %gather3A_570 = tpu.vector_load_idx %arg10[%broadcast_in_dim3A_259, %broadcast_in_dim3A_569] : memref<256x32xf32, #tpu.memory_space<vmem>>[vector<16xi32>, vector<16xi32>], vector<16xf32>,
        %get3A_571 = arith.index_cast %add3A_568 : i32 to index
        %get3A_572 = arith.constant 0 : index
        %get3A_573 = tpu.vector_load %arg13[%get3A_571, %get3A_572] {strides = array<i32>} : memref<32x272xf32, #tpu.memory_space<vmem>>, vector<16xf32>,
        %mul3A_574 = arith.mulf %get3A_573, %gather3A_570 : vector<16xf32>
        %add3A_575 = arith.addf %add3A_486, %mul3A_574 : vector<16xf32>
        %get3A_576 = arith.index_cast %add3A_568 : i32 to index
        %get3A_577 = arith.constant 16 : index
        %get3A_578 = tpu.vector_load %arg13[%get3A_576, %get3A_577] {strides = array<i32>} : memref<32x272xf32, #tpu.memory_space<vmem>>, vector<16xf32>,
        %mul3A_579 = arith.mulf %get3A_578, %gather3A_570 : vector<16xf32>
        %add3A_580 = arith.addf %add3A_491, %mul3A_579 : vector<16xf32>
        %get3A_581 = arith.index_cast %add3A_568 : i32 to index
        %get3A_582 = arith.constant 32 : index
        %get3A_583 = tpu.vector_load %arg13[%get3A_581, %get3A_582] {strides = array<i32>} : memref<32x272xf32, #tpu.memory_space<vmem>>, vector<16xf32>,
        %mul3A_584 = arith.mulf %get3A_583, %gather3A_570 : vector<16xf32>
        %add3A_585 = arith.addf %add3A_496, %mul3A_584 : vector<16xf32>
        %get3A_586 = arith.index_cast %add3A_568 : i32 to index
        %get3A_587 = arith.constant 48 : index
        %get3A_588 = tpu.vector_load %arg13[%get3A_586, %get3A_587] {strides = array<i32>} : memref<32x272xf32, #tpu.memory_space<vmem>>, vector<16xf32>,
        %mul3A_589 = arith.mulf %get3A_588, %gather3A_570 : vector<16xf32>
        %add3A_590 = arith.addf %add3A_501, %mul3A_589 : vector<16xf32>
        %get3A_591 = arith.index_cast %add3A_568 : i32 to index
        %get3A_592 = arith.constant 64 : index
        %get3A_593 = tpu.vector_load %arg13[%get3A_591, %get3A_592] {strides = array<i32>} : memref<32x272xf32, #tpu.memory_space<vmem>>, vector<16xf32>,
        %mul3A_594 = arith.mulf %get3A_593, %gather3A_570 : vector<16xf32>
        %add3A_595 = arith.addf %add3A_506, %mul3A_594 : vector<16xf32>
        %get3A_596 = arith.index_cast %add3A_568 : i32 to index
        %get3A_597 = arith.constant 80 : index
        %get3A_598 = tpu.vector_load %arg13[%get3A_596, %get3A_597] {strides = array<i32>} : memref<32x272xf32, #tpu.memory_space<vmem>>, vector<16xf32>,
        %mul3A_599 = arith.mulf %get3A_598, %gather3A_570 : vector<16xf32>
        %add3A_600 = arith.addf %add3A_511, %mul3A_599 : vector<16xf32>
        %get3A_601 = arith.index_cast %add3A_568 : i32 to index
        %get3A_602 = arith.constant 96 : index
        %get3A_603 = tpu.vector_load %arg13[%get3A_601, %get3A_602] {strides = array<i32>} : memref<32x272xf32, #tpu.memory_space<vmem>>, vector<16xf32>,
        %mul3A_604 = arith.mulf %get3A_603, %gather3A_570 : vector<16xf32>
        %add3A_605 = arith.addf %add3A_516, %mul3A_604 : vector<16xf32>
        %get3A_606 = arith.index_cast %add3A_568 : i32 to index
        %get3A_607 = arith.constant 112 : index
        %get3A_608 = tpu.vector_load %arg13[%get3A_606, %get3A_607] {strides = array<i32>} : memref<32x272xf32, #tpu.memory_space<vmem>>, vector<16xf32>,
        %mul3A_609 = arith.mulf %get3A_608, %gather3A_570 : vector<16xf32>
        %add3A_610 = arith.addf %add3A_521, %mul3A_609 : vector<16xf32>
        %get3A_611 = arith.index_cast %add3A_568 : i32 to index
        %get3A_612 = arith.constant 128 : index
        %get3A_613 = tpu.vector_load %arg13[%get3A_611, %get3A_612] {strides = array<i32>} : memref<32x272xf32, #tpu.memory_space<vmem>>, vector<16xf32>,
        %mul3A_614 = arith.mulf %get3A_613, %gather3A_570 : vector<16xf32>
        %add3A_615 = arith.addf %add3A_526, %mul3A_614 : vector<16xf32>
        %get3A_616 = arith.index_cast %add3A_568 : i32 to index
        %get3A_617 = arith.constant 144 : index
        %get3A_618 = tpu.vector_load %arg13[%get3A_616, %get3A_617] {strides = array<i32>} : memref<32x272xf32, #tpu.memory_space<vmem>>, vector<16xf32>,
        %mul3A_619 = arith.mulf %get3A_618, %gather3A_570 : vector<16xf32>
        %add3A_620 = arith.addf %add3A_531, %mul3A_619 : vector<16xf32>
        %get3A_621 = arith.index_cast %add3A_568 : i32 to index
        %get3A_622 = arith.constant 160 : index
        %get3A_623 = tpu.vector_load %arg13[%get3A_621, %get3A_622] {strides = array<i32>} : memref<32x272xf32, #tpu.memory_space<vmem>>, vector<16xf32>,
        %mul3A_624 = arith.mulf %get3A_623, %gather3A_570 : vector<16xf32>
        %add3A_625 = arith.addf %add3A_536, %mul3A_624 : vector<16xf32>
        %get3A_626 = arith.index_cast %add3A_568 : i32 to index
        %get3A_627 = arith.constant 176 : index
        %get3A_628 = tpu.vector_load %arg13[%get3A_626, %get3A_627] {strides = array<i32>} : memref<32x272xf32, #tpu.memory_space<vmem>>, vector<16xf32>,
        %mul3A_629 = arith.mulf %get3A_628, %gather3A_570 : vector<16xf32>
        %add3A_630 = arith.addf %add3A_541, %mul3A_629 : vector<16xf32>
        %get3A_631 = arith.index_cast %add3A_568 : i32 to index
        %get3A_632 = arith.constant 192 : index
        %get3A_633 = tpu.vector_load %arg13[%get3A_631, %get3A_632] {strides = array<i32>} : memref<32x272xf32, #tpu.memory_space<vmem>>, vector<16xf32>,
        %mul3A_634 = arith.mulf %get3A_633, %gather3A_570 : vector<16xf32>
        %add3A_635 = arith.addf %add3A_546, %mul3A_634 : vector<16xf32>
        %get3A_636 = arith.index_cast %add3A_568 : i32 to index
        %get3A_637 = arith.constant 208 : index
        %get3A_638 = tpu.vector_load %arg13[%get3A_636, %get3A_637] {strides = array<i32>} : memref<32x272xf32, #tpu.memory_space<vmem>>, vector<16xf32>,
        %mul3A_639 = arith.mulf %get3A_638, %gather3A_570 : vector<16xf32>
        %add3A_640 = arith.addf %add3A_551, %mul3A_639 : vector<16xf32>
        %get3A_641 = arith.index_cast %add3A_568 : i32 to index
        %get3A_642 = arith.constant 224 : index
        %get3A_643 = tpu.vector_load %arg13[%get3A_641, %get3A_642] {strides = array<i32>} : memref<32x272xf32, #tpu.memory_space<vmem>>, vector<16xf32>,
        %mul3A_644 = arith.mulf %get3A_643, %gather3A_570 : vector<16xf32>
        %add3A_645 = arith.addf %add3A_556, %mul3A_644 : vector<16xf32>
        %get3A_646 = arith.index_cast %add3A_568 : i32 to index
        %get3A_647 = arith.constant 240 : index
        %get3A_648 = tpu.vector_load %arg13[%get3A_646, %get3A_647] {strides = array<i32>} : memref<32x272xf32, #tpu.memory_space<vmem>>, vector<16xf32>,
        %mul3A_649 = arith.mulf %get3A_648, %gather3A_570 : vector<16xf32>
        %add3A_650 = arith.addf %add3A_561, %mul3A_649 : vector<16xf32>
        %get3A_651 = arith.index_cast %add3A_568 : i32 to index
        %get3A_652 = arith.constant 256 : index
        %get3A_653 = tpu.vector_load %arg13[%get3A_651, %get3A_652] {strides = array<i32>} : memref<32x272xf32, #tpu.memory_space<vmem>>, vector<16xf32>,
        %mul3A_654 = arith.mulf %get3A_653, %gather3A_570 : vector<16xf32>
        %add3A_655 = arith.addf %add3A_566, %mul3A_654 : vector<16xf32>
        %add3A_656 = arith.constant 2 : i32
        %add3A_657 = arith.addi %mul3A_479, %add3A_656 : i32
        %broadcast_in_dim3A_658 = vector.broadcast %add3A_657 : i32 to vector<16xi32>
        %gather3A_659 = tpu.vector_load_idx %arg10[%broadcast_in_dim3A_259, %broadcast_in_dim3A_658] : memref<256x32xf32, #tpu.memory_space<vmem>>[vector<16xi32>, vector<16xi32>], vector<16xf32>,
        %get3A_660 = arith.index_cast %add3A_657 : i32 to index
        %get3A_661 = arith.constant 0 : index
        %get3A_662 = tpu.vector_load %arg13[%get3A_660, %get3A_661] {strides = array<i32>} : memref<32x272xf32, #tpu.memory_space<vmem>>, vector<16xf32>,
        %mul3A_663 = arith.mulf %get3A_662, %gather3A_659 : vector<16xf32>
        %add3A_664 = arith.addf %add3A_575, %mul3A_663 : vector<16xf32>
        %get3A_665 = arith.index_cast %add3A_657 : i32 to index
        %get3A_666 = arith.constant 16 : index
        %get3A_667 = tpu.vector_load %arg13[%get3A_665, %get3A_666] {strides = array<i32>} : memref<32x272xf32, #tpu.memory_space<vmem>>, vector<16xf32>,
        %mul3A_668 = arith.mulf %get3A_667, %gather3A_659 : vector<16xf32>
        %add3A_669 = arith.addf %add3A_580, %mul3A_668 : vector<16xf32>
        %get3A_670 = arith.index_cast %add3A_657 : i32 to index
        %get3A_671 = arith.constant 32 : index
        %get3A_672 = tpu.vector_load %arg13[%get3A_670, %get3A_671] {strides = array<i32>} : memref<32x272xf32, #tpu.memory_space<vmem>>, vector<16xf32>,
        %mul3A_673 = arith.mulf %get3A_672, %gather3A_659 : vector<16xf32>
        %add3A_674 = arith.addf %add3A_585, %mul3A_673 : vector<16xf32>
        %get3A_675 = arith.index_cast %add3A_657 : i32 to index
        %get3A_676 = arith.constant 48 : index
        %get3A_677 = tpu.vector_load %arg13[%get3A_675, %get3A_676] {strides = array<i32>} : memref<32x272xf32, #tpu.memory_space<vmem>>, vector<16xf32>,
        %mul3A_678 = arith.mulf %get3A_677, %gather3A_659 : vector<16xf32>
        %add3A_679 = arith.addf %add3A_590, %mul3A_678 : vector<16xf32>
        %get3A_680 = arith.index_cast %add3A_657 : i32 to index
        %get3A_681 = arith.constant 64 : index
        %get3A_682 = tpu.vector_load %arg13[%get3A_680, %get3A_681] {strides = array<i32>} : memref<32x272xf32, #tpu.memory_space<vmem>>, vector<16xf32>,
        %mul3A_683 = arith.mulf %get3A_682, %gather3A_659 : vector<16xf32>
        %add3A_684 = arith.addf %add3A_595, %mul3A_683 : vector<16xf32>
        %get3A_685 = arith.index_cast %add3A_657 : i32 to index
        %get3A_686 = arith.constant 80 : index
        %get3A_687 = tpu.vector_load %arg13[%get3A_685, %get3A_686] {strides = array<i32>} : memref<32x272xf32, #tpu.memory_space<vmem>>, vector<16xf32>,
        %mul3A_688 = arith.mulf %get3A_687, %gather3A_659 : vector<16xf32>
        %add3A_689 = arith.addf %add3A_600, %mul3A_688 : vector<16xf32>
        %get3A_690 = arith.index_cast %add3A_657 : i32 to index
        %get3A_691 = arith.constant 96 : index
        %get3A_692 = tpu.vector_load %arg13[%get3A_690, %get3A_691] {strides = array<i32>} : memref<32x272xf32, #tpu.memory_space<vmem>>, vector<16xf32>,
        %mul3A_693 = arith.mulf %get3A_692, %gather3A_659 : vector<16xf32>
        %add3A_694 = arith.addf %add3A_605, %mul3A_693 : vector<16xf32>
        %get3A_695 = arith.index_cast %add3A_657 : i32 to index
        %get3A_696 = arith.constant 112 : index
        %get3A_697 = tpu.vector_load %arg13[%get3A_695, %get3A_696] {strides = array<i32>} : memref<32x272xf32, #tpu.memory_space<vmem>>, vector<16xf32>,
        %mul3A_698 = arith.mulf %get3A_697, %gather3A_659 : vector<16xf32>
        %add3A_699 = arith.addf %add3A_610, %mul3A_698 : vector<16xf32>
        %get3A_700 = arith.index_cast %add3A_657 : i32 to index
        %get3A_701 = arith.constant 128 : index
        %get3A_702 = tpu.vector_load %arg13[%get3A_700, %get3A_701] {strides = array<i32>} : memref<32x272xf32, #tpu.memory_space<vmem>>, vector<16xf32>,
        %mul3A_703 = arith.mulf %get3A_702, %gather3A_659 : vector<16xf32>
        %add3A_704 = arith.addf %add3A_615, %mul3A_703 : vector<16xf32>
        %get3A_705 = arith.index_cast %add3A_657 : i32 to index
        %get3A_706 = arith.constant 144 : index
        %get3A_707 = tpu.vector_load %arg13[%get3A_705, %get3A_706] {strides = array<i32>} : memref<32x272xf32, #tpu.memory_space<vmem>>, vector<16xf32>,
        %mul3A_708 = arith.mulf %get3A_707, %gather3A_659 : vector<16xf32>
        %add3A_709 = arith.addf %add3A_620, %mul3A_708 : vector<16xf32>
        %get3A_710 = arith.index_cast %add3A_657 : i32 to index
        %get3A_711 = arith.constant 160 : index
        %get3A_712 = tpu.vector_load %arg13[%get3A_710, %get3A_711] {strides = array<i32>} : memref<32x272xf32, #tpu.memory_space<vmem>>, vector<16xf32>,
        %mul3A_713 = arith.mulf %get3A_712, %gather3A_659 : vector<16xf32>
        %add3A_714 = arith.addf %add3A_625, %mul3A_713 : vector<16xf32>
        %get3A_715 = arith.index_cast %add3A_657 : i32 to index
        %get3A_716 = arith.constant 176 : index
        %get3A_717 = tpu.vector_load %arg13[%get3A_715, %get3A_716] {strides = array<i32>} : memref<32x272xf32, #tpu.memory_space<vmem>>, vector<16xf32>,
        %mul3A_718 = arith.mulf %get3A_717, %gather3A_659 : vector<16xf32>
        %add3A_719 = arith.addf %add3A_630, %mul3A_718 : vector<16xf32>
        %get3A_720 = arith.index_cast %add3A_657 : i32 to index
        %get3A_721 = arith.constant 192 : index
        %get3A_722 = tpu.vector_load %arg13[%get3A_720, %get3A_721] {strides = array<i32>} : memref<32x272xf32, #tpu.memory_space<vmem>>, vector<16xf32>,
        %mul3A_723 = arith.mulf %get3A_722, %gather3A_659 : vector<16xf32>
        %add3A_724 = arith.addf %add3A_635, %mul3A_723 : vector<16xf32>
        %get3A_725 = arith.index_cast %add3A_657 : i32 to index
        %get3A_726 = arith.constant 208 : index
        %get3A_727 = tpu.vector_load %arg13[%get3A_725, %get3A_726] {strides = array<i32>} : memref<32x272xf32, #tpu.memory_space<vmem>>, vector<16xf32>,
        %mul3A_728 = arith.mulf %get3A_727, %gather3A_659 : vector<16xf32>
        %add3A_729 = arith.addf %add3A_640, %mul3A_728 : vector<16xf32>
        %get3A_730 = arith.index_cast %add3A_657 : i32 to index
        %get3A_731 = arith.constant 224 : index
        %get3A_732 = tpu.vector_load %arg13[%get3A_730, %get3A_731] {strides = array<i32>} : memref<32x272xf32, #tpu.memory_space<vmem>>, vector<16xf32>,
        %mul3A_733 = arith.mulf %get3A_732, %gather3A_659 : vector<16xf32>
        %add3A_734 = arith.addf %add3A_645, %mul3A_733 : vector<16xf32>
        %get3A_735 = arith.index_cast %add3A_657 : i32 to index
        %get3A_736 = arith.constant 240 : index
        %get3A_737 = tpu.vector_load %arg13[%get3A_735, %get3A_736] {strides = array<i32>} : memref<32x272xf32, #tpu.memory_space<vmem>>, vector<16xf32>,
        %mul3A_738 = arith.mulf %get3A_737, %gather3A_659 : vector<16xf32>
        %add3A_739 = arith.addf %add3A_650, %mul3A_738 : vector<16xf32>
        %get3A_740 = arith.index_cast %add3A_657 : i32 to index
        %get3A_741 = arith.constant 256 : index
        %get3A_742 = tpu.vector_load %arg13[%get3A_740, %get3A_741] {strides = array<i32>} : memref<32x272xf32, #tpu.memory_space<vmem>>, vector<16xf32>,
        %mul3A_743 = arith.mulf %get3A_742, %gather3A_659 : vector<16xf32>
        %add3A_744 = arith.addf %add3A_655, %mul3A_743 : vector<16xf32>
        %add3A_745 = arith.constant 3 : i32
        %add3A_746 = arith.addi %mul3A_479, %add3A_745 : i32
        %broadcast_in_dim3A_747 = vector.broadcast %add3A_746 : i32 to vector<16xi32>
        %gather3A_748 = tpu.vector_load_idx %arg10[%broadcast_in_dim3A_259, %broadcast_in_dim3A_747] : memref<256x32xf32, #tpu.memory_space<vmem>>[vector<16xi32>, vector<16xi32>], vector<16xf32>,
        %get3A_749 = arith.index_cast %add3A_746 : i32 to index
        %get3A_750 = arith.constant 0 : index
        %get3A_751 = tpu.vector_load %arg13[%get3A_749, %get3A_750] {strides = array<i32>} : memref<32x272xf32, #tpu.memory_space<vmem>>, vector<16xf32>,
        %mul3A_752 = arith.mulf %get3A_751, %gather3A_748 : vector<16xf32>
        %add3A_753 = arith.addf %add3A_664, %mul3A_752 : vector<16xf32>
        %get3A_754 = arith.index_cast %add3A_746 : i32 to index
        %get3A_755 = arith.constant 16 : index
        %get3A_756 = tpu.vector_load %arg13[%get3A_754, %get3A_755] {strides = array<i32>} : memref<32x272xf32, #tpu.memory_space<vmem>>, vector<16xf32>,
        %mul3A_757 = arith.mulf %get3A_756, %gather3A_748 : vector<16xf32>
        %add3A_758 = arith.addf %add3A_669, %mul3A_757 : vector<16xf32>
        %get3A_759 = arith.index_cast %add3A_746 : i32 to index
        %get3A_760 = arith.constant 32 : index
        %get3A_761 = tpu.vector_load %arg13[%get3A_759, %get3A_760] {strides = array<i32>} : memref<32x272xf32, #tpu.memory_space<vmem>>, vector<16xf32>,
        %mul3A_762 = arith.mulf %get3A_761, %gather3A_748 : vector<16xf32>
        %add3A_763 = arith.addf %add3A_674, %mul3A_762 : vector<16xf32>
        %get3A_764 = arith.index_cast %add3A_746 : i32 to index
        %get3A_765 = arith.constant 48 : index
        %get3A_766 = tpu.vector_load %arg13[%get3A_764, %get3A_765] {strides = array<i32>} : memref<32x272xf32, #tpu.memory_space<vmem>>, vector<16xf32>,
        %mul3A_767 = arith.mulf %get3A_766, %gather3A_748 : vector<16xf32>
        %add3A_768 = arith.addf %add3A_679, %mul3A_767 : vector<16xf32>
        %get3A_769 = arith.index_cast %add3A_746 : i32 to index
        %get3A_770 = arith.constant 64 : index
        %get3A_771 = tpu.vector_load %arg13[%get3A_769, %get3A_770] {strides = array<i32>} : memref<32x272xf32, #tpu.memory_space<vmem>>, vector<16xf32>,
        %mul3A_772 = arith.mulf %get3A_771, %gather3A_748 : vector<16xf32>
        %add3A_773 = arith.addf %add3A_684, %mul3A_772 : vector<16xf32>
        %get3A_774 = arith.index_cast %add3A_746 : i32 to index
        %get3A_775 = arith.constant 80 : index
        %get3A_776 = tpu.vector_load %arg13[%get3A_774, %get3A_775] {strides = array<i32>} : memref<32x272xf32, #tpu.memory_space<vmem>>, vector<16xf32>,
        %mul3A_777 = arith.mulf %get3A_776, %gather3A_748 : vector<16xf32>
        %add3A_778 = arith.addf %add3A_689, %mul3A_777 : vector<16xf32>
        %get3A_779 = arith.index_cast %add3A_746 : i32 to index
        %get3A_780 = arith.constant 96 : index
        %get3A_781 = tpu.vector_load %arg13[%get3A_779, %get3A_780] {strides = array<i32>} : memref<32x272xf32, #tpu.memory_space<vmem>>, vector<16xf32>,
        %mul3A_782 = arith.mulf %get3A_781, %gather3A_748 : vector<16xf32>
        %add3A_783 = arith.addf %add3A_694, %mul3A_782 : vector<16xf32>
        %get3A_784 = arith.index_cast %add3A_746 : i32 to index
        %get3A_785 = arith.constant 112 : index
        %get3A_786 = tpu.vector_load %arg13[%get3A_784, %get3A_785] {strides = array<i32>} : memref<32x272xf32, #tpu.memory_space<vmem>>, vector<16xf32>,
        %mul3A_787 = arith.mulf %get3A_786, %gather3A_748 : vector<16xf32>
        %add3A_788 = arith.addf %add3A_699, %mul3A_787 : vector<16xf32>
        %get3A_789 = arith.index_cast %add3A_746 : i32 to index
        %get3A_790 = arith.constant 128 : index
        %get3A_791 = tpu.vector_load %arg13[%get3A_789, %get3A_790] {strides = array<i32>} : memref<32x272xf32, #tpu.memory_space<vmem>>, vector<16xf32>,
        %mul3A_792 = arith.mulf %get3A_791, %gather3A_748 : vector<16xf32>
        %add3A_793 = arith.addf %add3A_704, %mul3A_792 : vector<16xf32>
        %get3A_794 = arith.index_cast %add3A_746 : i32 to index
        %get3A_795 = arith.constant 144 : index
        %get3A_796 = tpu.vector_load %arg13[%get3A_794, %get3A_795] {strides = array<i32>} : memref<32x272xf32, #tpu.memory_space<vmem>>, vector<16xf32>,
        %mul3A_797 = arith.mulf %get3A_796, %gather3A_748 : vector<16xf32>
        %add3A_798 = arith.addf %add3A_709, %mul3A_797 : vector<16xf32>
        %get3A_799 = arith.index_cast %add3A_746 : i32 to index
        %get3A_800 = arith.constant 160 : index
        %get3A_801 = tpu.vector_load %arg13[%get3A_799, %get3A_800] {strides = array<i32>} : memref<32x272xf32, #tpu.memory_space<vmem>>, vector<16xf32>,
        %mul3A_802 = arith.mulf %get3A_801, %gather3A_748 : vector<16xf32>
        %add3A_803 = arith.addf %add3A_714, %mul3A_802 : vector<16xf32>
        %get3A_804 = arith.index_cast %add3A_746 : i32 to index
        %get3A_805 = arith.constant 176 : index
        %get3A_806 = tpu.vector_load %arg13[%get3A_804, %get3A_805] {strides = array<i32>} : memref<32x272xf32, #tpu.memory_space<vmem>>, vector<16xf32>,
        %mul3A_807 = arith.mulf %get3A_806, %gather3A_748 : vector<16xf32>
        %add3A_808 = arith.addf %add3A_719, %mul3A_807 : vector<16xf32>
        %get3A_809 = arith.index_cast %add3A_746 : i32 to index
        %get3A_810 = arith.constant 192 : index
        %get3A_811 = tpu.vector_load %arg13[%get3A_809, %get3A_810] {strides = array<i32>} : memref<32x272xf32, #tpu.memory_space<vmem>>, vector<16xf32>,
        %mul3A_812 = arith.mulf %get3A_811, %gather3A_748 : vector<16xf32>
        %add3A_813 = arith.addf %add3A_724, %mul3A_812 : vector<16xf32>
        %get3A_814 = arith.index_cast %add3A_746 : i32 to index
        %get3A_815 = arith.constant 208 : index
        %get3A_816 = tpu.vector_load %arg13[%get3A_814, %get3A_815] {strides = array<i32>} : memref<32x272xf32, #tpu.memory_space<vmem>>, vector<16xf32>,
        %mul3A_817 = arith.mulf %get3A_816, %gather3A_748 : vector<16xf32>
        %add3A_818 = arith.addf %add3A_729, %mul3A_817 : vector<16xf32>
        %get3A_819 = arith.index_cast %add3A_746 : i32 to index
        %get3A_820 = arith.constant 224 : index
        %get3A_821 = tpu.vector_load %arg13[%get3A_819, %get3A_820] {strides = array<i32>} : memref<32x272xf32, #tpu.memory_space<vmem>>, vector<16xf32>,
        %mul3A_822 = arith.mulf %get3A_821, %gather3A_748 : vector<16xf32>
        %add3A_823 = arith.addf %add3A_734, %mul3A_822 : vector<16xf32>
        %get3A_824 = arith.index_cast %add3A_746 : i32 to index
        %get3A_825 = arith.constant 240 : index
        %get3A_826 = tpu.vector_load %arg13[%get3A_824, %get3A_825] {strides = array<i32>} : memref<32x272xf32, #tpu.memory_space<vmem>>, vector<16xf32>,
        %mul3A_827 = arith.mulf %get3A_826, %gather3A_748 : vector<16xf32>
        %add3A_828 = arith.addf %add3A_739, %mul3A_827 : vector<16xf32>
        %get3A_829 = arith.index_cast %add3A_746 : i32 to index
        %get3A_830 = arith.constant 256 : index
        %get3A_831 = tpu.vector_load %arg13[%get3A_829, %get3A_830] {strides = array<i32>} : memref<32x272xf32, #tpu.memory_space<vmem>>, vector<16xf32>,
        %mul3A_832 = arith.mulf %get3A_831, %gather3A_748 : vector<16xf32>
        %add3A_833 = arith.addf %add3A_744, %mul3A_832 : vector<16xf32>
        scf.yield %add3A_753, %add3A_758, %add3A_763, %add3A_768, %add3A_773, %add3A_778, %add3A_783, %add3A_788, %add3A_793, %add3A_798, %add3A_803, %add3A_808, %add3A_813, %add3A_818, %add3A_823, %add3A_828, %add3A_833 : vector<16xf32>, vector<16xf32>, vector<16xf32>, vector<16xf32>, vector<16xf32>, vector<16xf32>, vector<16xf32>, vector<16xf32>, vector<16xf32>, vector<16xf32>, vector<16xf32>, vector<16xf32>, vector<16xf32>, vector<16xf32>, vector<16xf32>, vector<16xf32>, vector<16xf32>
      }
      %scan3A_299 = arith.constant 8 : i32
      %swap3A_300 = arith.index_cast %add3A_243 : i32 to index
      %swap3A_301 = arith.constant 0 : index
      %swap3A_302 = tpu.vector_load %arg15[%swap3A_300, %swap3A_301] {strides = array<i32>} : memref<256x272xf32, #tpu.memory_space<vmem>>, vector<16xf32>,
      tpu.vector_store %arg15[%swap3A_300, %swap3A_301], %scan3A_298#0 {strides = array<i32>} : memref<256x272xf32, #tpu.memory_space<vmem>>, vector<16xf32>,
      %swap3A_303 = arith.index_cast %add3A_243 : i32 to index
      %swap3A_304 = arith.constant 16 : index
      %swap3A_305 = tpu.vector_load %arg15[%swap3A_303, %swap3A_304] {strides = array<i32>} : memref<256x272xf32, #tpu.memory_space<vmem>>, vector<16xf32>,
      tpu.vector_store %arg15[%swap3A_303, %swap3A_304], %scan3A_298#1 {strides = array<i32>} : memref<256x272xf32, #tpu.memory_space<vmem>>, vector<16xf32>,
      %swap3A_306 = arith.index_cast %add3A_243 : i32 to index
      %swap3A_307 = arith.constant 32 : index
      %swap3A_308 = tpu.vector_load %arg15[%swap3A_306, %swap3A_307] {strides = array<i32>} : memref<256x272xf32, #tpu.memory_space<vmem>>, vector<16xf32>,
      tpu.vector_store %arg15[%swap3A_306, %swap3A_307], %scan3A_298#2 {strides = array<i32>} : memref<256x272xf32, #tpu.memory_space<vmem>>, vector<16xf32>,
      %swap3A_309 = arith.index_cast %add3A_243 : i32 to index
      %swap3A_310 = arith.constant 48 : index
      %swap3A_311 = tpu.vector_load %arg15[%swap3A_309, %swap3A_310] {strides = array<i32>} : memref<256x272xf32, #tpu.memory_space<vmem>>, vector<16xf32>,
      tpu.vector_store %arg15[%swap3A_309, %swap3A_310], %scan3A_298#3 {strides = array<i32>} : memref<256x272xf32, #tpu.memory_space<vmem>>, vector<16xf32>,
      %swap3A_312 = arith.index_cast %add3A_243 : i32 to index
      %swap3A_313 = arith.constant 64 : index
      %swap3A_314 = tpu.vector_load %arg15[%swap3A_312, %swap3A_313] {strides = array<i32>} : memref<256x272xf32, #tpu.memory_space<vmem>>, vector<16xf32>,
      tpu.vector_store %arg15[%swap3A_312, %swap3A_313], %scan3A_298#4 {strides = array<i32>} : memref<256x272xf32, #tpu.memory_space<vmem>>, vector<16xf32>,
      %swap3A_315 = arith.index_cast %add3A_243 : i32 to index
      %swap3A_316 = arith.constant 80 : index
      %swap3A_317 = tpu.vector_load %arg15[%swap3A_315, %swap3A_316] {strides = array<i32>} : memref<256x272xf32, #tpu.memory_space<vmem>>, vector<16xf32>,
      tpu.vector_store %arg15[%swap3A_315, %swap3A_316], %scan3A_298#5 {strides = array<i32>} : memref<256x272xf32, #tpu.memory_space<vmem>>, vector<16xf32>,
      %swap3A_318 = arith.index_cast %add3A_243 : i32 to index
      %swap3A_319 = arith.constant 96 : index
      %swap3A_320 = tpu.vector_load %arg15[%swap3A_318, %swap3A_319] {strides = array<i32>} : memref<256x272xf32, #tpu.memory_space<vmem>>, vector<16xf32>,
      tpu.vector_store %arg15[%swap3A_318, %swap3A_319], %scan3A_298#6 {strides = array<i32>} : memref<256x272xf32, #tpu.memory_space<vmem>>, vector<16xf32>,
      %swap3A_321 = arith.index_cast %add3A_243 : i32 to index
      %swap3A_322 = arith.constant 112 : index
      %swap3A_323 = tpu.vector_load %arg15[%swap3A_321, %swap3A_322] {strides = array<i32>} : memref<256x272xf32, #tpu.memory_space<vmem>>, vector<16xf32>,
      tpu.vector_store %arg15[%swap3A_321, %swap3A_322], %scan3A_298#7 {strides = array<i32>} : memref<256x272xf32, #tpu.memory_space<vmem>>, vector<16xf32>,
      %swap3A_324 = arith.index_cast %add3A_243 : i32 to index
      %swap3A_325 = arith.constant 128 : index
      %swap3A_326 = tpu.vector_load %arg15[%swap3A_324, %swap3A_325] {strides = array<i32>} : memref<256x272xf32, #tpu.memory_space<vmem>>, vector<16xf32>,
      tpu.vector_store %arg15[%swap3A_324, %swap3A_325], %scan3A_298#8 {strides = array<i32>} : memref<256x272xf32, #tpu.memory_space<vmem>>, vector<16xf32>,
      %swap3A_327 = arith.index_cast %add3A_243 : i32 to index
      %swap3A_328 = arith.constant 144 : index
      %swap3A_329 = tpu.vector_load %arg15[%swap3A_327, %swap3A_328] {strides = array<i32>} : memref<256x272xf32, #tpu.memory_space<vmem>>, vector<16xf32>,
      tpu.vector_store %arg15[%swap3A_327, %swap3A_328], %scan3A_298#9 {strides = array<i32>} : memref<256x272xf32, #tpu.memory_space<vmem>>, vector<16xf32>,
      %swap3A_330 = arith.index_cast %add3A_243 : i32 to index
      %swap3A_331 = arith.constant 160 : index
      %swap3A_332 = tpu.vector_load %arg15[%swap3A_330, %swap3A_331] {strides = array<i32>} : memref<256x272xf32, #tpu.memory_space<vmem>>, vector<16xf32>,
      tpu.vector_store %arg15[%swap3A_330, %swap3A_331], %scan3A_298#10 {strides = array<i32>} : memref<256x272xf32, #tpu.memory_space<vmem>>, vector<16xf32>,
      %swap3A_333 = arith.index_cast %add3A_243 : i32 to index
      %swap3A_334 = arith.constant 176 : index
      %swap3A_335 = tpu.vector_load %arg15[%swap3A_333, %swap3A_334] {strides = array<i32>} : memref<256x272xf32, #tpu.memory_space<vmem>>, vector<16xf32>,
      tpu.vector_store %arg15[%swap3A_333, %swap3A_334], %scan3A_298#11 {strides = array<i32>} : memref<256x272xf32, #tpu.memory_space<vmem>>, vector<16xf32>,
      %swap3A_336 = arith.index_cast %add3A_243 : i32 to index
      %swap3A_337 = arith.constant 192 : index
      %swap3A_338 = tpu.vector_load %arg15[%swap3A_336, %swap3A_337] {strides = array<i32>} : memref<256x272xf32, #tpu.memory_space<vmem>>, vector<16xf32>,
      tpu.vector_store %arg15[%swap3A_336, %swap3A_337], %scan3A_298#12 {strides = array<i32>} : memref<256x272xf32, #tpu.memory_space<vmem>>, vector<16xf32>,
      %swap3A_339 = arith.index_cast %add3A_243 : i32 to index
      %swap3A_340 = arith.constant 208 : index
      %swap3A_341 = tpu.vector_load %arg15[%swap3A_339, %swap3A_340] {strides = array<i32>} : memref<256x272xf32, #tpu.memory_space<vmem>>, vector<16xf32>,
      tpu.vector_store %arg15[%swap3A_339, %swap3A_340], %scan3A_298#13 {strides = array<i32>} : memref<256x272xf32, #tpu.memory_space<vmem>>, vector<16xf32>,
      %swap3A_342 = arith.index_cast %add3A_243 : i32 to index
      %swap3A_343 = arith.constant 224 : index
      %swap3A_344 = tpu.vector_load %arg15[%swap3A_342, %swap3A_343] {strides = array<i32>} : memref<256x272xf32, #tpu.memory_space<vmem>>, vector<16xf32>,
      tpu.vector_store %arg15[%swap3A_342, %swap3A_343], %scan3A_298#14 {strides = array<i32>} : memref<256x272xf32, #tpu.memory_space<vmem>>, vector<16xf32>,
      %swap3A_345 = arith.index_cast %add3A_243 : i32 to index
      %swap3A_346 = arith.constant 240 : index
      %swap3A_347 = tpu.vector_load %arg15[%swap3A_345, %swap3A_346] {strides = array<i32>} : memref<256x272xf32, #tpu.memory_space<vmem>>, vector<16xf32>,
      tpu.vector_store %arg15[%swap3A_345, %swap3A_346], %scan3A_298#15 {strides = array<i32>} : memref<256x272xf32, #tpu.memory_space<vmem>>, vector<16xf32>,
      %swap3A_348 = arith.index_cast %add3A_243 : i32 to index
      %swap3A_349 = arith.constant 256 : index
      %swap3A_350 = tpu.vector_load %arg15[%swap3A_348, %swap3A_349] {strides = array<i32>} : memref<256x272xf32, #tpu.memory_space<vmem>>, vector<16xf32>,
      tpu.vector_store %arg15[%swap3A_348, %swap3A_349], %scan3A_298#16 {strides = array<i32>} : memref<256x272xf32, #tpu.memory_space<vmem>>, vector<16xf32>,
      %add3A_351 = arith.constant 3 : i32
      %add3A_352 = arith.addi %mul3A_30, %add3A_351 : i32
      %add3A_353 = arith.constant 4 : i32
      %add3A_354 = arith.addi %add3A_352, %add3A_353 : i32
      %sub3A_355 = arith.constant 1 : i32
      %sub3A_356 = arith.subi %add3A_354, %sub3A_355 : i32
      %lt3A_357 = arith.constant 256 : i32
      %lt3A_358 = arith.cmpi slt, %sub3A_356, %lt3A_357 : i32
      %convert_element_type3A_359 = arith.extui %lt3A_358 : i1 to i32
      %cond3A_360 = arith.constant 0 : i32
      %cond3A_361 = arith.cmpi ne, %convert_element_type3A_359, %cond3A_360 : i32
      scf.if %cond3A_361 {
        %dma_start3A_460 = arith.constant 0 : i32
        %dma_start3A_461 = tpu.memref_slice %arg9[%sub3A_356, %dma_start3A_460] : memref<256x32xi32, #tpu.memory_space<vmem>> -> memref<1x32xi32, #tpu.memory_space<vmem>>
        %dma_start3A_462 = tpu.memref_squeeze %dma_start3A_461 : memref<1x32xi32, #tpu.memory_space<vmem>> -> memref<32xi32, #tpu.memory_space<vmem>>
        %dma_start3A_463 = arith.constant 0 : i32
        %dma_start3A_464 = arith.constant 0 : i32
        %dma_start3A_465 = tpu.memref_slice %arg6[%dma_start3A_463, %dma_start3A_464] : memref<49152x272xf32, #tpu.memory_space<hbm>> -> memref<49152x272xf32, #tpu.memory_space<hbm>>
        tpu.enqueue_indirect_dma source(%dma_start3A_465 : memref<49152x272xf32, #tpu.memory_space<hbm>>) target(%arg13 : memref<32x272xf32, #tpu.memory_space<vmem>>) offsets(%dma_start3A_462 : memref<32xi32, #tpu.memory_space<vmem>>) semaphore(%arg18 : memref<!tpu.dma_semaphore, #tpu.memory_space<semaphore_mem>>)
      } else {
      }
      %dma_wait3A_362 = arith.constant 0 : i32
      %dma_wait3A_363 = tpu.memref_slice %arg9[%add3A_352, %dma_wait3A_362] : memref<256x32xi32, #tpu.memory_space<vmem>> -> memref<1x32xi32, #tpu.memory_space<vmem>>
      %dma_wait3A_364 = tpu.memref_squeeze %dma_wait3A_363 : memref<1x32xi32, #tpu.memory_space<vmem>> -> memref<32xi32, #tpu.memory_space<vmem>>
      %dma_wait3A_365 = arith.constant 0 : i32
      %dma_wait3A_366 = arith.constant 0 : i32
      %dma_wait3A_367 = tpu.memref_slice %arg6[%dma_wait3A_365, %dma_wait3A_366] : memref<49152x272xf32, #tpu.memory_space<hbm>> -> memref<49152x272xf32, #tpu.memory_space<hbm>>
      tpu.wait_indirect_dma semaphore(%arg19 : memref<!tpu.dma_semaphore, #tpu.memory_space<semaphore_mem>>) src(%dma_wait3A_367 : memref<49152x272xf32, #tpu.memory_space<hbm>>) dst(%arg14 : memref<32x272xf32, #tpu.memory_space<vmem>>)
      %broadcast_in_dim3A_368 = vector.broadcast %add3A_352 : i32 to vector<16xi32>
      %broadcast_in_dim3A_369 = arith.constant 0.000000e+00 : f32
      %broadcast_in_dim3A_370 = vector.broadcast %broadcast_in_dim3A_369 : f32 to vector<16xf32>
      %broadcast_in_dim3A_371 = arith.constant 0.000000e+00 : f32
      %broadcast_in_dim3A_372 = vector.broadcast %broadcast_in_dim3A_371 : f32 to vector<16xf32>
      %broadcast_in_dim3A_373 = arith.constant 0.000000e+00 : f32
      %broadcast_in_dim3A_374 = vector.broadcast %broadcast_in_dim3A_373 : f32 to vector<16xf32>
      %broadcast_in_dim3A_375 = arith.constant 0.000000e+00 : f32
      %broadcast_in_dim3A_376 = vector.broadcast %broadcast_in_dim3A_375 : f32 to vector<16xf32>
      %broadcast_in_dim3A_377 = arith.constant 0.000000e+00 : f32
      %broadcast_in_dim3A_378 = vector.broadcast %broadcast_in_dim3A_377 : f32 to vector<16xf32>
      %broadcast_in_dim3A_379 = arith.constant 0.000000e+00 : f32
      %broadcast_in_dim3A_380 = vector.broadcast %broadcast_in_dim3A_379 : f32 to vector<16xf32>
      %broadcast_in_dim3A_381 = arith.constant 0.000000e+00 : f32
      %broadcast_in_dim3A_382 = vector.broadcast %broadcast_in_dim3A_381 : f32 to vector<16xf32>
      %broadcast_in_dim3A_383 = arith.constant 0.000000e+00 : f32
      %broadcast_in_dim3A_384 = vector.broadcast %broadcast_in_dim3A_383 : f32 to vector<16xf32>
      %broadcast_in_dim3A_385 = arith.constant 0.000000e+00 : f32
      %broadcast_in_dim3A_386 = vector.broadcast %broadcast_in_dim3A_385 : f32 to vector<16xf32>
      %broadcast_in_dim3A_387 = arith.constant 0.000000e+00 : f32
      %broadcast_in_dim3A_388 = vector.broadcast %broadcast_in_dim3A_387 : f32 to vector<16xf32>
      %broadcast_in_dim3A_389 = arith.constant 0.000000e+00 : f32
      %broadcast_in_dim3A_390 = vector.broadcast %broadcast_in_dim3A_389 : f32 to vector<16xf32>
      %broadcast_in_dim3A_391 = arith.constant 0.000000e+00 : f32
      %broadcast_in_dim3A_392 = vector.broadcast %broadcast_in_dim3A_391 : f32 to vector<16xf32>
      %broadcast_in_dim3A_393 = arith.constant 0.000000e+00 : f32
      %broadcast_in_dim3A_394 = vector.broadcast %broadcast_in_dim3A_393 : f32 to vector<16xf32>
      %broadcast_in_dim3A_395 = arith.constant 0.000000e+00 : f32
      %broadcast_in_dim3A_396 = vector.broadcast %broadcast_in_dim3A_395 : f32 to vector<16xf32>
      %broadcast_in_dim3A_397 = arith.constant 0.000000e+00 : f32
      %broadcast_in_dim3A_398 = vector.broadcast %broadcast_in_dim3A_397 : f32 to vector<16xf32>
      %broadcast_in_dim3A_399 = arith.constant 0.000000e+00 : f32
      %broadcast_in_dim3A_400 = vector.broadcast %broadcast_in_dim3A_399 : f32 to vector<16xf32>
      %broadcast_in_dim3A_401 = arith.constant 0.000000e+00 : f32
      %broadcast_in_dim3A_402 = vector.broadcast %broadcast_in_dim3A_401 : f32 to vector<16xf32>
      %scan3A_403 = arith.constant 0 : i32
      %scan3A_404 = arith.constant 8 : i32
      %scan3A_405 = arith.addi %scan3A_403, %scan3A_404 : i32
      %scan3A_406 = arith.constant 1 : i32
      %scan3A_407:17 = scf.for %scan3A_460 = %scan3A_403 to %scan3A_405 step %scan3A_406 iter_args(%scan3A_461 = %broadcast_in_dim3A_370, %scan3A_462 = %broadcast_in_dim3A_372, %scan3A_463 = %broadcast_in_dim3A_374, %scan3A_464 = %broadcast_in_dim3A_376, %scan3A_465 = %broadcast_in_dim3A_378, %scan3A_466 = %broadcast_in_dim3A_380, %scan3A_467 = %broadcast_in_dim3A_382, %scan3A_468 = %broadcast_in_dim3A_384, %scan3A_469 = %broadcast_in_dim3A_386, %scan3A_470 = %broadcast_in_dim3A_388, %scan3A_471 = %broadcast_in_dim3A_390, %scan3A_472 = %broadcast_in_dim3A_392, %scan3A_473 = %broadcast_in_dim3A_394, %scan3A_474 = %broadcast_in_dim3A_396, %scan3A_475 = %broadcast_in_dim3A_398, %scan3A_476 = %broadcast_in_dim3A_400, %scan3A_477 = %broadcast_in_dim3A_402) -> (vector<16xf32>, vector<16xf32>, vector<16xf32>, vector<16xf32>, vector<16xf32>, vector<16xf32>, vector<16xf32>, vector<16xf32>, vector<16xf32>, vector<16xf32>, vector<16xf32>, vector<16xf32>, vector<16xf32>, vector<16xf32>, vector<16xf32>, vector<16xf32>, vector<16xf32>)  : i32 {
        %mul3A_478 = arith.constant 4 : i32
        %mul3A_479 = arith.muli %scan3A_460, %mul3A_478 : i32
        %add3A_480 = arith.constant 0 : i32
        %add3A_481 = arith.addi %mul3A_479, %add3A_480 : i32
        %broadcast_in_dim3A_482 = vector.broadcast %add3A_481 : i32 to vector<16xi32>
        %gather3A = tpu.vector_load_idx %arg10[%broadcast_in_dim3A_368, %broadcast_in_dim3A_482] : memref<256x32xf32, #tpu.memory_space<vmem>>[vector<16xi32>, vector<16xi32>], vector<16xf32>,
        %get3A = arith.index_cast %add3A_481 : i32 to index
        %get3A_483 = arith.constant 0 : index
        %get3A_484 = tpu.vector_load %arg14[%get3A, %get3A_483] {strides = array<i32>} : memref<32x272xf32, #tpu.memory_space<vmem>>, vector<16xf32>,
        %mul3A_485 = arith.mulf %get3A_484, %gather3A : vector<16xf32>
        %add3A_486 = arith.addf %scan3A_461, %mul3A_485 : vector<16xf32>
        %get3A_487 = arith.index_cast %add3A_481 : i32 to index
        %get3A_488 = arith.constant 16 : index
        %get3A_489 = tpu.vector_load %arg14[%get3A_487, %get3A_488] {strides = array<i32>} : memref<32x272xf32, #tpu.memory_space<vmem>>, vector<16xf32>,
        %mul3A_490 = arith.mulf %get3A_489, %gather3A : vector<16xf32>
        %add3A_491 = arith.addf %scan3A_462, %mul3A_490 : vector<16xf32>
        %get3A_492 = arith.index_cast %add3A_481 : i32 to index
        %get3A_493 = arith.constant 32 : index
        %get3A_494 = tpu.vector_load %arg14[%get3A_492, %get3A_493] {strides = array<i32>} : memref<32x272xf32, #tpu.memory_space<vmem>>, vector<16xf32>,
        %mul3A_495 = arith.mulf %get3A_494, %gather3A : vector<16xf32>
        %add3A_496 = arith.addf %scan3A_463, %mul3A_495 : vector<16xf32>
        %get3A_497 = arith.index_cast %add3A_481 : i32 to index
        %get3A_498 = arith.constant 48 : index
        %get3A_499 = tpu.vector_load %arg14[%get3A_497, %get3A_498] {strides = array<i32>} : memref<32x272xf32, #tpu.memory_space<vmem>>, vector<16xf32>,
        %mul3A_500 = arith.mulf %get3A_499, %gather3A : vector<16xf32>
        %add3A_501 = arith.addf %scan3A_464, %mul3A_500 : vector<16xf32>
        %get3A_502 = arith.index_cast %add3A_481 : i32 to index
        %get3A_503 = arith.constant 64 : index
        %get3A_504 = tpu.vector_load %arg14[%get3A_502, %get3A_503] {strides = array<i32>} : memref<32x272xf32, #tpu.memory_space<vmem>>, vector<16xf32>,
        %mul3A_505 = arith.mulf %get3A_504, %gather3A : vector<16xf32>
        %add3A_506 = arith.addf %scan3A_465, %mul3A_505 : vector<16xf32>
        %get3A_507 = arith.index_cast %add3A_481 : i32 to index
        %get3A_508 = arith.constant 80 : index
        %get3A_509 = tpu.vector_load %arg14[%get3A_507, %get3A_508] {strides = array<i32>} : memref<32x272xf32, #tpu.memory_space<vmem>>, vector<16xf32>,
        %mul3A_510 = arith.mulf %get3A_509, %gather3A : vector<16xf32>
        %add3A_511 = arith.addf %scan3A_466, %mul3A_510 : vector<16xf32>
        %get3A_512 = arith.index_cast %add3A_481 : i32 to index
        %get3A_513 = arith.constant 96 : index
        %get3A_514 = tpu.vector_load %arg14[%get3A_512, %get3A_513] {strides = array<i32>} : memref<32x272xf32, #tpu.memory_space<vmem>>, vector<16xf32>,
        %mul3A_515 = arith.mulf %get3A_514, %gather3A : vector<16xf32>
        %add3A_516 = arith.addf %scan3A_467, %mul3A_515 : vector<16xf32>
        %get3A_517 = arith.index_cast %add3A_481 : i32 to index
        %get3A_518 = arith.constant 112 : index
        %get3A_519 = tpu.vector_load %arg14[%get3A_517, %get3A_518] {strides = array<i32>} : memref<32x272xf32, #tpu.memory_space<vmem>>, vector<16xf32>,
        %mul3A_520 = arith.mulf %get3A_519, %gather3A : vector<16xf32>
        %add3A_521 = arith.addf %scan3A_468, %mul3A_520 : vector<16xf32>
        %get3A_522 = arith.index_cast %add3A_481 : i32 to index
        %get3A_523 = arith.constant 128 : index
        %get3A_524 = tpu.vector_load %arg14[%get3A_522, %get3A_523] {strides = array<i32>} : memref<32x272xf32, #tpu.memory_space<vmem>>, vector<16xf32>,
        %mul3A_525 = arith.mulf %get3A_524, %gather3A : vector<16xf32>
        %add3A_526 = arith.addf %scan3A_469, %mul3A_525 : vector<16xf32>
        %get3A_527 = arith.index_cast %add3A_481 : i32 to index
        %get3A_528 = arith.constant 144 : index
        %get3A_529 = tpu.vector_load %arg14[%get3A_527, %get3A_528] {strides = array<i32>} : memref<32x272xf32, #tpu.memory_space<vmem>>, vector<16xf32>,
        %mul3A_530 = arith.mulf %get3A_529, %gather3A : vector<16xf32>
        %add3A_531 = arith.addf %scan3A_470, %mul3A_530 : vector<16xf32>
        %get3A_532 = arith.index_cast %add3A_481 : i32 to index
        %get3A_533 = arith.constant 160 : index
        %get3A_534 = tpu.vector_load %arg14[%get3A_532, %get3A_533] {strides = array<i32>} : memref<32x272xf32, #tpu.memory_space<vmem>>, vector<16xf32>,
        %mul3A_535 = arith.mulf %get3A_534, %gather3A : vector<16xf32>
        %add3A_536 = arith.addf %scan3A_471, %mul3A_535 : vector<16xf32>
        %get3A_537 = arith.index_cast %add3A_481 : i32 to index
        %get3A_538 = arith.constant 176 : index
        %get3A_539 = tpu.vector_load %arg14[%get3A_537, %get3A_538] {strides = array<i32>} : memref<32x272xf32, #tpu.memory_space<vmem>>, vector<16xf32>,
        %mul3A_540 = arith.mulf %get3A_539, %gather3A : vector<16xf32>
        %add3A_541 = arith.addf %scan3A_472, %mul3A_540 : vector<16xf32>
        %get3A_542 = arith.index_cast %add3A_481 : i32 to index
        %get3A_543 = arith.constant 192 : index
        %get3A_544 = tpu.vector_load %arg14[%get3A_542, %get3A_543] {strides = array<i32>} : memref<32x272xf32, #tpu.memory_space<vmem>>, vector<16xf32>,
        %mul3A_545 = arith.mulf %get3A_544, %gather3A : vector<16xf32>
        %add3A_546 = arith.addf %scan3A_473, %mul3A_545 : vector<16xf32>
        %get3A_547 = arith.index_cast %add3A_481 : i32 to index
        %get3A_548 = arith.constant 208 : index
        %get3A_549 = tpu.vector_load %arg14[%get3A_547, %get3A_548] {strides = array<i32>} : memref<32x272xf32, #tpu.memory_space<vmem>>, vector<16xf32>,
        %mul3A_550 = arith.mulf %get3A_549, %gather3A : vector<16xf32>
        %add3A_551 = arith.addf %scan3A_474, %mul3A_550 : vector<16xf32>
        %get3A_552 = arith.index_cast %add3A_481 : i32 to index
        %get3A_553 = arith.constant 224 : index
        %get3A_554 = tpu.vector_load %arg14[%get3A_552, %get3A_553] {strides = array<i32>} : memref<32x272xf32, #tpu.memory_space<vmem>>, vector<16xf32>,
        %mul3A_555 = arith.mulf %get3A_554, %gather3A : vector<16xf32>
        %add3A_556 = arith.addf %scan3A_475, %mul3A_555 : vector<16xf32>
        %get3A_557 = arith.index_cast %add3A_481 : i32 to index
        %get3A_558 = arith.constant 240 : index
        %get3A_559 = tpu.vector_load %arg14[%get3A_557, %get3A_558] {strides = array<i32>} : memref<32x272xf32, #tpu.memory_space<vmem>>, vector<16xf32>,
        %mul3A_560 = arith.mulf %get3A_559, %gather3A : vector<16xf32>
        %add3A_561 = arith.addf %scan3A_476, %mul3A_560 : vector<16xf32>
        %get3A_562 = arith.index_cast %add3A_481 : i32 to index
        %get3A_563 = arith.constant 256 : index
        %get3A_564 = tpu.vector_load %arg14[%get3A_562, %get3A_563] {strides = array<i32>} : memref<32x272xf32, #tpu.memory_space<vmem>>, vector<16xf32>,
        %mul3A_565 = arith.mulf %get3A_564, %gather3A : vector<16xf32>
        %add3A_566 = arith.addf %scan3A_477, %mul3A_565 : vector<16xf32>
        %add3A_567 = arith.constant 1 : i32
        %add3A_568 = arith.addi %mul3A_479, %add3A_567 : i32
        %broadcast_in_dim3A_569 = vector.broadcast %add3A_568 : i32 to vector<16xi32>
        %gather3A_570 = tpu.vector_load_idx %arg10[%broadcast_in_dim3A_368, %broadcast_in_dim3A_569] : memref<256x32xf32, #tpu.memory_space<vmem>>[vector<16xi32>, vector<16xi32>], vector<16xf32>,
        %get3A_571 = arith.index_cast %add3A_568 : i32 to index
        %get3A_572 = arith.constant 0 : index
        %get3A_573 = tpu.vector_load %arg14[%get3A_571, %get3A_572] {strides = array<i32>} : memref<32x272xf32, #tpu.memory_space<vmem>>, vector<16xf32>,
        %mul3A_574 = arith.mulf %get3A_573, %gather3A_570 : vector<16xf32>
        %add3A_575 = arith.addf %add3A_486, %mul3A_574 : vector<16xf32>
        %get3A_576 = arith.index_cast %add3A_568 : i32 to index
        %get3A_577 = arith.constant 16 : index
        %get3A_578 = tpu.vector_load %arg14[%get3A_576, %get3A_577] {strides = array<i32>} : memref<32x272xf32, #tpu.memory_space<vmem>>, vector<16xf32>,
        %mul3A_579 = arith.mulf %get3A_578, %gather3A_570 : vector<16xf32>
        %add3A_580 = arith.addf %add3A_491, %mul3A_579 : vector<16xf32>
        %get3A_581 = arith.index_cast %add3A_568 : i32 to index
        %get3A_582 = arith.constant 32 : index
        %get3A_583 = tpu.vector_load %arg14[%get3A_581, %get3A_582] {strides = array<i32>} : memref<32x272xf32, #tpu.memory_space<vmem>>, vector<16xf32>,
        %mul3A_584 = arith.mulf %get3A_583, %gather3A_570 : vector<16xf32>
        %add3A_585 = arith.addf %add3A_496, %mul3A_584 : vector<16xf32>
        %get3A_586 = arith.index_cast %add3A_568 : i32 to index
        %get3A_587 = arith.constant 48 : index
        %get3A_588 = tpu.vector_load %arg14[%get3A_586, %get3A_587] {strides = array<i32>} : memref<32x272xf32, #tpu.memory_space<vmem>>, vector<16xf32>,
        %mul3A_589 = arith.mulf %get3A_588, %gather3A_570 : vector<16xf32>
        %add3A_590 = arith.addf %add3A_501, %mul3A_589 : vector<16xf32>
        %get3A_591 = arith.index_cast %add3A_568 : i32 to index
        %get3A_592 = arith.constant 64 : index
        %get3A_593 = tpu.vector_load %arg14[%get3A_591, %get3A_592] {strides = array<i32>} : memref<32x272xf32, #tpu.memory_space<vmem>>, vector<16xf32>,
        %mul3A_594 = arith.mulf %get3A_593, %gather3A_570 : vector<16xf32>
        %add3A_595 = arith.addf %add3A_506, %mul3A_594 : vector<16xf32>
        %get3A_596 = arith.index_cast %add3A_568 : i32 to index
        %get3A_597 = arith.constant 80 : index
        %get3A_598 = tpu.vector_load %arg14[%get3A_596, %get3A_597] {strides = array<i32>} : memref<32x272xf32, #tpu.memory_space<vmem>>, vector<16xf32>,
        %mul3A_599 = arith.mulf %get3A_598, %gather3A_570 : vector<16xf32>
        %add3A_600 = arith.addf %add3A_511, %mul3A_599 : vector<16xf32>
        %get3A_601 = arith.index_cast %add3A_568 : i32 to index
        %get3A_602 = arith.constant 96 : index
        %get3A_603 = tpu.vector_load %arg14[%get3A_601, %get3A_602] {strides = array<i32>} : memref<32x272xf32, #tpu.memory_space<vmem>>, vector<16xf32>,
        %mul3A_604 = arith.mulf %get3A_603, %gather3A_570 : vector<16xf32>
        %add3A_605 = arith.addf %add3A_516, %mul3A_604 : vector<16xf32>
        %get3A_606 = arith.index_cast %add3A_568 : i32 to index
        %get3A_607 = arith.constant 112 : index
        %get3A_608 = tpu.vector_load %arg14[%get3A_606, %get3A_607] {strides = array<i32>} : memref<32x272xf32, #tpu.memory_space<vmem>>, vector<16xf32>,
        %mul3A_609 = arith.mulf %get3A_608, %gather3A_570 : vector<16xf32>
        %add3A_610 = arith.addf %add3A_521, %mul3A_609 : vector<16xf32>
        %get3A_611 = arith.index_cast %add3A_568 : i32 to index
        %get3A_612 = arith.constant 128 : index
        %get3A_613 = tpu.vector_load %arg14[%get3A_611, %get3A_612] {strides = array<i32>} : memref<32x272xf32, #tpu.memory_space<vmem>>, vector<16xf32>,
        %mul3A_614 = arith.mulf %get3A_613, %gather3A_570 : vector<16xf32>
        %add3A_615 = arith.addf %add3A_526, %mul3A_614 : vector<16xf32>
        %get3A_616 = arith.index_cast %add3A_568 : i32 to index
        %get3A_617 = arith.constant 144 : index
        %get3A_618 = tpu.vector_load %arg14[%get3A_616, %get3A_617] {strides = array<i32>} : memref<32x272xf32, #tpu.memory_space<vmem>>, vector<16xf32>,
        %mul3A_619 = arith.mulf %get3A_618, %gather3A_570 : vector<16xf32>
        %add3A_620 = arith.addf %add3A_531, %mul3A_619 : vector<16xf32>
        %get3A_621 = arith.index_cast %add3A_568 : i32 to index
        %get3A_622 = arith.constant 160 : index
        %get3A_623 = tpu.vector_load %arg14[%get3A_621, %get3A_622] {strides = array<i32>} : memref<32x272xf32, #tpu.memory_space<vmem>>, vector<16xf32>,
        %mul3A_624 = arith.mulf %get3A_623, %gather3A_570 : vector<16xf32>
        %add3A_625 = arith.addf %add3A_536, %mul3A_624 : vector<16xf32>
        %get3A_626 = arith.index_cast %add3A_568 : i32 to index
        %get3A_627 = arith.constant 176 : index
        %get3A_628 = tpu.vector_load %arg14[%get3A_626, %get3A_627] {strides = array<i32>} : memref<32x272xf32, #tpu.memory_space<vmem>>, vector<16xf32>,
        %mul3A_629 = arith.mulf %get3A_628, %gather3A_570 : vector<16xf32>
        %add3A_630 = arith.addf %add3A_541, %mul3A_629 : vector<16xf32>
        %get3A_631 = arith.index_cast %add3A_568 : i32 to index
        %get3A_632 = arith.constant 192 : index
        %get3A_633 = tpu.vector_load %arg14[%get3A_631, %get3A_632] {strides = array<i32>} : memref<32x272xf32, #tpu.memory_space<vmem>>, vector<16xf32>,
        %mul3A_634 = arith.mulf %get3A_633, %gather3A_570 : vector<16xf32>
        %add3A_635 = arith.addf %add3A_546, %mul3A_634 : vector<16xf32>
        %get3A_636 = arith.index_cast %add3A_568 : i32 to index
        %get3A_637 = arith.constant 208 : index
        %get3A_638 = tpu.vector_load %arg14[%get3A_636, %get3A_637] {strides = array<i32>} : memref<32x272xf32, #tpu.memory_space<vmem>>, vector<16xf32>,
        %mul3A_639 = arith.mulf %get3A_638, %gather3A_570 : vector<16xf32>
        %add3A_640 = arith.addf %add3A_551, %mul3A_639 : vector<16xf32>
        %get3A_641 = arith.index_cast %add3A_568 : i32 to index
        %get3A_642 = arith.constant 224 : index
        %get3A_643 = tpu.vector_load %arg14[%get3A_641, %get3A_642] {strides = array<i32>} : memref<32x272xf32, #tpu.memory_space<vmem>>, vector<16xf32>,
        %mul3A_644 = arith.mulf %get3A_643, %gather3A_570 : vector<16xf32>
        %add3A_645 = arith.addf %add3A_556, %mul3A_644 : vector<16xf32>
        %get3A_646 = arith.index_cast %add3A_568 : i32 to index
        %get3A_647 = arith.constant 240 : index
        %get3A_648 = tpu.vector_load %arg14[%get3A_646, %get3A_647] {strides = array<i32>} : memref<32x272xf32, #tpu.memory_space<vmem>>, vector<16xf32>,
        %mul3A_649 = arith.mulf %get3A_648, %gather3A_570 : vector<16xf32>
        %add3A_650 = arith.addf %add3A_561, %mul3A_649 : vector<16xf32>
        %get3A_651 = arith.index_cast %add3A_568 : i32 to index
        %get3A_652 = arith.constant 256 : index
        %get3A_653 = tpu.vector_load %arg14[%get3A_651, %get3A_652] {strides = array<i32>} : memref<32x272xf32, #tpu.memory_space<vmem>>, vector<16xf32>,
        %mul3A_654 = arith.mulf %get3A_653, %gather3A_570 : vector<16xf32>
        %add3A_655 = arith.addf %add3A_566, %mul3A_654 : vector<16xf32>
        %add3A_656 = arith.constant 2 : i32
        %add3A_657 = arith.addi %mul3A_479, %add3A_656 : i32
        %broadcast_in_dim3A_658 = vector.broadcast %add3A_657 : i32 to vector<16xi32>
        %gather3A_659 = tpu.vector_load_idx %arg10[%broadcast_in_dim3A_368, %broadcast_in_dim3A_658] : memref<256x32xf32, #tpu.memory_space<vmem>>[vector<16xi32>, vector<16xi32>], vector<16xf32>,
        %get3A_660 = arith.index_cast %add3A_657 : i32 to index
        %get3A_661 = arith.constant 0 : index
        %get3A_662 = tpu.vector_load %arg14[%get3A_660, %get3A_661] {strides = array<i32>} : memref<32x272xf32, #tpu.memory_space<vmem>>, vector<16xf32>,
        %mul3A_663 = arith.mulf %get3A_662, %gather3A_659 : vector<16xf32>
        %add3A_664 = arith.addf %add3A_575, %mul3A_663 : vector<16xf32>
        %get3A_665 = arith.index_cast %add3A_657 : i32 to index
        %get3A_666 = arith.constant 16 : index
        %get3A_667 = tpu.vector_load %arg14[%get3A_665, %get3A_666] {strides = array<i32>} : memref<32x272xf32, #tpu.memory_space<vmem>>, vector<16xf32>,
        %mul3A_668 = arith.mulf %get3A_667, %gather3A_659 : vector<16xf32>
        %add3A_669 = arith.addf %add3A_580, %mul3A_668 : vector<16xf32>
        %get3A_670 = arith.index_cast %add3A_657 : i32 to index
        %get3A_671 = arith.constant 32 : index
        %get3A_672 = tpu.vector_load %arg14[%get3A_670, %get3A_671] {strides = array<i32>} : memref<32x272xf32, #tpu.memory_space<vmem>>, vector<16xf32>,
        %mul3A_673 = arith.mulf %get3A_672, %gather3A_659 : vector<16xf32>
        %add3A_674 = arith.addf %add3A_585, %mul3A_673 : vector<16xf32>
        %get3A_675 = arith.index_cast %add3A_657 : i32 to index
        %get3A_676 = arith.constant 48 : index
        %get3A_677 = tpu.vector_load %arg14[%get3A_675, %get3A_676] {strides = array<i32>} : memref<32x272xf32, #tpu.memory_space<vmem>>, vector<16xf32>,
        %mul3A_678 = arith.mulf %get3A_677, %gather3A_659 : vector<16xf32>
        %add3A_679 = arith.addf %add3A_590, %mul3A_678 : vector<16xf32>
        %get3A_680 = arith.index_cast %add3A_657 : i32 to index
        %get3A_681 = arith.constant 64 : index
        %get3A_682 = tpu.vector_load %arg14[%get3A_680, %get3A_681] {strides = array<i32>} : memref<32x272xf32, #tpu.memory_space<vmem>>, vector<16xf32>,
        %mul3A_683 = arith.mulf %get3A_682, %gather3A_659 : vector<16xf32>
        %add3A_684 = arith.addf %add3A_595, %mul3A_683 : vector<16xf32>
        %get3A_685 = arith.index_cast %add3A_657 : i32 to index
        %get3A_686 = arith.constant 80 : index
        %get3A_687 = tpu.vector_load %arg14[%get3A_685, %get3A_686] {strides = array<i32>} : memref<32x272xf32, #tpu.memory_space<vmem>>, vector<16xf32>,
        %mul3A_688 = arith.mulf %get3A_687, %gather3A_659 : vector<16xf32>
        %add3A_689 = arith.addf %add3A_600, %mul3A_688 : vector<16xf32>
        %get3A_690 = arith.index_cast %add3A_657 : i32 to index
        %get3A_691 = arith.constant 96 : index
        %get3A_692 = tpu.vector_load %arg14[%get3A_690, %get3A_691] {strides = array<i32>} : memref<32x272xf32, #tpu.memory_space<vmem>>, vector<16xf32>,
        %mul3A_693 = arith.mulf %get3A_692, %gather3A_659 : vector<16xf32>
        %add3A_694 = arith.addf %add3A_605, %mul3A_693 : vector<16xf32>
        %get3A_695 = arith.index_cast %add3A_657 : i32 to index
        %get3A_696 = arith.constant 112 : index
        %get3A_697 = tpu.vector_load %arg14[%get3A_695, %get3A_696] {strides = array<i32>} : memref<32x272xf32, #tpu.memory_space<vmem>>, vector<16xf32>,
        %mul3A_698 = arith.mulf %get3A_697, %gather3A_659 : vector<16xf32>
        %add3A_699 = arith.addf %add3A_610, %mul3A_698 : vector<16xf32>
        %get3A_700 = arith.index_cast %add3A_657 : i32 to index
        %get3A_701 = arith.constant 128 : index
        %get3A_702 = tpu.vector_load %arg14[%get3A_700, %get3A_701] {strides = array<i32>} : memref<32x272xf32, #tpu.memory_space<vmem>>, vector<16xf32>,
        %mul3A_703 = arith.mulf %get3A_702, %gather3A_659 : vector<16xf32>
        %add3A_704 = arith.addf %add3A_615, %mul3A_703 : vector<16xf32>
        %get3A_705 = arith.index_cast %add3A_657 : i32 to index
        %get3A_706 = arith.constant 144 : index
        %get3A_707 = tpu.vector_load %arg14[%get3A_705, %get3A_706] {strides = array<i32>} : memref<32x272xf32, #tpu.memory_space<vmem>>, vector<16xf32>,
        %mul3A_708 = arith.mulf %get3A_707, %gather3A_659 : vector<16xf32>
        %add3A_709 = arith.addf %add3A_620, %mul3A_708 : vector<16xf32>
        %get3A_710 = arith.index_cast %add3A_657 : i32 to index
        %get3A_711 = arith.constant 160 : index
        %get3A_712 = tpu.vector_load %arg14[%get3A_710, %get3A_711] {strides = array<i32>} : memref<32x272xf32, #tpu.memory_space<vmem>>, vector<16xf32>,
        %mul3A_713 = arith.mulf %get3A_712, %gather3A_659 : vector<16xf32>
        %add3A_714 = arith.addf %add3A_625, %mul3A_713 : vector<16xf32>
        %get3A_715 = arith.index_cast %add3A_657 : i32 to index
        %get3A_716 = arith.constant 176 : index
        %get3A_717 = tpu.vector_load %arg14[%get3A_715, %get3A_716] {strides = array<i32>} : memref<32x272xf32, #tpu.memory_space<vmem>>, vector<16xf32>,
        %mul3A_718 = arith.mulf %get3A_717, %gather3A_659 : vector<16xf32>
        %add3A_719 = arith.addf %add3A_630, %mul3A_718 : vector<16xf32>
        %get3A_720 = arith.index_cast %add3A_657 : i32 to index
        %get3A_721 = arith.constant 192 : index
        %get3A_722 = tpu.vector_load %arg14[%get3A_720, %get3A_721] {strides = array<i32>} : memref<32x272xf32, #tpu.memory_space<vmem>>, vector<16xf32>,
        %mul3A_723 = arith.mulf %get3A_722, %gather3A_659 : vector<16xf32>
        %add3A_724 = arith.addf %add3A_635, %mul3A_723 : vector<16xf32>
        %get3A_725 = arith.index_cast %add3A_657 : i32 to index
        %get3A_726 = arith.constant 208 : index
        %get3A_727 = tpu.vector_load %arg14[%get3A_725, %get3A_726] {strides = array<i32>} : memref<32x272xf32, #tpu.memory_space<vmem>>, vector<16xf32>,
        %mul3A_728 = arith.mulf %get3A_727, %gather3A_659 : vector<16xf32>
        %add3A_729 = arith.addf %add3A_640, %mul3A_728 : vector<16xf32>
        %get3A_730 = arith.index_cast %add3A_657 : i32 to index
        %get3A_731 = arith.constant 224 : index
        %get3A_732 = tpu.vector_load %arg14[%get3A_730, %get3A_731] {strides = array<i32>} : memref<32x272xf32, #tpu.memory_space<vmem>>, vector<16xf32>,
        %mul3A_733 = arith.mulf %get3A_732, %gather3A_659 : vector<16xf32>
        %add3A_734 = arith.addf %add3A_645, %mul3A_733 : vector<16xf32>
        %get3A_735 = arith.index_cast %add3A_657 : i32 to index
        %get3A_736 = arith.constant 240 : index
        %get3A_737 = tpu.vector_load %arg14[%get3A_735, %get3A_736] {strides = array<i32>} : memref<32x272xf32, #tpu.memory_space<vmem>>, vector<16xf32>,
        %mul3A_738 = arith.mulf %get3A_737, %gather3A_659 : vector<16xf32>
        %add3A_739 = arith.addf %add3A_650, %mul3A_738 : vector<16xf32>
        %get3A_740 = arith.index_cast %add3A_657 : i32 to index
        %get3A_741 = arith.constant 256 : index
        %get3A_742 = tpu.vector_load %arg14[%get3A_740, %get3A_741] {strides = array<i32>} : memref<32x272xf32, #tpu.memory_space<vmem>>, vector<16xf32>,
        %mul3A_743 = arith.mulf %get3A_742, %gather3A_659 : vector<16xf32>
        %add3A_744 = arith.addf %add3A_655, %mul3A_743 : vector<16xf32>
        %add3A_745 = arith.constant 3 : i32
        %add3A_746 = arith.addi %mul3A_479, %add3A_745 : i32
        %broadcast_in_dim3A_747 = vector.broadcast %add3A_746 : i32 to vector<16xi32>
        %gather3A_748 = tpu.vector_load_idx %arg10[%broadcast_in_dim3A_368, %broadcast_in_dim3A_747] : memref<256x32xf32, #tpu.memory_space<vmem>>[vector<16xi32>, vector<16xi32>], vector<16xf32>,
        %get3A_749 = arith.index_cast %add3A_746 : i32 to index
        %get3A_750 = arith.constant 0 : index
        %get3A_751 = tpu.vector_load %arg14[%get3A_749, %get3A_750] {strides = array<i32>} : memref<32x272xf32, #tpu.memory_space<vmem>>, vector<16xf32>,
        %mul3A_752 = arith.mulf %get3A_751, %gather3A_748 : vector<16xf32>
        %add3A_753 = arith.addf %add3A_664, %mul3A_752 : vector<16xf32>
        %get3A_754 = arith.index_cast %add3A_746 : i32 to index
        %get3A_755 = arith.constant 16 : index
        %get3A_756 = tpu.vector_load %arg14[%get3A_754, %get3A_755] {strides = array<i32>} : memref<32x272xf32, #tpu.memory_space<vmem>>, vector<16xf32>,
        %mul3A_757 = arith.mulf %get3A_756, %gather3A_748 : vector<16xf32>
        %add3A_758 = arith.addf %add3A_669, %mul3A_757 : vector<16xf32>
        %get3A_759 = arith.index_cast %add3A_746 : i32 to index
        %get3A_760 = arith.constant 32 : index
        %get3A_761 = tpu.vector_load %arg14[%get3A_759, %get3A_760] {strides = array<i32>} : memref<32x272xf32, #tpu.memory_space<vmem>>, vector<16xf32>,
        %mul3A_762 = arith.mulf %get3A_761, %gather3A_748 : vector<16xf32>
        %add3A_763 = arith.addf %add3A_674, %mul3A_762 : vector<16xf32>
        %get3A_764 = arith.index_cast %add3A_746 : i32 to index
        %get3A_765 = arith.constant 48 : index
        %get3A_766 = tpu.vector_load %arg14[%get3A_764, %get3A_765] {strides = array<i32>} : memref<32x272xf32, #tpu.memory_space<vmem>>, vector<16xf32>,
        %mul3A_767 = arith.mulf %get3A_766, %gather3A_748 : vector<16xf32>
        %add3A_768 = arith.addf %add3A_679, %mul3A_767 : vector<16xf32>
        %get3A_769 = arith.index_cast %add3A_746 : i32 to index
        %get3A_770 = arith.constant 64 : index
        %get3A_771 = tpu.vector_load %arg14[%get3A_769, %get3A_770] {strides = array<i32>} : memref<32x272xf32, #tpu.memory_space<vmem>>, vector<16xf32>,
        %mul3A_772 = arith.mulf %get3A_771, %gather3A_748 : vector<16xf32>
        %add3A_773 = arith.addf %add3A_684, %mul3A_772 : vector<16xf32>
        %get3A_774 = arith.index_cast %add3A_746 : i32 to index
        %get3A_775 = arith.constant 80 : index
        %get3A_776 = tpu.vector_load %arg14[%get3A_774, %get3A_775] {strides = array<i32>} : memref<32x272xf32, #tpu.memory_space<vmem>>, vector<16xf32>,
        %mul3A_777 = arith.mulf %get3A_776, %gather3A_748 : vector<16xf32>
        %add3A_778 = arith.addf %add3A_689, %mul3A_777 : vector<16xf32>
        %get3A_779 = arith.index_cast %add3A_746 : i32 to index
        %get3A_780 = arith.constant 96 : index
        %get3A_781 = tpu.vector_load %arg14[%get3A_779, %get3A_780] {strides = array<i32>} : memref<32x272xf32, #tpu.memory_space<vmem>>, vector<16xf32>,
        %mul3A_782 = arith.mulf %get3A_781, %gather3A_748 : vector<16xf32>
        %add3A_783 = arith.addf %add3A_694, %mul3A_782 : vector<16xf32>
        %get3A_784 = arith.index_cast %add3A_746 : i32 to index
        %get3A_785 = arith.constant 112 : index
        %get3A_786 = tpu.vector_load %arg14[%get3A_784, %get3A_785] {strides = array<i32>} : memref<32x272xf32, #tpu.memory_space<vmem>>, vector<16xf32>,
        %mul3A_787 = arith.mulf %get3A_786, %gather3A_748 : vector<16xf32>
        %add3A_788 = arith.addf %add3A_699, %mul3A_787 : vector<16xf32>
        %get3A_789 = arith.index_cast %add3A_746 : i32 to index
        %get3A_790 = arith.constant 128 : index
        %get3A_791 = tpu.vector_load %arg14[%get3A_789, %get3A_790] {strides = array<i32>} : memref<32x272xf32, #tpu.memory_space<vmem>>, vector<16xf32>,
        %mul3A_792 = arith.mulf %get3A_791, %gather3A_748 : vector<16xf32>
        %add3A_793 = arith.addf %add3A_704, %mul3A_792 : vector<16xf32>
        %get3A_794 = arith.index_cast %add3A_746 : i32 to index
        %get3A_795 = arith.constant 144 : index
        %get3A_796 = tpu.vector_load %arg14[%get3A_794, %get3A_795] {strides = array<i32>} : memref<32x272xf32, #tpu.memory_space<vmem>>, vector<16xf32>,
        %mul3A_797 = arith.mulf %get3A_796, %gather3A_748 : vector<16xf32>
        %add3A_798 = arith.addf %add3A_709, %mul3A_797 : vector<16xf32>
        %get3A_799 = arith.index_cast %add3A_746 : i32 to index
        %get3A_800 = arith.constant 160 : index
        %get3A_801 = tpu.vector_load %arg14[%get3A_799, %get3A_800] {strides = array<i32>} : memref<32x272xf32, #tpu.memory_space<vmem>>, vector<16xf32>,
        %mul3A_802 = arith.mulf %get3A_801, %gather3A_748 : vector<16xf32>
        %add3A_803 = arith.addf %add3A_714, %mul3A_802 : vector<16xf32>
        %get3A_804 = arith.index_cast %add3A_746 : i32 to index
        %get3A_805 = arith.constant 176 : index
        %get3A_806 = tpu.vector_load %arg14[%get3A_804, %get3A_805] {strides = array<i32>} : memref<32x272xf32, #tpu.memory_space<vmem>>, vector<16xf32>,
        %mul3A_807 = arith.mulf %get3A_806, %gather3A_748 : vector<16xf32>
        %add3A_808 = arith.addf %add3A_719, %mul3A_807 : vector<16xf32>
        %get3A_809 = arith.index_cast %add3A_746 : i32 to index
        %get3A_810 = arith.constant 192 : index
        %get3A_811 = tpu.vector_load %arg14[%get3A_809, %get3A_810] {strides = array<i32>} : memref<32x272xf32, #tpu.memory_space<vmem>>, vector<16xf32>,
        %mul3A_812 = arith.mulf %get3A_811, %gather3A_748 : vector<16xf32>
        %add3A_813 = arith.addf %add3A_724, %mul3A_812 : vector<16xf32>
        %get3A_814 = arith.index_cast %add3A_746 : i32 to index
        %get3A_815 = arith.constant 208 : index
        %get3A_816 = tpu.vector_load %arg14[%get3A_814, %get3A_815] {strides = array<i32>} : memref<32x272xf32, #tpu.memory_space<vmem>>, vector<16xf32>,
        %mul3A_817 = arith.mulf %get3A_816, %gather3A_748 : vector<16xf32>
        %add3A_818 = arith.addf %add3A_729, %mul3A_817 : vector<16xf32>
        %get3A_819 = arith.index_cast %add3A_746 : i32 to index
        %get3A_820 = arith.constant 224 : index
        %get3A_821 = tpu.vector_load %arg14[%get3A_819, %get3A_820] {strides = array<i32>} : memref<32x272xf32, #tpu.memory_space<vmem>>, vector<16xf32>,
        %mul3A_822 = arith.mulf %get3A_821, %gather3A_748 : vector<16xf32>
        %add3A_823 = arith.addf %add3A_734, %mul3A_822 : vector<16xf32>
        %get3A_824 = arith.index_cast %add3A_746 : i32 to index
        %get3A_825 = arith.constant 240 : index
        %get3A_826 = tpu.vector_load %arg14[%get3A_824, %get3A_825] {strides = array<i32>} : memref<32x272xf32, #tpu.memory_space<vmem>>, vector<16xf32>,
        %mul3A_827 = arith.mulf %get3A_826, %gather3A_748 : vector<16xf32>
        %add3A_828 = arith.addf %add3A_739, %mul3A_827 : vector<16xf32>
        %get3A_829 = arith.index_cast %add3A_746 : i32 to index
        %get3A_830 = arith.constant 256 : index
        %get3A_831 = tpu.vector_load %arg14[%get3A_829, %get3A_830] {strides = array<i32>} : memref<32x272xf32, #tpu.memory_space<vmem>>, vector<16xf32>,
        %mul3A_832 = arith.mulf %get3A_831, %gather3A_748 : vector<16xf32>
        %add3A_833 = arith.addf %add3A_744, %mul3A_832 : vector<16xf32>
        scf.yield %add3A_753, %add3A_758, %add3A_763, %add3A_768, %add3A_773, %add3A_778, %add3A_783, %add3A_788, %add3A_793, %add3A_798, %add3A_803, %add3A_808, %add3A_813, %add3A_818, %add3A_823, %add3A_828, %add3A_833 : vector<16xf32>, vector<16xf32>, vector<16xf32>, vector<16xf32>, vector<16xf32>, vector<16xf32>, vector<16xf32>, vector<16xf32>, vector<16xf32>, vector<16xf32>, vector<16xf32>, vector<16xf32>, vector<16xf32>, vector<16xf32>, vector<16xf32>, vector<16xf32>, vector<16xf32>
      }
      %scan3A_408 = arith.constant 8 : i32
      %swap3A_409 = arith.index_cast %add3A_352 : i32 to index
      %swap3A_410 = arith.constant 0 : index
      %swap3A_411 = tpu.vector_load %arg15[%swap3A_409, %swap3A_410] {strides = array<i32>} : memref<256x272xf32, #tpu.memory_space<vmem>>, vector<16xf32>,
      tpu.vector_store %arg15[%swap3A_409, %swap3A_410], %scan3A_407#0 {strides = array<i32>} : memref<256x272xf32, #tpu.memory_space<vmem>>, vector<16xf32>,
      %swap3A_412 = arith.index_cast %add3A_352 : i32 to index
      %swap3A_413 = arith.constant 16 : index
      %swap3A_414 = tpu.vector_load %arg15[%swap3A_412, %swap3A_413] {strides = array<i32>} : memref<256x272xf32, #tpu.memory_space<vmem>>, vector<16xf32>,
      tpu.vector_store %arg15[%swap3A_412, %swap3A_413], %scan3A_407#1 {strides = array<i32>} : memref<256x272xf32, #tpu.memory_space<vmem>>, vector<16xf32>,
      %swap3A_415 = arith.index_cast %add3A_352 : i32 to index
      %swap3A_416 = arith.constant 32 : index
      %swap3A_417 = tpu.vector_load %arg15[%swap3A_415, %swap3A_416] {strides = array<i32>} : memref<256x272xf32, #tpu.memory_space<vmem>>, vector<16xf32>,
      tpu.vector_store %arg15[%swap3A_415, %swap3A_416], %scan3A_407#2 {strides = array<i32>} : memref<256x272xf32, #tpu.memory_space<vmem>>, vector<16xf32>,
      %swap3A_418 = arith.index_cast %add3A_352 : i32 to index
      %swap3A_419 = arith.constant 48 : index
      %swap3A_420 = tpu.vector_load %arg15[%swap3A_418, %swap3A_419] {strides = array<i32>} : memref<256x272xf32, #tpu.memory_space<vmem>>, vector<16xf32>,
      tpu.vector_store %arg15[%swap3A_418, %swap3A_419], %scan3A_407#3 {strides = array<i32>} : memref<256x272xf32, #tpu.memory_space<vmem>>, vector<16xf32>,
      %swap3A_421 = arith.index_cast %add3A_352 : i32 to index
      %swap3A_422 = arith.constant 64 : index
      %swap3A_423 = tpu.vector_load %arg15[%swap3A_421, %swap3A_422] {strides = array<i32>} : memref<256x272xf32, #tpu.memory_space<vmem>>, vector<16xf32>,
      tpu.vector_store %arg15[%swap3A_421, %swap3A_422], %scan3A_407#4 {strides = array<i32>} : memref<256x272xf32, #tpu.memory_space<vmem>>, vector<16xf32>,
      %swap3A_424 = arith.index_cast %add3A_352 : i32 to index
      %swap3A_425 = arith.constant 80 : index
      %swap3A_426 = tpu.vector_load %arg15[%swap3A_424, %swap3A_425] {strides = array<i32>} : memref<256x272xf32, #tpu.memory_space<vmem>>, vector<16xf32>,
      tpu.vector_store %arg15[%swap3A_424, %swap3A_425], %scan3A_407#5 {strides = array<i32>} : memref<256x272xf32, #tpu.memory_space<vmem>>, vector<16xf32>,
      %swap3A_427 = arith.index_cast %add3A_352 : i32 to index
      %swap3A_428 = arith.constant 96 : index
      %swap3A_429 = tpu.vector_load %arg15[%swap3A_427, %swap3A_428] {strides = array<i32>} : memref<256x272xf32, #tpu.memory_space<vmem>>, vector<16xf32>,
      tpu.vector_store %arg15[%swap3A_427, %swap3A_428], %scan3A_407#6 {strides = array<i32>} : memref<256x272xf32, #tpu.memory_space<vmem>>, vector<16xf32>,
      %swap3A_430 = arith.index_cast %add3A_352 : i32 to index
      %swap3A_431 = arith.constant 112 : index
      %swap3A_432 = tpu.vector_load %arg15[%swap3A_430, %swap3A_431] {strides = array<i32>} : memref<256x272xf32, #tpu.memory_space<vmem>>, vector<16xf32>,
      tpu.vector_store %arg15[%swap3A_430, %swap3A_431], %scan3A_407#7 {strides = array<i32>} : memref<256x272xf32, #tpu.memory_space<vmem>>, vector<16xf32>,
      %swap3A_433 = arith.index_cast %add3A_352 : i32 to index
      %swap3A_434 = arith.constant 128 : index
      %swap3A_435 = tpu.vector_load %arg15[%swap3A_433, %swap3A_434] {strides = array<i32>} : memref<256x272xf32, #tpu.memory_space<vmem>>, vector<16xf32>,
      tpu.vector_store %arg15[%swap3A_433, %swap3A_434], %scan3A_407#8 {strides = array<i32>} : memref<256x272xf32, #tpu.memory_space<vmem>>, vector<16xf32>,
      %swap3A_436 = arith.index_cast %add3A_352 : i32 to index
      %swap3A_437 = arith.constant 144 : index
      %swap3A_438 = tpu.vector_load %arg15[%swap3A_436, %swap3A_437] {strides = array<i32>} : memref<256x272xf32, #tpu.memory_space<vmem>>, vector<16xf32>,
      tpu.vector_store %arg15[%swap3A_436, %swap3A_437], %scan3A_407#9 {strides = array<i32>} : memref<256x272xf32, #tpu.memory_space<vmem>>, vector<16xf32>,
      %swap3A_439 = arith.index_cast %add3A_352 : i32 to index
      %swap3A_440 = arith.constant 160 : index
      %swap3A_441 = tpu.vector_load %arg15[%swap3A_439, %swap3A_440] {strides = array<i32>} : memref<256x272xf32, #tpu.memory_space<vmem>>, vector<16xf32>,
      tpu.vector_store %arg15[%swap3A_439, %swap3A_440], %scan3A_407#10 {strides = array<i32>} : memref<256x272xf32, #tpu.memory_space<vmem>>, vector<16xf32>,
      %swap3A_442 = arith.index_cast %add3A_352 : i32 to index
      %swap3A_443 = arith.constant 176 : index
      %swap3A_444 = tpu.vector_load %arg15[%swap3A_442, %swap3A_443] {strides = array<i32>} : memref<256x272xf32, #tpu.memory_space<vmem>>, vector<16xf32>,
      tpu.vector_store %arg15[%swap3A_442, %swap3A_443], %scan3A_407#11 {strides = array<i32>} : memref<256x272xf32, #tpu.memory_space<vmem>>, vector<16xf32>,
      %swap3A_445 = arith.index_cast %add3A_352 : i32 to index
      %swap3A_446 = arith.constant 192 : index
      %swap3A_447 = tpu.vector_load %arg15[%swap3A_445, %swap3A_446] {strides = array<i32>} : memref<256x272xf32, #tpu.memory_space<vmem>>, vector<16xf32>,
      tpu.vector_store %arg15[%swap3A_445, %swap3A_446], %scan3A_407#12 {strides = array<i32>} : memref<256x272xf32, #tpu.memory_space<vmem>>, vector<16xf32>,
      %swap3A_448 = arith.index_cast %add3A_352 : i32 to index
      %swap3A_449 = arith.constant 208 : index
      %swap3A_450 = tpu.vector_load %arg15[%swap3A_448, %swap3A_449] {strides = array<i32>} : memref<256x272xf32, #tpu.memory_space<vmem>>, vector<16xf32>,
      tpu.vector_store %arg15[%swap3A_448, %swap3A_449], %scan3A_407#13 {strides = array<i32>} : memref<256x272xf32, #tpu.memory_space<vmem>>, vector<16xf32>,
      %swap3A_451 = arith.index_cast %add3A_352 : i32 to index
      %swap3A_452 = arith.constant 224 : index
      %swap3A_453 = tpu.vector_load %arg15[%swap3A_451, %swap3A_452] {strides = array<i32>} : memref<256x272xf32, #tpu.memory_space<vmem>>, vector<16xf32>,
      tpu.vector_store %arg15[%swap3A_451, %swap3A_452], %scan3A_407#14 {strides = array<i32>} : memref<256x272xf32, #tpu.memory_space<vmem>>, vector<16xf32>,
      %swap3A_454 = arith.index_cast %add3A_352 : i32 to index
      %swap3A_455 = arith.constant 240 : index
      %swap3A_456 = tpu.vector_load %arg15[%swap3A_454, %swap3A_455] {strides = array<i32>} : memref<256x272xf32, #tpu.memory_space<vmem>>, vector<16xf32>,
      tpu.vector_store %arg15[%swap3A_454, %swap3A_455], %scan3A_407#15 {strides = array<i32>} : memref<256x272xf32, #tpu.memory_space<vmem>>, vector<16xf32>,
      %swap3A_457 = arith.index_cast %add3A_352 : i32 to index
      %swap3A_458 = arith.constant 256 : index
      %swap3A_459 = tpu.vector_load %arg15[%swap3A_457, %swap3A_458] {strides = array<i32>} : memref<256x272xf32, #tpu.memory_space<vmem>>, vector<16xf32>,
      tpu.vector_store %arg15[%swap3A_457, %swap3A_458], %scan3A_407#16 {strides = array<i32>} : memref<256x272xf32, #tpu.memory_space<vmem>>, vector<16xf32>,
    }
    %scan3A_27 = arith.constant 64 : i32
    "tpu.region"() ({
      %run_scoped3A = tpu.sem_alloc : memref<!tpu.dma_semaphore, #tpu.memory_space<semaphore_mem>>
      %dma_start3A_28 = arith.constant 0 : i32
      %dma_start3A_29 = arith.constant 0 : i32
      %dma_start3A_30 = tpu.memref_slice %arg15[%dma_start3A_28, %dma_start3A_29] : memref<256x272xf32, #tpu.memory_space<vmem>> -> memref<128x272xf32, #tpu.memory_space<vmem>>
      %dma_start3A_31 = arith.constant 0 : i32
      %dma_start3A_32 = tpu.memref_slice %arg7[%mul3A_2, %dma_start3A_31] : memref<4096x272xf32, #tpu.memory_space<hbm>> -> memref<128x272xf32, #tpu.memory_space<hbm>>
      %dma_start3A_33 = arith.constant 0 : i32
      %dma_start3A_34 = tpu.memref_slice %arg7[%mul3A_2, %dma_start3A_33] : memref<4096x272xf32, #tpu.memory_space<hbm>> -> memref<128x272xf32, #tpu.memory_space<hbm>>
      %dma_start3A_35 = arith.constant 0 : i32
      %dma_start3A_36 = arith.constant 0 : i32
      %dma_start3A_37 = tpu.memref_slice %arg15[%dma_start3A_35, %dma_start3A_36] : memref<256x272xf32, #tpu.memory_space<vmem>> -> memref<128x272xf32, #tpu.memory_space<vmem>>
      tpu.enqueue_dma source(%dma_start3A_37 : memref<128x272xf32, #tpu.memory_space<vmem>>) target(%dma_start3A_34 : memref<128x272xf32, #tpu.memory_space<hbm>>) target_semaphore(%run_scoped3A : memref<!tpu.dma_semaphore, #tpu.memory_space<semaphore_mem>>)
      %dma_wait3A = arith.constant 0 : i32
      %dma_wait3A_38 = arith.constant 0 : i32
      %dma_wait3A_39 = tpu.memref_slice %arg15[%dma_wait3A, %dma_wait3A_38] : memref<256x272xf32, #tpu.memory_space<vmem>> -> memref<128x272xf32, #tpu.memory_space<vmem>>
      %dma_wait3A_40 = arith.constant 0 : i32
      %dma_wait3A_41 = tpu.memref_slice %arg7[%mul3A_2, %dma_wait3A_40] : memref<4096x272xf32, #tpu.memory_space<hbm>> -> memref<128x272xf32, #tpu.memory_space<hbm>>
      %dma_wait3A_42 = arith.constant 0 : i32
      %dma_wait3A_43 = tpu.memref_slice %arg7[%mul3A_2, %dma_wait3A_42] : memref<4096x272xf32, #tpu.memory_space<hbm>> -> memref<128x272xf32, #tpu.memory_space<hbm>>
      %dma_wait3A_44 = arith.constant 0 : i32
      %dma_wait3A_45 = arith.constant 0 : i32
      %dma_wait3A_46 = tpu.memref_slice %arg15[%dma_wait3A_44, %dma_wait3A_45] : memref<256x272xf32, #tpu.memory_space<vmem>> -> memref<128x272xf32, #tpu.memory_space<vmem>>
      tpu.wait_dma2 semaphore(%run_scoped3A : memref<!tpu.dma_semaphore, #tpu.memory_space<semaphore_mem>>) src(%dma_wait3A_46 : memref<128x272xf32, #tpu.memory_space<vmem>>) dst(%dma_wait3A_43 : memref<128x272xf32, #tpu.memory_space<hbm>>)
      tpu.yield
    }) : () -> ()
    "tpu.region"() ({
      %run_scoped3A = tpu.sem_alloc : memref<!tpu.dma_semaphore, #tpu.memory_space<semaphore_mem>>
      %dma_start3A_28 = arith.constant 128 : i32
      %dma_start3A_29 = arith.constant 0 : i32
      %dma_start3A_30 = tpu.memref_slice %arg15[%dma_start3A_28, %dma_start3A_29] : memref<256x272xf32, #tpu.memory_space<vmem>> -> memref<128x272xf32, #tpu.memory_space<vmem>>
      %dma_start3A_31 = arith.constant 0 : i32
      %dma_start3A_32 = tpu.memref_slice %arg8[%mul3A_2, %dma_start3A_31] : memref<4096x272xf32, #tpu.memory_space<hbm>> -> memref<128x272xf32, #tpu.memory_space<hbm>>
      %dma_start3A_33 = arith.constant 0 : i32
      %dma_start3A_34 = tpu.memref_slice %arg8[%mul3A_2, %dma_start3A_33] : memref<4096x272xf32, #tpu.memory_space<hbm>> -> memref<128x272xf32, #tpu.memory_space<hbm>>
      %dma_start3A_35 = arith.constant 128 : i32
      %dma_start3A_36 = arith.constant 0 : i32
      %dma_start3A_37 = tpu.memref_slice %arg15[%dma_start3A_35, %dma_start3A_36] : memref<256x272xf32, #tpu.memory_space<vmem>> -> memref<128x272xf32, #tpu.memory_space<vmem>>
      tpu.enqueue_dma source(%dma_start3A_37 : memref<128x272xf32, #tpu.memory_space<vmem>>) target(%dma_start3A_34 : memref<128x272xf32, #tpu.memory_space<hbm>>) target_semaphore(%run_scoped3A : memref<!tpu.dma_semaphore, #tpu.memory_space<semaphore_mem>>)
      %dma_wait3A = arith.constant 128 : i32
      %dma_wait3A_38 = arith.constant 0 : i32
      %dma_wait3A_39 = tpu.memref_slice %arg15[%dma_wait3A, %dma_wait3A_38] : memref<256x272xf32, #tpu.memory_space<vmem>> -> memref<128x272xf32, #tpu.memory_space<vmem>>
      %dma_wait3A_40 = arith.constant 0 : i32
      %dma_wait3A_41 = tpu.memref_slice %arg8[%mul3A_2, %dma_wait3A_40] : memref<4096x272xf32, #tpu.memory_space<hbm>> -> memref<128x272xf32, #tpu.memory_space<hbm>>
      %dma_wait3A_42 = arith.constant 0 : i32
      %dma_wait3A_43 = tpu.memref_slice %arg8[%mul3A_2, %dma_wait3A_42] : memref<4096x272xf32, #tpu.memory_space<hbm>> -> memref<128x272xf32, #tpu.memory_space<hbm>>
      %dma_wait3A_44 = arith.constant 128 : i32
      %dma_wait3A_45 = arith.constant 0 : i32
      %dma_wait3A_46 = tpu.memref_slice %arg15[%dma_wait3A_44, %dma_wait3A_45] : memref<256x272xf32, #tpu.memory_space<vmem>> -> memref<128x272xf32, #tpu.memory_space<vmem>>
      tpu.wait_dma2 semaphore(%run_scoped3A : memref<!tpu.dma_semaphore, #tpu.memory_space<semaphore_mem>>) src(%dma_wait3A_46 : memref<128x272xf32, #tpu.memory_space<vmem>>) dst(%dma_wait3A_43 : memref<128x272xf32, #tpu.memory_space<hbm>>)
      tpu.yield
    }) : () -> ()
    return
  }
}

module attributes {stable_mosaic.version = 14 : i64} {
  func.func @_head_body(%arg0: i32, %arg1: memref<512x272xf32, #tpu.memory_space<vmem>>, %arg2: memref<512x272xf32, #tpu.memory_space<vmem>>, %arg3: memref<512x1xf32, #tpu.memory_space<vmem>>, %arg4: memref<1x256xf32, #tpu.memory_space<vmem>>, %arg5: memref<256x32xf32, #tpu.memory_space<vmem>>, %arg6: memref<256x32xf32, #tpu.memory_space<vmem>>, %arg7: memref<1x32xf32, #tpu.memory_space<vmem>>, %arg8: memref<32x32xf32, #tpu.memory_space<vmem>>, %arg9: memref<1x32xf32, #tpu.memory_space<vmem>>, %arg10: memref<32x1xf32, #tpu.memory_space<vmem>>, %arg11: memref<1x1xf32, #tpu.memory_space<vmem>>, %arg12: memref<512x1xf32, #tpu.memory_space<vmem>>) attributes {dimension_semantics = [#tpu.dimension_semantics<arbitrary>], iteration_bounds = array<i64: 8>, scalar_prefetch = 0 : i64, scratch_operands = 0 : i64, tpu.core_type = #tpu.core_type<tc>, window_params = [{transform_indices = @transform_0, window_bounds = array<i64: 512, 272>}, {transform_indices = @transform_1, window_bounds = array<i64: 512, 272>}, {transform_indices = @transform_2, window_bounds = array<i64: 512, 1>}, {pipeline_mode = #tpu.pipeline_mode<synchronous>, transform_indices = @transform_3, window_bounds = array<i64: 1, 256>}, {pipeline_mode = #tpu.pipeline_mode<synchronous>, transform_indices = @transform_4, window_bounds = array<i64: 256, 32>}, {pipeline_mode = #tpu.pipeline_mode<synchronous>, transform_indices = @transform_5, window_bounds = array<i64: 256, 32>}, {pipeline_mode = #tpu.pipeline_mode<synchronous>, transform_indices = @transform_6, window_bounds = array<i64: 1, 32>}, {pipeline_mode = #tpu.pipeline_mode<synchronous>, transform_indices = @transform_7, window_bounds = array<i64: 32, 32>}, {pipeline_mode = #tpu.pipeline_mode<synchronous>, transform_indices = @transform_8, window_bounds = array<i64: 1, 32>}, {pipeline_mode = #tpu.pipeline_mode<synchronous>, transform_indices = @transform_9, window_bounds = array<i64: 32, 1>}, {pipeline_mode = #tpu.pipeline_mode<synchronous>, transform_indices = @transform_10, window_bounds = array<i64: 1, 1>}, {transform_indices = @transform_11, window_bounds = array<i64: 512, 1>}]} {
    %get3A = arith.constant 0 : index
    %get3A_0 = arith.constant 0 : index
    %get3A_1 = vector.load %arg3[%get3A, %get3A_0] : memref<512x1xf32, #tpu.memory_space<vmem>>, vector<512x1xf32>
    %get3A_2 = arith.constant 0 : index
    %get3A_3 = arith.constant 0 : index
    %get3A_4 = vector.load %arg1[%get3A_2, %get3A_3] : memref<512x272xf32, #tpu.memory_space<vmem>>, vector<512x272xf32>
    %get3A_5 = arith.constant 0 : index
    %get3A_6 = arith.constant 0 : index
    %get3A_7 = vector.load %arg2[%get3A_5, %get3A_6] : memref<512x272xf32, #tpu.memory_space<vmem>>, vector<512x272xf32>
    %slice3A = vector.extract_strided_slice %get3A_4 {offsets = [0, 0], sizes = [512, 256], strides = [1, 1]} : vector<512x272xf32> to vector<512x256xf32>
    %get3A_8 = arith.constant 0 : index
    %get3A_9 = arith.constant 0 : index
    %get3A_10 = vector.load %arg4[%get3A_8, %get3A_9] : memref<1x256xf32, #tpu.memory_space<vmem>>, vector<1x256xf32>
    %add3A = vector.broadcast %get3A_10 : vector<1x256xf32> to vector<512x256xf32>
    %add3A_11 = arith.addf %slice3A, %add3A : vector<512x256xf32>
    %slice3A_12 = vector.extract_strided_slice %get3A_7 {offsets = [0, 0], sizes = [512, 256], strides = [1, 1]} : vector<512x272xf32> to vector<512x256xf32>
    %get3A_13 = arith.constant 0 : index
    %get3A_14 = arith.constant 0 : index
    %get3A_15 = vector.load %arg4[%get3A_13, %get3A_14] : memref<1x256xf32, #tpu.memory_space<vmem>>, vector<1x256xf32>
    %add3A_16 = vector.broadcast %get3A_15 : vector<1x256xf32> to vector<512x256xf32>
    %add3A_17 = arith.addf %slice3A_12, %add3A_16 : vector<512x256xf32>
    %slice3A_18 = vector.extract_strided_slice %get3A_4 {offsets = [0, 256], sizes = [512, 1], strides = [1, 1]} : vector<512x272xf32> to vector<512x1xf32>
    %slice3A_19 = vector.extract_strided_slice %get3A_7 {offsets = [0, 256], sizes = [512, 1], strides = [1, 1]} : vector<512x272xf32> to vector<512x1xf32>
    %sub3A = arith.subf %slice3A_18, %slice3A_19 : vector<512x1xf32>
    %sub3A_20 = arith.subf %add3A_17, %add3A_11 : vector<512x256xf32>
    %mul3A = vector.broadcast %get3A_1 : vector<512x1xf32> to vector<512x256xf32>
    %mul3A_21 = arith.mulf %mul3A, %sub3A_20 : vector<512x256xf32>
    %add3A_22 = arith.addf %add3A_11, %mul3A_21 : vector<512x256xf32>
    %jit3A = arith.constant 0.000000e+00 : f32
    %jit3A_23 = arith.constant 1.000000e+00 : f32
    %max3A = vector.broadcast %jit3A : f32 to vector<512x256xf32>
    %max3A_24 = arith.maximumf %max3A, %add3A_22 : vector<512x256xf32>
    %min3A = vector.broadcast %jit3A_23 : f32 to vector<512x256xf32>
    %min3A_25 = arith.minimumf %min3A, %max3A_24 : vector<512x256xf32>
    %sub3A_26 = arith.subf %add3A_11, %add3A_17 : vector<512x256xf32>
    %mul3A_27 = vector.broadcast %get3A_1 : vector<512x1xf32> to vector<512x256xf32>
    %mul3A_28 = arith.mulf %mul3A_27, %sub3A_26 : vector<512x256xf32>
    %add3A_29 = arith.addf %add3A_17, %mul3A_28 : vector<512x256xf32>
    %jit3A_30 = arith.constant 0.000000e+00 : f32
    %jit3A_31 = arith.constant 1.000000e+00 : f32
    %max3A_32 = vector.broadcast %jit3A_30 : f32 to vector<512x256xf32>
    %max3A_33 = arith.maximumf %max3A_32, %add3A_29 : vector<512x256xf32>
    %min3A_34 = vector.broadcast %jit3A_31 : f32 to vector<512x256xf32>
    %min3A_35 = arith.minimumf %min3A_34, %max3A_33 : vector<512x256xf32>
    %get3A_36 = arith.constant 0 : index
    %get3A_37 = arith.constant 0 : index
    %get3A_38 = vector.load %arg5[%get3A_36, %get3A_37] : memref<256x32xf32, #tpu.memory_space<vmem>>, vector<256x32xf32>
    %dot_general3A = arith.constant dense<0.000000e+00> : vector<512x32xf32>
    %dot_general3A_39 = tpu.matmul %min3A_25, %get3A_38, %dot_general3A {dimension_numbers = #tpu.dot_dimension_numbers<[1], [0], [0], [1], [0, 0, 1, 1], [], []>, transpose_lhs_hint = false} : vector<512x256xf32>, vector<256x32xf32>, vector<512x32xf32> -> vector<512x32xf32>
    %get3A_40 = arith.constant 0 : index
    %get3A_41 = arith.constant 0 : index
    %get3A_42 = vector.load %arg6[%get3A_40, %get3A_41] : memref<256x32xf32, #tpu.memory_space<vmem>>, vector<256x32xf32>
    %dot_general3A_43 = arith.constant dense<0.000000e+00> : vector<512x32xf32>
    %dot_general3A_44 = tpu.matmul %min3A_35, %get3A_42, %dot_general3A_43 {dimension_numbers = #tpu.dot_dimension_numbers<[1], [0], [0], [1], [0, 0, 1, 1], [], []>, transpose_lhs_hint = false} : vector<512x256xf32>, vector<256x32xf32>, vector<512x32xf32> -> vector<512x32xf32>
    %add3A_45 = arith.addf %dot_general3A_39, %dot_general3A_44 : vector<512x32xf32>
    %get3A_46 = arith.constant 0 : index
    %get3A_47 = arith.constant 0 : index
    %get3A_48 = vector.load %arg7[%get3A_46, %get3A_47] : memref<1x32xf32, #tpu.memory_space<vmem>>, vector<1x32xf32>
    %add3A_49 = vector.broadcast %get3A_48 : vector<1x32xf32> to vector<512x32xf32>
    %add3A_50 = arith.addf %add3A_45, %add3A_49 : vector<512x32xf32>
    %jit3A_51 = arith.constant 0.000000e+00 : f32
    %jit3A_52 = arith.constant 1.000000e+00 : f32
    %max3A_53 = vector.broadcast %jit3A_51 : f32 to vector<512x32xf32>
    %max3A_54 = arith.maximumf %max3A_53, %add3A_50 : vector<512x32xf32>
    %min3A_55 = vector.broadcast %jit3A_52 : f32 to vector<512x32xf32>
    %min3A_56 = arith.minimumf %min3A_55, %max3A_54 : vector<512x32xf32>
    %get3A_57 = arith.constant 0 : index
    %get3A_58 = arith.constant 0 : index
    %get3A_59 = vector.load %arg8[%get3A_57, %get3A_58] : memref<32x32xf32, #tpu.memory_space<vmem>>, vector<32x32xf32>
    %dot_general3A_60 = arith.constant dense<0.000000e+00> : vector<512x32xf32>
    %dot_general3A_61 = tpu.matmul %min3A_56, %get3A_59, %dot_general3A_60 {dimension_numbers = #tpu.dot_dimension_numbers<[1], [0], [0], [1], [0, 0, 1, 1], [], []>, transpose_lhs_hint = false} : vector<512x32xf32>, vector<32x32xf32>, vector<512x32xf32> -> vector<512x32xf32>
    %get3A_62 = arith.constant 0 : index
    %get3A_63 = arith.constant 0 : index
    %get3A_64 = vector.load %arg9[%get3A_62, %get3A_63] : memref<1x32xf32, #tpu.memory_space<vmem>>, vector<1x32xf32>
    %add3A_65 = vector.broadcast %get3A_64 : vector<1x32xf32> to vector<512x32xf32>
    %add3A_66 = arith.addf %dot_general3A_61, %add3A_65 : vector<512x32xf32>
    %jit3A_67 = arith.constant 0.000000e+00 : f32
    %jit3A_68 = arith.constant 1.000000e+00 : f32
    %max3A_69 = vector.broadcast %jit3A_67 : f32 to vector<512x32xf32>
    %max3A_70 = arith.maximumf %max3A_69, %add3A_66 : vector<512x32xf32>
    %min3A_71 = vector.broadcast %jit3A_68 : f32 to vector<512x32xf32>
    %min3A_72 = arith.minimumf %min3A_71, %max3A_70 : vector<512x32xf32>
    %get3A_73 = arith.constant 0 : index
    %get3A_74 = arith.constant 0 : index
    %get3A_75 = vector.load %arg10[%get3A_73, %get3A_74] : memref<32x1xf32, #tpu.memory_space<vmem>>, vector<32x1xf32>
    %dot_general3A_76 = arith.constant dense<0.000000e+00> : vector<512x1xf32>
    %dot_general3A_77 = tpu.matmul %min3A_72, %get3A_75, %dot_general3A_76 {dimension_numbers = #tpu.dot_dimension_numbers<[1], [0], [0], [1], [0, 0, 1, 1], [], []>, transpose_lhs_hint = false} : vector<512x32xf32>, vector<32x1xf32>, vector<512x1xf32> -> vector<512x1xf32>
    %get3A_78 = arith.constant 0 : index
    %get3A_79 = arith.constant 0 : index
    %get3A_80 = vector.load %arg11[%get3A_78, %get3A_79] : memref<1x1xf32, #tpu.memory_space<vmem>>, vector<1x1xf32>
    %add3A_81 = vector.broadcast %get3A_80 : vector<1x1xf32> to vector<512x1xf32>
    %add3A_82 = arith.addf %dot_general3A_77, %add3A_81 : vector<512x1xf32>
    %sub3A_83 = arith.constant 5.000000e-01 : f32
    %sub3A_84 = vector.broadcast %sub3A_83 : f32 to vector<512x1xf32>
    %sub3A_85 = arith.subf %sub3A_84, %get3A_1 : vector<512x1xf32>
    %mul3A_86 = arith.mulf %sub3A, %sub3A_85 : vector<512x1xf32>
    %add3A_87 = arith.addf %add3A_82, %mul3A_86 : vector<512x1xf32>
    %swap3A = arith.constant 0 : index
    %swap3A_88 = arith.constant 0 : index
    %swap3A_89 = vector.load %arg12[%swap3A, %swap3A_88] : memref<512x1xf32, #tpu.memory_space<vmem>>, vector<512x1xf32>
    tpu.vector_store %arg12[%swap3A, %swap3A_88], %add3A_87 {strides = array<i32>} : memref<512x1xf32, #tpu.memory_space<vmem>>, vector<512x1xf32>,
    return
  }
  func.func @transform_0(%arg0: i32) -> (i32, i32) {
    %c0_i32 = arith.constant 0 : i32
    %c0_i32_0 = arith.constant 0 : i32
    return %arg0, %c0_i32 : i32, i32
  }
  func.func @transform_1(%arg0: i32) -> (i32, i32) {
    %c0_i32 = arith.constant 0 : i32
    %c0_i32_0 = arith.constant 0 : i32
    return %arg0, %c0_i32 : i32, i32
  }
  func.func @transform_2(%arg0: i32) -> (i32, i32) {
    %c0_i32 = arith.constant 0 : i32
    %c0_i32_0 = arith.constant 0 : i32
    return %arg0, %c0_i32 : i32, i32
  }
  func.func @transform_3(%arg0: i32) -> (i32, i32) {
    %c0_i32 = arith.constant 0 : i32
    %c0_i32_0 = arith.constant 0 : i32
    %c0_i32_1 = arith.constant 0 : i32
    return %c0_i32, %c0_i32_0 : i32, i32
  }
  func.func @transform_4(%arg0: i32) -> (i32, i32) {
    %c0_i32 = arith.constant 0 : i32
    %c0_i32_0 = arith.constant 0 : i32
    %c0_i32_1 = arith.constant 0 : i32
    return %c0_i32, %c0_i32_0 : i32, i32
  }
  func.func @transform_5(%arg0: i32) -> (i32, i32) {
    %c0_i32 = arith.constant 0 : i32
    %c0_i32_0 = arith.constant 0 : i32
    %c0_i32_1 = arith.constant 0 : i32
    return %c0_i32, %c0_i32_0 : i32, i32
  }
  func.func @transform_6(%arg0: i32) -> (i32, i32) {
    %c0_i32 = arith.constant 0 : i32
    %c0_i32_0 = arith.constant 0 : i32
    %c0_i32_1 = arith.constant 0 : i32
    return %c0_i32, %c0_i32_0 : i32, i32
  }
  func.func @transform_7(%arg0: i32) -> (i32, i32) {
    %c0_i32 = arith.constant 0 : i32
    %c0_i32_0 = arith.constant 0 : i32
    %c0_i32_1 = arith.constant 0 : i32
    return %c0_i32, %c0_i32_0 : i32, i32
  }
  func.func @transform_8(%arg0: i32) -> (i32, i32) {
    %c0_i32 = arith.constant 0 : i32
    %c0_i32_0 = arith.constant 0 : i32
    %c0_i32_1 = arith.constant 0 : i32
    return %c0_i32, %c0_i32_0 : i32, i32
  }
  func.func @transform_9(%arg0: i32) -> (i32, i32) {
    %c0_i32 = arith.constant 0 : i32
    %c0_i32_0 = arith.constant 0 : i32
    %c0_i32_1 = arith.constant 0 : i32
    return %c0_i32, %c0_i32_0 : i32, i32
  }
  func.func @transform_10(%arg0: i32) -> (i32, i32) {
    %c0_i32 = arith.constant 0 : i32
    %c0_i32_0 = arith.constant 0 : i32
    %c0_i32_1 = arith.constant 0 : i32
    return %c0_i32, %c0_i32_0 : i32, i32
  }
  func.func @transform_11(%arg0: i32) -> (i32, i32) {
    %c0_i32 = arith.constant 0 : i32
    %c0_i32_0 = arith.constant 0 : i32
    return %arg0, %c0_i32 : i32, i32
  }
}

</mosaic_0001>

<sc_bundles>
// kernel: kernel.4.cloned.1.call-start
scs
__scs_entry_jumppad:
0x0: {  	(pc) =	sbr.rel $0x88, $3  }
0x1: {  	(tag) =	ssettag $0x0;
	lr =	simm.s32 $0x1  }
0x2: {  	[smem:$0x3F94] =	sst lr;
	_ =	strace $0xD0000000  }
0x3: {  	_ = 	snop  }
0x4: {  	_ = 	snop  }
0x5: {  	_ = 	snop  }
0x6: {  	_ = 	snop  }
0x7: {  	_ = 	snop  }
__scs_overlays_trampoline_lowered:
0x8: {  	[smem:$0x3FA3] =	sst s0  }
0x9: {  	[smem:$0x3FA4] =	sst s1  }
0xa: {  	[smem:$0x3FA5] =	sst s2  }
0xb: {  	[smem:$0x3FA6] =	sst s3  }
0xc: {  	[smem:$0x3FA7] =	sst s4  }
0xd: {  	[smem:$0x3FA8] =	sst s5  }
0xe: {  	[smem:$0x3FA9] =	sst s6  }
0xf: {  	[smem:$0x3FAA] =	sst s7  }
0x10: {  	[smem:$0x3FAB] =	sst s8  }
0x11: {  	[smem:$0x3FAC] =	sst s9;
	s0 =	simm.s32 @!p0 $0x0  }
0x12: {  	s1 =	sld [smem:$0x3F92];
	s0 =	simm.s32 @p0 $0x1  }
0x13: {  	[smem:$0x3FAD] =	sst s0;
	s0 =	simm.s32 @!p1 $0x0  }
0x14: {  	s2 =	sld [smem:$0x3F91];
	s0 =	simm.s32 @p1 $0x1  }
0x15: {  	[smem:$0x3FAE] =	sst s0;
	s0 =	simm.s32 @!p2 $0x0  }
0x16: {  	s3 =	sld [smem:$0x3FDB];
	s0 =	simm.s32 @p2 $0x1  }
0x17: {  	s4 =	simm.s32 $0x1BF5;
	[smem:$0x3FB0] =	sst s0  }
0x18: {  	s0 =	sld [smem:$0x3F93];
	_ =	swait.ge [sflag:s4], $0x0  }
0x19: {  	s7 =	sld [smem:$0x3F94]  }
0x1a: {  	s8 =	sadd.s32 $0xFFFFE003, lr  }
0x1b: {  	s9 =	sadd.s32 $0xFFFFFEF7, lr;
	s5 =	simm.s32 $0xFFFFFFFF;
	p2 =	slt.u32 s8, $0xFFFFF086  }
0x1c: {  	p1 =	slt.u32 s9, $0xF7A;
	s5 =	simm.s32 @!p2 $0x0  }
0x1d: {  	s5 =	simm.s32 @p1 $0x1;
	p0 =	seq.s32 s7, s2  }
0x1e: {  	s7 =	smul.u32 @!p0 $0xF7A, s2;
	p2 =	seq.s32 @!p0 s5, $0x0  }
0x1f: {  	s9 =	smul.u32 $0xF7A, s1;
	s8 =	simm.s32 @!p0 $0x1BF5;
	p2 =	por !p2, p0  }
0x20: {  	[sflag:s8] =	ssyncset.s32 @!p0 $0xFFFFF086;
	s6 =	sadd.s32 @!p0 s3, s7;
	s7 =	simm.s32 @!p0 $0x108  }
0x21: {  	s3 =	sadd.s32 s3, s9;
	s6 =	sadd.s32 @!p0 $0x88, s6;
	s7 =	simm.s32 @p2 $0x1082  }
0x22: {  	[simem:s7], [sflag:s8] =	dma.local @!p0 [hbm:s6], $0xF7A  }
0x23: {  	s9 =	sor.u32 $0xD0000000, s2;
	s6 =	simm.s32 $0x108;
	_ =	swait.ge @!p0 [sflag:s8], $0x0  }
0x24: {  	s3 =	sadd.s32 $0x88, s3;
	s6 =	simm.s32 @!p1 $0x1082;
	[sflag:s4] =	ssyncset.s32 $0xFFFFF086  }
0x25: {  	[simem:s6], [sflag:s4] =	dma.local [hbm:s3], $0xF7A  }
0x26: {  	[smem:$0x3F94] =	sst s1;
	(tag) =	ssettag s2;
	_ =	strace s9  }
0x27: {  	s1 =	sld [smem:$0x3FA4]  }
0x28: {  	s2 =	sld [smem:$0x3FA5]  }
0x29: {  	s4 =	sld [smem:$0x3FA7]  }
0x2a: {  	p0 =	seq.s32 s5, $0x0;
	s5 =	sld [smem:$0x3FA8]  }
0x2b: {  	s6 =	sld [smem:$0x3FA9]  }
0x2c: {  	s7 =	sld [smem:$0x3FAA]  }
0x2d: {  	s3 =	simm.s32 $0x108;
	s8 =	sld [smem:$0x3FAB]  }
0x2e: {  	s3 =	simm.s32 @!p0 $0x1082;
	s9 =	sld [smem:$0x3FAC]  }
0x2f: {  	lr =	sadd.s32 s0, s3;
	s0 =	sld [smem:$0x3FA3]  }
0x30: {  	s3 =	sld [smem:$0x3FA6]  }
0x31: {  	[smem:$0x3FAF] =	sst s10  }
0x32: {  	s10 =	sld [smem:$0x3FAD];
	_ =	sdelay $0x3  }
0x33: {  	p0 =	seq.s32 s10, $0x1;
	s10 =	sld [smem:$0x3FAF];
	_ =	sdelay $0x3  }
0x34: {  	[smem:$0x3FAF] =	sst s10  }
0x35: {  	s10 =	sld [smem:$0x3FAE];
	_ =	sdelay $0x3  }
0x36: {  	p1 =	seq.s32 s10, $0x1;
	s10 =	sld [smem:$0x3FAF];
	_ =	sdelay $0x3  }
0x37: {  	[smem:$0x3FAF] =	sst s10  }
0x38: {  	s10 =	sld [smem:$0x3FB0]  }
0x39: {  	_ = 	snop;
	(pc) =	sbr.ind lr, $3  }
0x3a: {  	_ = 	snop  }
0x3b: {  	_ = 	snop  }
0x3c: {  	p2 =	seq.s32 s10, $0x1;
	s10 =	sld [smem:$0x3FAF]  }
0x3d: {  	_ =	shalt  }
0x3e: {  	_ =	shalt  }
0x3f: {  	_ =	shalt  }
0x40: {  	_ =	shalt  }
0x41: {  	_ =	shalt  }
0x42: {  	_ =	shalt  }
0x43: {  	_ =	shalt  }
0x44: {  	_ =	shalt  }
0x45: {  	_ =	shalt  }
0x46: {  	_ =	shalt  }
0x47: {  	_ =	shalt  }
0x48: {  	_ =	shalt  }
0x49: {  	_ =	shalt  }
0x4a: {  	_ =	shalt  }
0x4b: {  	_ =	shalt  }
0x4c: {  	_ =	shalt  }
0x4d: {  	_ =	shalt  }
0x4e: {  	_ =	shalt  }
0x4f: {  	_ =	shalt  }
0x50: {  	_ =	shalt  }
0x51: {  	_ =	shalt  }
0x52: {  	_ =	shalt  }
0x53: {  	_ =	shalt  }
0x54: {  	_ =	shalt  }
0x55: {  	_ =	shalt  }
0x56: {  	_ =	shalt  }
0x57: {  	_ =	shalt  }
0x58: {  	_ =	shalt  }
0x59: {  	_ =	shalt  }
0x5a: {  	_ =	shalt  }
0x5b: {  	_ =	shalt  }
0x5c: {  	_ =	shalt  }
0x5d: {  	_ =	shalt  }
0x5e: {  	_ =	shalt  }
0x5f: {  	_ =	shalt  }
0x60: {  	_ =	shalt  }
0x61: {  	_ =	shalt  }
0x62: {  	_ =	shalt  }
0x63: {  	_ =	shalt  }
0x64: {  	_ =	shalt  }
0x65: {  	_ =	shalt  }
0x66: {  	_ =	shalt  }
0x67: {  	_ =	shalt  }
0x68: {  	_ =	shalt  }
0x69: {  	_ =	shalt  }
0x6a: {  	_ =	shalt  }
0x6b: {  	_ =	shalt  }
0x6c: {  	_ =	shalt  }
0x6d: {  	_ =	shalt  }
0x6e: {  	_ =	shalt  }
0x6f: {  	_ =	shalt  }
0x70: {  	_ =	shalt  }
0x71: {  	_ =	shalt  }
0x72: {  	_ =	shalt  }
0x73: {  	_ =	shalt  }
0x74: {  	_ =	shalt  }
0x75: {  	_ =	shalt  }
0x76: {  	_ =	shalt  }
0x77: {  	_ =	shalt  }
0x78: {  	_ =	shalt  }
0x79: {  	_ =	shalt  }
0x7a: {  	_ =	shalt  }
0x7b: {  	_ =	shalt  }
0x7c: {  	_ =	shalt  }
0x7d: {  	_ =	shalt  }
0x7e: {  	_ =	shalt  }
0x7f: {  	_ =	shalt  }
0x80: {  	_ =	shalt  }
0x81: {  	_ =	shalt  }
0x82: {  	_ =	shalt  }
0x83: {  	_ =	shalt  }
0x84: {  	_ =	shalt  }
0x85: {  	_ =	shalt  }
0x86: {  	_ =	shalt  }
0x87: {  	_ =	shalt  }
.Lfunc_end0:
.L_simem_size_0:
called_computation_lowered:
.L_overlay_start_0:
0x88: {  	s2 =	sld [smem:$0x3FD9]  }
0x89: {  	s3 =	sld [smem:$0x3FFE];
	_ =	sdelay $0x1  }
0x8a: {  	s1 =	srdreg.scid  }
0x8b: {  	s0 =	sand.u32 $0x1, s1  }
0x8c: {  	s16 =	sshll.u32 s0, $0xA;
	s2 =	sadd.s32 s3, s2  }
0x8d: {  	s2 =	sadd.s32 s2, s16  }
0x8e: {  	[smem:$0x3FBB] =	sst s2  }
0x8f: {  	_ = 	snop  }
0x90: {  	(tm) =	ssettm $0x1  }
0x91: {  	s17 =	sld [smem:$0x3FFB];
	_ =	sdelay $0x3  }
0x92: {  	_ =	strace s17  }
0x93: {  	s2 =	sld [smem:$0x3FFC];
	_ =	sdelay $0x3  }
0x94: {  	_ =	strace s2  }
0x95: {  	s2 =	sld [smem:$0x3FFD];
	_ =	sdelay $0x3  }
0x96: {  	_ =	strace s2  }
0x97: {  	_ =	strace $0x8FFFFFFF  }
0x98: {  	s18 =	sld [smem:$0x3FDB];
	_ =	sdelay $0x1  }
0x99: {  	s19 =	simm.s32 $_scs_section_size  }
0x9a: {  	s4 =	simm.s32 $_size__tile_overlayer_lowered;
	s5 =	simm.s32 $_tile_overlayer_lowered  }
0x9b: {  	s22 =	simm.s32 $0x1BFF;
	s21 =	sshll.u32 s5, $0x1;
	s2 =	sadd.s32 s19, s18  }
0x9c: {  	s6 =	simm.s32 $0x0;
	s20 =	sshll.u32 s4, $0x1;
	s4 =	sadd.s32 s21, s2  }
0x9d: {  	[timem:s6], [sflag:s22] =	dma.local [hbm:s4], s20  }
0x9e: {  	_ =	swait.ge [sflag:s22], s20  }
0x9f: {  	s3 =	ssub.s32 $0x0, s20;
	[sflag:s22] =	ssyncset.done $0x0  }
0xa0: {  	[sflag:s22] =	ssyncadd.s32 s3;
	_ =	sdelay $0x1  }
0xa1: {  	s23 =	simm.s32 $0x1B8B  }
0xa2: {  	_ =	swait.ge [sflag:s23], $0x1  }
0xa3: {  	[sflag:s23] =	ssyncset.done $0x0  }
0xa4: {  	s25 =	simm.s32 $0x1B8E;
	s24 =	sld [smem:$0x3FFE];
	[sflag:s23] =	ssyncadd.s32 $0xFFFFFFFF  }
0xa5: {  	s26 =	simm.s32 $execute0_lowered;
	[smem:$0x3FD2] =	sst s25  }
0xa6: {  	s4 =	sshll.u32 s26, $0x1;
	_ =	strace $0x80000046;
	[dreg:$0x1] =	wrdreg $0xFFFFFFFF  }
0xa7: {  	s28 =	simm.s32 $_size_execute0_lowered;
	s2 =	sadd.s32 s2, s4;
	[dreg:$0x0] =	wrdreg $0x0  }
0xa8: {  	s4 =	sshll.u32 s28, $0x1;
	[dreg:$0x2] =	wrdreg s2  }
0xa9: {  	[dreg:$0x3] =	wrdreg s4  }
0xaa: {  	[dreg:$0x4] =	wrdreg $0xC0  }
0xab: {  	_ =	task [dreg:s6], $0x5FFFF  }
0xac: {  	[dreg:$0x1] =	wrdreg $0xFFFFFFFF  }
0xad: {  	[dreg:$0x0] =	wrdreg $0x60  }
0xae: {  	[dreg:$0x2] =	wrdreg s24  }
0xaf: {  	[dreg:$0x3] =	wrdreg $0x9  }
0xb0: {  	_ =	task.clear_ibuf [dreg:s6], $0x4FFFF;
	_ =	strace $0x90000046  }
0xb1: {  	s29 =	simm.s32 $0x9;
	_ =	strace $0x80000048  }
0xb2: {  	_ =	swait.ge [sflag:s29], $0x1  }
0xb3: {  	[sflag:s29] =	ssyncadd.s32 $0xFFFFFFFF  }
0xb4: {  	_ =	strace $0x90000048  }
0xb5: {  	_ =	sfence  }
0xb6: {  	s30 =	sld [smem:$0x0];
	_ =	sdelay $0x2  }
0xb7: {  	s31 =	sshll.u32 s1, $0xD;
	s1 =	sshrl.u32 s1, $0x2  }
0xb8: {  	s3 =	sand.u32 $0x4000, s31;
	s1 =	sadd.s32 s1, s30  }
0xb9: {  	s0 =	sor.u32 s3, s0;
	s1 =	sshll.u32 s1, $0x11  }
0xba: {  	s0 =	sor.u32 s1, s0  }
0xbb: {  	s0 =	sadd.s32 $0x8F2B, s0  }
0xbc: {  	[sflag:s0] =	ssyncadd.remote.s32 $0x1  }
0xbd: {  	_ =	sfence.sel $0xFFFF  }
0xbe: {  	[dreg:$0x0] =	wrdreg $0xFFFFFFFF;
	(pc) =	sbr.abs _section_cstart, $3  }
0xbf: {  	[dreg:$0x1] =	wrdreg $0xFFFFFFFF  }
0xc0: {  	_ =	task.clear_ibuf [dreg:s6], $0x2FFFF;
	_ =	strace $0x9FFFFFFF  }
0xc1: {  	(tm) =	ssettm $0x7FFFFFFF  }
tec
execute0_lowered:
.L_overlay_start_1:
0x0: {  	(tag) =	ssettag $0x1  }
0x1: {  	s0 =	srdreg.scid  }
0x2: {  	s2 =	stileid.u32;
	s1 =	rddreg [dreg:$0x0];
	s11 =	simm.s32 $0x5  }
0x3: {  	s13 =	simm.s32 $0x2000;
	s15 =	simm.s32 $0x20;
	s19 =	simm.s32 $0x8400  }
0x4: {  	s20 =	simm.s32 $0xA600;
	s21 =	simm.s32 $0x1;
	s22 =	simm.s32 $0x2  }
0x5: {  	s23 =	simm.s32 $0x3;
	s24 =	simm.s32 $0x4;
	s25 =	simm.s32 $0xC800  }
0x6: {  	s26 =	simm.s32 $0x15000;
	s28 =	simm.s32 $0x0;
	s0 =	sand.u32 $0x1, s0  }
0x7: {  	s3 =	sshll.u32 s2, $0x8;
	s2 =	simm.s32 $0x0;
	s4 =	sshll.u32 s0, $0x7  }
0x8: {  	[smem:$0x7FF] =	sst s2;
	s0 =	ssub.s32 $0x2, s0;
	s3 =	sor.u32 s4, s3  }
0x9: {  	_ =	strace $0x80000047;
	s4 =	smul.u32 $0x22, s3;
	s3 =	sshll.u32 s3, $0x2  }
0xa: {  	s8 =	sshrl.u32 s0, $0x1;
	s7 =	sadd.s32 s3, s1;
	s3 =	sadd.s32 $0x2200, s1  }
0xb: {  	s1 =	sadd.s32 s4, s1;
	s4 =	sadd.s32 $0x1A6200, s7;
	s5 =	sadd.s32 $0x19E200, s7  }
0xc: {  	s0 =	ssub.s32 s0, s8;
	s6 =	sadd.s32 $0x1A2200, s7;
	s7 =	sadd.s32 $0x19A200, s7  }
0xd: {  	s10 =	smax.u32 s0, $0x1;
	s8 =	sadd.s32 $0x1CC200, s1;
	s9 =	sadd.s32 $0x1AA200, s1  }
.LBB2_1:
0xe: {  	[tilespmem:s2], [sflag:$0x5] =	stream.linear.gather [hbm4b:s4+s2], $0x1000, $0x38;
	[tilespmem:$0x1D800] =	vst v63  }
0xf: {  	_ =	swait.ge [sflag:s11], $0x1000  }
0x10: {  	[sflag:s11] =	ssyncset.done $0x0  }
0x11: {  	s0 =	simm.s32 $0x1000;
	[sflag:s11] =	ssyncadd.s32 $0xFFFFF000  }
0x12: {  	[tilespmem:s0], [sflag:$0x5] =	stream.linear.gather [hbm4b:s5+s2], $0x1000, $0x38;
	[tilespmem:$0x1D800] =	vst v63  }
0x13: {  	_ =	swait.ge [sflag:s11], $0x1000  }
0x14: {  	[sflag:s11] =	ssyncset.done $0x0  }
0x15: {  	[sflag:s11] =	ssyncadd.s32 $0xFFFFF000  }
0x16: {  	[tilespmem:s13], [sflag:$0x5] =	stream.linear.gather [hbm4b:s6+s2], $0x1000, $0x38;
	[tilespmem:$0x1D800] =	vst v63  }
0x17: {  	_ =	swait.ge [sflag:s11], $0x1000  }
0x18: {  	[sflag:s11] =	ssyncset.done $0x0  }
0x19: {  	s17 =	simm.s32 $0x3000;
	[sflag:s11] =	ssyncadd.s32 $0xFFFFF000  }
0x1a: {  	[tilespmem:s17], [sflag:$0x5] =	stream.linear.gather [hbm4b:s7+s2], $0x1000, $0x38;
	[tilespmem:$0x1D800] =	vst v63  }
0x1b: {  	_ =	swait.ge [sflag:s11], $0x1000  }
0x1c: {  	[sflag:s11] =	ssyncset.done $0x0  }
0x1d: {  	s18 =	simm.s32 $0x4000;
	[sflag:s11] =	ssyncadd.s32 $0xFFFFF000  }
0x1e: {  	[tilespmem:s18], [sflag:$0x1] =	stream.indirect.gather [hbm4b:s3+s15], $0x110, s2, s15, $0xb8;
	[tilespmem:$0x1D800] =	vst v63  }
0x1f: {  	s30 =	simm.s32 $0x6200  }
0x20: {  	[tilespmem:s30], [sflag:$0x2] =	stream.indirect.gather [hbm4b:s3+s15], $0x110, s15, s15, $0xb8;
	[tilespmem:$0x1D800] =	vst v63  }
0x21: {  	s31 =	simm.s32 $0x40;
	s29 =	simm.s32 $0x0  }
0x22: {  	[tilespmem:s19], [sflag:$0x3] =	stream.indirect.gather [hbm4b:s3+s15], $0x110, s31, s15, $0xb8;
	[tilespmem:$0x1D800] =	vst v63  }
.LBB2_2:
0x23: {  	s30 =	sshllo.u32 s29, $0x2  }
0x24: {  	s31 =	sshll.u32 s30, $0x5  }
0x25: {  	s0 =	sand.u32 $0x3FFFFFE0, s31  }
0x26: {  	[tilespmem:s20], [sflag:$0x4] =	stream.indirect.gather [hbm4b:s3+s15], $0x110, s0, s15, $0xb8;
	[tilespmem:$0x1D800] =	vst v63  }
0x27: {  	_ =	swait.ge [sflag:s21], $0x2200  }
0x28: {  	[sflag:s21] =	ssyncset.done $0x0  }
0x29: {  	s1 =	simm.s32 $0x4220;
	[sflag:s21] =	ssyncadd.s32 $0xFFFFDE00  }
0x2a: {  	v2 =	vld [tilespmem:s1+$0x110]  }
0x2b: {  	v4 =	vld [tilespmem:s1+$0x120]  }
0x2c: {  	v5 =	vld [tilespmem:s1+$0x130]  }
0x2d: {  	v7 =	vld [tilespmem:s1+$0x140]  }
0x2e: {  	v8 =	vld [tilespmem:s1+$0x150]  }
0x2f: {  	v9 =	vld [tilespmem:s1+$0x160]  }
0x30: {  	v10 =	vld [tilespmem:s1+$0x170]  }
0x31: {  	v11 =	vld [tilespmem:s1+$0x180]  }
0x32: {  	v12 =	vld [tilespmem:s1+$0x190]  }
0x33: {  	v13 =	vld [tilespmem:s1+$0x1A0]  }
0x34: {  	v18 =	vld [tilespmem:s1+$0x1B0]  }
0x35: {  	v19 =	vld [tilespmem:s1+$0x1C0]  }
0x36: {  	v20 =	vld [tilespmem:s1+$0x1D0]  }
0x37: {  	s14 =	simm.s32 $0x0;
	v3 =	vld [tilespmem:s1+$0xFFFFFDE0]  }
0x38: {  	s12 =	sshll.u32 s29, $0x7;
	v1 =	vmov s14;
	v6 =	vld [tilespmem:s1+$0xFFFFFDF0]  }
0x39: {  	v0 =	vmov s12;
	v1 =	vand.u32 $0x1C, v1;
	v14 =	vld [tilespmem:s1+$0xFFFFFE00]  }
0x3a: {  	v1 =	vor.u32 v0, v1;
	v15 =	vld [tilespmem:s1+$0xFFFFFE10]  }
0x3b: {  	v1 =	vbroadcast v1, $0x0;
	v16 =	vld [tilespmem:s1+$0xFFFFFE20]  }
0x3c: {  	v17 =	vld [tilespmem:s1+$0xFFFFFE30]  }
0x3d: {  	v21 =	vld [tilespmem:s1+$0xFFFFFE40]  }
0x3e: {  	v22 =	vld [tilespmem:s1+$0xFFFFFE50]  }
0x3f: {  	v23 =	vld [tilespmem:s1+$0xFFFFFE60]  }
0x40: {  	s16 =	simm.s32 $0x3;
	v25 =	vld [tilespmem:s1+$0xFFFFFE80]  }
0x41: {  	s17 =	simm.s32 $0x1;
	v24 =	vmov s16;
	v29 =	vld.idx.msk [tilespmem:v1+s13+$0x0], $0xffff  }
0x42: {  	s18 =	simm.s32 $0x2;
	v26 =	vmov s17;
	v30 =	vld [tilespmem:s1+$0xFFFFFE90];
	v1 =	vand.u32 $0x1F, v24  }
0x43: {  	v27 =	vmov s18;
	v26 =	vand.u32 $0x1D, v26;
	v31 =	vld [tilespmem:s1+$0xFFFFFEA0];
	v1 =	vor.u32 v0, v1  }
0x44: {  	v27 =	vand.u32 $0x1E, v27;
	v26 =	vor.u32 v0, v26;
	v32 =	vld [tilespmem:s1+$0xFFFFFEB0];
	v1 =	vbroadcast v1, $0x0  }
0x45: {  	v27 =	vor.u32 v0, v27;
	v33 =	vbroadcast v26, $0x0;
	v46 =	vld [tilespmem:s1+$0x10]  }
0x46: {  	v34 =	vbroadcast v27, $0x0;
	v24 =	vld [tilespmem:s1+$0xFFFFFE70];
	v38 =	vmul.f32 v3, v29  }
0x47: {  	v41 =	vmul.f32 v6, v29;
	v3 =	vld [tilespmem:s1+$0xFFFFFEC0];
	v42 =	vmul.f32 v14, v29  }
0x48: {  	v43 =	vmul.f32 v15, v29;
	v14 =	vld [tilespmem:s1+$0xFFFFFED0];
	v44 =	vmul.f32 v16, v29  }
0x49: {  	v45 =	vmul.f32 v17, v29;
	v21 =	vmul.f32 v21, v29;
	v15 =	vld [tilespmem:s1+$0xFFFFFEE0]  }
0x4a: {  	v35 =	vmul.f32 v22, v29;
	v36 =	vmul.f32 v23, v29;
	v1 =	vld.idx.msk [tilespmem:v1+s13+$0x0], $0xffff  }
0x4b: {  	v47 =	vld [tilespmem:s1+$0xFFFFFF00];
	v26 =	vmul.f32 v24, v29;
	v28 =	vmul.f32 v25, v29  }
0x4c: {  	v25 =	vmul.f32 v30, v29;
	v27 =	vmul.f32 v31, v29;
	v6 =	vld.idx.msk [tilespmem:v33+s13+$0x0], $0xffff  }
0x4d: {  	v16 =	vmul.f32 v32, v29;
	v23 =	vld [tilespmem:s1+$0xFFFFFEF0];
	v17 =	vmul.f32 v3, v29  }
0x4e: {  	v60 =	vld [tilespmem:s1+$0x60];
	v14 =	vmul.f32 v14, v29;
	v15 =	vmul.f32 v15, v29  }
0x4f: {  	v63 =	vld [tilespmem:s1+$0xFFFFFF40];
	v2 =	vmul.f32 v2, v1;
	v31 =	vmul.f32 v4, v1  }
0x50: {  	v22 =	vld [tilespmem:s1+$0x1E0];
	v5 =	vmul.f32 v5, v1;
	v7 =	vmul.f32 v7, v1  }
0x51: {  	v24 =	vld [tilespmem:s1+$0x1F0];
	v49 =	vmul.f32 v8, v1;
	v39 =	vmul.f32 v9, v1  }
0x52: {  	v30 =	vld [tilespmem:s1+$0x0];
	v37 =	vmul.f32 v10, v1;
	v10 =	vmul.f32 v23, v6  }
0x53: {  	v3 =	vld.idx.msk [tilespmem:v34+s13+$0x0], $0xffff;
	v40 =	vmul.f32 v12, v1;
	v29 =	vmul.f32 v13, v1  }
0x54: {  	v8 =	vld [tilespmem:s1+$0x20];
	v34 =	vmul.f32 v18, v1;
	v33 =	vmul.f32 v19, v1  }
0x55: {  	v4 =	vimm.f32 $0.0e+00;
	v13 =	vld [tilespmem:s1+$0xFFFFFF30];
	v32 =	vmul.f32 v20, v1;
	v23 =	vmul.f32 v22, v1  }
0x56: {  	v22 =	vmul.f32 v24, v1;
	v9 =	vadd.f32 v38, v4;
	v38 =	vmul.f32 v11, v1;
	v11 =	vld [tilespmem:s1+$0xFFFFFF10]  }
0x57: {  	v19 =	vld [tilespmem:s1+$0x40];
	v20 =	vmul.f32 v47, v6;
	v47 =	vmul.f32 v63, v6  }
0x58: {  	v61 =	vadd.f32 v43, v4;
	v12 =	vmul.f32 v30, v3;
	v9 =	vadd.f32 v10, v9;
	v10 =	vld [tilespmem:s1+$0xFFFFFF20]  }
0x59: {  	v24 =	vld [tilespmem:s1+$0x50];
	v62 =	vadd.f32 v44, v4;
	v18 =	vmul.f32 v46, v3;
	v30 =	vadd.f32 v42, v4  }
0x5a: {  	v42 =	vmul.f32 v60, v3;
	v9 =	vadd.f32 v12, v9;
	v12 =	vld [tilespmem:s1+$0x30];
	v8 =	vmul.f32 v8, v3  }
0x5b: {  	v50 =	vadd.f32 v45, v4;
	v13 =	vmul.f32 v13, v6;
	v11 =	vmul.f32 v11, v6  }
0x5c: {  	v19 =	vmul.f32 v19, v3;
	v2 =	vadd.f32 v2, v9;
	v9 =	vadd.f32 v41, v4  }
0x5d: {  	v13 =	vadd.f32 v13, v62;
	v10 =	vmul.f32 v10, v6;
	v11 =	vadd.f32 v11, v30  }
0x5e: {  	v41 =	vmul.f32 v24, v3;
	v24 =	vimm.f32 $0.0e+00;
	v30 =	vld [tilespmem:s1+$0xFFFFFF60];
	v9 =	vadd.f32 v20, v9  }
0x5f: {  	v20 =	vld [tilespmem:s1+$0xFFFFFF50];
	v12 =	vmul.f32 v12, v3;
	v10 =	vadd.f32 v10, v61;
	v8 =	vadd.f32 v8, v11  }
0x60: {  	v13 =	vadd.f32 v19, v13;
	v19 =	vimm.f32 $0.0e+00;
	v9 =	vadd.f32 v18, v9  }
0x61: {  	v44 =	vld [tilespmem:s1+$0xFFFFFF70];
	v18 =	vimm.f32 $0.0e+00;
	v12 =	vadd.f32 v12, v10;
	v10 =	vadd.f32 v5, v8  }
0x62: {  	v46 =	vld [tilespmem:s1+$0x70];
	v5 =	vadd.f32 v49, v13;
	v49 =	vadd.f32 v21, v4;
	v21 =	vimm.f32 $0.0e+00  }
0x63: {  	v45 =	vld [tilespmem:s1+$0x80];
	v13 =	vimm.f32 $0.0e+00;
	v11 =	vadd.f32 v31, v9;
	v31 =	vmul.f32 v30, v6  }
0x64: {  	v43 =	vld [tilespmem:s1+$0x90];
	v9 =	vimm.f32 $0.0e+00;
	v48 =	vmul.f32 v20, v6;
	v8 =	vadd.f32 v7, v12  }
0x65: {  	s12 =	simm.s32 $0x4;
	s0 =	sshll.u32 s29, $0x2;
	v30 =	vld [tilespmem:s1+$0xA0];
	v20 =	vimm.f32 $0.0e+00;
	v12 =	vimm.f32 $0.0e+00;
	v7 =	vimm.f32 $0.0e+00  }
.LBB2_3:
0x66: {  	p0 =	sne.s32 s12, $0x1C;
	v4 =	vadd.f32 v35, v4;
	v24 =	vadd.f32 v36, v24;
	v35 =	vmul.f32 v44, v6;
	v36 =	vld [tilespmem:s1+$0xFFFFFF80]  }
0x67: {  	v44 =	vadd.f32 v47, v50;
	v47 =	vadd.f32 v48, v49;
	v48 =	vld [tilespmem:s1+$0xFFFFFF90];
	v46 =	vmul.f32 v46, v3  }
0x68: {  	v4 =	vadd.f32 v31, v4;
	v24 =	vadd.f32 v35, v24;
	v35 =	vld [tilespmem:s1+$0xFFFFFFA0];
	v31 =	vmul.f32 v45, v3  }
0x69: {  	v45 =	vld [tilespmem:s1+$0xFFFFFFB0];
	v41 =	vadd.f32 v41, v44;
	v42 =	vadd.f32 v42, v47;
	v43 =	vmul.f32 v43, v3  }
0x6a: {  	v4 =	vadd.f32 v46, v4;
	v24 =	vadd.f32 v31, v24;
	v44 =	vmul.f32 v30, v3;
	v46 =	vld [tilespmem:s1+$0xB0]  }
0x6b: {  	v36 =	vmul.f32 v36, v6;
	v47 =	vld [tilespmem:s1+$0xC0];
	v30 =	vadd.f32 v39, v41;
	v31 =	vadd.f32 v37, v42  }
0x6c: {  	v37 =	vmul.f32 v48, v6;
	v39 =	vld [tilespmem:s1+$0xD0];
	v4 =	vadd.f32 v38, v4;
	v24 =	vadd.f32 v40, v24  }
0x6d: {  	v20 =	vadd.f32 v26, v20;
	v21 =	vadd.f32 v28, v21;
	v26 =	vmul.f32 v35, v6;
	v28 =	vld [tilespmem:s1+$0xE0]  }
0x6e: {  	v18 =	vadd.f32 v25, v18;
	v19 =	vadd.f32 v27, v19;
	v25 =	vmul.f32 v45, v6;
	v27 =	vld [tilespmem:s1+$0xFFFFFFC0]  }
0x6f: {  	v20 =	vadd.f32 v36, v20;
	v21 =	vadd.f32 v37, v21;
	v35 =	vld [tilespmem:s1+$0xFFFFFFD0];
	v36 =	vmul.f32 v46, v3  }
0x70: {  	v18 =	vadd.f32 v26, v18;
	v19 =	vadd.f32 v25, v19;
	v25 =	vld [tilespmem:s1+$0xFFFFFFE0];
	v26 =	vmul.f32 v47, v3  }
0x71: {  	v20 =	vadd.f32 v43, v20;
	v21 =	vadd.f32 v44, v21;
	v37 =	vld [tilespmem:s1+$0xFFFFFFF0];
	v38 =	vmul.f32 v39, v3  }
0x72: {  	v18 =	vadd.f32 v36, v18;
	v19 =	vadd.f32 v26, v19;
	v26 =	vmul.f32 v28, v3;
	v28 =	vld [tilespmem:s1+$0xF0]  }
0x73: {  	v20 =	vadd.f32 v29, v20;
	v21 =	vadd.f32 v34, v21;
	v27 =	vmul.f32 v27, v6;
	v36 =	vld [tilespmem:s1+$0x100]  }
0x74: {  	v18 =	vadd.f32 v33, v18;
	v29 =	vmul.f32 v35, v6;
	v19 =	vadd.f32 v32, v19;
	v32 =	vld [tilespmem:s1+$0x200]  }
0x75: {  	v12 =	vadd.f32 v16, v12;
	v13 =	vadd.f32 v17, v13;
	v16 =	vmul.f32 v25, v6;
	v17 =	vld [tilespmem:s1+$0x210];
	s1 =	sadd.s32 $0x440, s1  }
0x76: {  	v9 =	vadd.f32 v14, v9;
	v7 =	vadd.f32 v15, v7;
	v33 =	vld [tilespmem:s1+$0x110];
	v6 =	vmul.f32 v37, v6  }
0x77: {  	v12 =	vadd.f32 v27, v12;
	v13 =	vadd.f32 v29, v13;
	v34 =	vld [tilespmem:s1+$0x120];
	v14 =	vmul.f32 v28, v3  }
0x78: {  	v9 =	vadd.f32 v16, v9;
	v29 =	vld [tilespmem:s1+$0x130];
	v6 =	vadd.f32 v6, v7;
	v3 =	vmul.f32 v36, v3  }
0x79: {  	v7 =	vadd.f32 v38, v12;
	v13 =	vadd.f32 v26, v13;
	v37 =	vld [tilespmem:s1+$0x140];
	v15 =	vmul.f32 v32, v1  }
0x7a: {  	v9 =	vadd.f32 v14, v9;
	v32 =	vld [tilespmem:s1+$0x150];
	v3 =	vadd.f32 v3, v6;
	v1 =	vmul.f32 v17, v1  }
0x7b: {  	v12 =	vadd.f32 v23, v7;
	v13 =	vadd.f32 v22, v13;
	v38 =	vld [tilespmem:s1+$0x160]  }
0x7c: {  	v9 =	vadd.f32 v15, v9;
	v22 =	vld [tilespmem:s1+$0x170];
	v7 =	vadd.f32 v1, v3  }
0x7d: {  	v23 =	vld [tilespmem:s1+$0x180]  }
0x7e: {  	v40 =	vld [tilespmem:s1+$0x190]  }
0x7f: {  	v41 =	vld [tilespmem:s1+$0x1A0]  }
0x80: {  	v42 =	vld [tilespmem:s1+$0x1B0]  }
0x81: {  	v43 =	vld [tilespmem:s1+$0x1C0]  }
0x82: {  	v44 =	vld [tilespmem:s1+$0x1D0]  }
0x83: {  	v1 =	vmov s12;
	v3 =	vld [tilespmem:s1+$0xFFFFFDE0]  }
0x84: {  	v1 =	vand.u32 $0x1C, v1;
	v6 =	vld [tilespmem:s1+$0xFFFFFDF0]  }
0x85: {  	v1 =	vor.u32 v0, v1;
	v14 =	vld [tilespmem:s1+$0xFFFFFE00]  }
0x86: {  	v1 =	vbroadcast v1, $0x0;
	v15 =	vld [tilespmem:s1+$0xFFFFFE10]  }
0x87: {  	v16 =	vld [tilespmem:s1+$0xFFFFFE20]  }
0x88: {  	v17 =	vld [tilespmem:s1+$0xFFFFFE30]  }
0x89: {  	v25 =	vld [tilespmem:s1+$0xFFFFFE40]  }
0x8a: {  	s14 =	sadd.s32 $0x3, s12;
	v26 =	vld [tilespmem:s1+$0xFFFFFE50]  }
0x8b: {  	v28 =	vmov s14;
	v27 =	vld [tilespmem:s1+$0xFFFFFE60]  }
0x8c: {  	v39 =	vld.idx.msk [tilespmem:v1+s13+$0x0], $0xffff;
	v1 =	vand.u32 $0x1F, v28  }
0x8d: {  	s16 =	sadd.s32 $0x2, s12;
	s14 =	sadd.s32 $0x1, s12;
	v28 =	vld [tilespmem:s1+$0xFFFFFE70];
	v1 =	vor.u32 v0, v1  }
0x8e: {  	v35 =	vmov s14;
	v36 =	vmov s16;
	v45 =	vld [tilespmem:s1+$0xFFFFFE80];
	v1 =	vbroadcast v1, $0x0  }
0x8f: {  	v35 =	vand.u32 $0x1D, v35;
	v36 =	vand.u32 $0x1E, v36;
	v46 =	vld [tilespmem:s1+$0xFFFFFE90]  }
0x90: {  	v35 =	vor.u32 v0, v35;
	v36 =	vor.u32 v0, v36;
	v47 =	vld [tilespmem:s1+$0xFFFFFEA0]  }
0x91: {  	v49 =	vbroadcast v35, $0x0;
	v50 =	vbroadcast v36, $0x0;
	v48 =	vld [tilespmem:s1+$0xFFFFFEB0]  }
0x92: {  	v51 =	vmul.f32 v3, v39;
	v52 =	vmul.f32 v6, v39;
	v3 =	vld [tilespmem:s1+$0xFFFFFEC0]  }
0x93: {  	v53 =	vmul.f32 v14, v39;
	v54 =	vmul.f32 v15, v39;
	v14 =	vld [tilespmem:s1+$0xFFFFFED0]  }
0x94: {  	v55 =	vmul.f32 v16, v39;
	v56 =	vmul.f32 v17, v39;
	v1 =	vld.idx.msk [tilespmem:v1+s13+$0x0], $0xffff  }
0x95: {  	v57 =	vmul.f32 v25, v39;
	v35 =	vmul.f32 v26, v39;
	v15 =	vld [tilespmem:s1+$0xFFFFFEE0]  }
0x96: {  	v36 =	vmul.f32 v27, v39;
	v26 =	vmul.f32 v28, v39;
	v58 =	vld [tilespmem:s1+$0x1E0]  }
0x97: {  	v28 =	vmul.f32 v45, v39;
	v25 =	vmul.f32 v46, v39;
	v45 =	vld [tilespmem:s1+$0x1F0]  }
0x98: {  	v27 =	vmul.f32 v47, v39;
	v16 =	vmul.f32 v48, v39;
	v6 =	vld.idx.msk [tilespmem:v49+s13+$0x0], $0xffff  }
0x99: {  	v17 =	vmul.f32 v3, v39;
	v14 =	vmul.f32 v14, v39;
	v46 =	vld [tilespmem:s1+$0xFFFFFEF0]  }
0x9a: {  	v47 =	vmul.f32 v33, v1;
	v15 =	vmul.f32 v15, v39;
	v3 =	vld.idx.msk [tilespmem:v50+s13+$0x0], $0xffff  }
0x9b: {  	v48 =	vmul.f32 v34, v1;
	v49 =	vmul.f32 v29, v1;
	v33 =	vld [tilespmem:s1+$0x0]  }
0x9c: {  	v59 =	vmul.f32 v37, v1;
	v60 =	vmul.f32 v32, v1;
	v50 =	vld [tilespmem:s1+$0x10]  }
0x9d: {  	v37 =	vmul.f32 v22, v1;
	v39 =	vmul.f32 v38, v1;
	v61 =	vld [tilespmem:s1+$0x20]  }
0x9e: {  	v2 =	vadd.f32 v51, v2;
	v38 =	vmul.f32 v23, v1;
	v22 =	vmul.f32 v46, v6;
	v46 =	vld [tilespmem:s1+$0xFFFFFF00]  }
0x9f: {  	v40 =	vmul.f32 v40, v1;
	v29 =	vmul.f32 v41, v1;
	v51 =	vld [tilespmem:s1+$0xFFFFFF10]  }
0xa0: {  	v34 =	vmul.f32 v42, v1;
	v2 =	vadd.f32 v22, v2;
	v41 =	vld [tilespmem:s1+$0xFFFFFF20];
	v22 =	vmul.f32 v33, v3  }
0xa1: {  	v32 =	vmul.f32 v44, v1;
	v33 =	vmul.f32 v43, v1;
	v42 =	vld [tilespmem:s1+$0xFFFFFF30]  }
0xa2: {  	v23 =	vmul.f32 v58, v1;
	v2 =	vadd.f32 v22, v2;
	v43 =	vld [tilespmem:s1+$0x30];
	v22 =	vmul.f32 v45, v1  }
0xa3: {  	v45 =	vmul.f32 v50, v3;
	v50 =	vmul.f32 v61, v3;
	v44 =	vld [tilespmem:s1+$0x40]  }
0xa4: {  	v46 =	vmul.f32 v46, v6;
	v51 =	vmul.f32 v51, v6;
	v58 =	vld [tilespmem:s1+$0x50];
	v2 =	vadd.f32 v47, v2  }
0xa5: {  	v11 =	vadd.f32 v52, v11;
	v10 =	vadd.f32 v53, v10;
	v41 =	vmul.f32 v41, v6;
	v47 =	vld [tilespmem:s1+$0x60]  }
0xa6: {  	v8 =	vadd.f32 v54, v8;
	v5 =	vadd.f32 v55, v5;
	v42 =	vmul.f32 v42, v6;
	v52 =	vld [tilespmem:s1+$0xFFFFFF40]  }
0xa7: {  	v11 =	vadd.f32 v46, v11;
	v10 =	vadd.f32 v51, v10;
	v51 =	vld [tilespmem:s1+$0xFFFFFF50];
	v43 =	vmul.f32 v43, v3  }
0xa8: {  	v8 =	vadd.f32 v41, v8;
	v5 =	vadd.f32 v42, v5;
	v53 =	vld [tilespmem:s1+$0xFFFFFF60];
	v42 =	vmul.f32 v44, v3  }
.Ltmp0:
0xa9: {  	v11 =	vadd.f32 v45, v11;
	v10 =	vadd.f32 v50, v10;
	v44 =	vld [tilespmem:s1+$0xFFFFFF70];
	v41 =	vmul.f32 v58, v3;
	(pc) =	sbr.rel @p0 .LBB2_3-.Ltmp0, $4  }
0xaa: {  	v8 =	vadd.f32 v43, v8;
	v5 =	vadd.f32 v42, v5;
	v42 =	vmul.f32 v47, v3;
	v46 =	vld [tilespmem:s1+$0x70]  }
0xab: {  	v11 =	vadd.f32 v48, v11;
	v10 =	vadd.f32 v49, v10;
	v47 =	vmul.f32 v52, v6;
	v45 =	vld [tilespmem:s1+$0x80]  }
0xac: {  	v8 =	vadd.f32 v59, v8;
	v48 =	vmul.f32 v51, v6;
	v43 =	vld [tilespmem:s1+$0x90];
	v5 =	vadd.f32 v60, v5  }
0xad: {  	s12 =	sadd.s32 $0x4, s12;
	v50 =	vadd.f32 v56, v30;
	v49 =	vadd.f32 v57, v31;
	v31 =	vmul.f32 v53, v6;
	v30 =	vld [tilespmem:s1+$0xA0]  }
0xae: {  	v0 =	vld [tilespmem:s1+$0xFFFFFF80]  }
0xaf: {  	v51 =	vld [tilespmem:s1+$0xFFFFFF90]  }
0xb0: {  	v52 =	vld [tilespmem:s1+$0xFFFFFFA0]  }
0xb1: {  	v53 =	vld [tilespmem:s1+$0xFFFFFFB0]  }
0xb2: {  	v54 =	vld [tilespmem:s1+$0xB0]  }
0xb3: {  	v55 =	vld [tilespmem:s1+$0xC0];
	v4 =	vadd.f32 v35, v4;
	v24 =	vadd.f32 v36, v24  }
0xb4: {  	v35 =	vld [tilespmem:s1+$0xD0];
	v20 =	vadd.f32 v26, v20;
	v21 =	vadd.f32 v28, v21  }
0xb5: {  	v56 =	vld [tilespmem:s1+$0xE0];
	v18 =	vadd.f32 v25, v18;
	v19 =	vadd.f32 v27, v19  }
0xb6: {  	v58 =	vld [tilespmem:s1+$0xFFFFFFD0];
	v12 =	vadd.f32 v16, v12;
	v13 =	vadd.f32 v17, v13  }
0xb7: {  	v62 =	vmul.f32 v44, v6;
	v59 =	vld [tilespmem:s1+$0xFFFFFFE0];
	v9 =	vadd.f32 v14, v9;
	v63 =	vadd.f32 v47, v50  }
0xb8: {  	v61 =	vld [tilespmem:s1+$0xFFFFFFF0];
	v48 =	vadd.f32 v48, v49;
	v46 =	vmul.f32 v46, v3;
	v4 =	vadd.f32 v31, v4  }
0xb9: {  	v28 =	vld [tilespmem:s1+$0x200];
	v24 =	vadd.f32 v62, v24;
	v57 =	vmul.f32 v45, v3;
	v41 =	vadd.f32 v41, v63  }
0xba: {  	s12 =	smul.u32 $0x1100, s29;
	v27 =	vld [tilespmem:s1+$0x210];
	v42 =	vadd.f32 v42, v48;
	v60 =	vmul.f32 v43, v3;
	v4 =	vadd.f32 v46, v4  }
0xbb: {  	v31 =	vld [tilespmem:s1+$0xFFFFFFC0];
	v24 =	vadd.f32 v57, v24;
	v30 =	vmul.f32 v30, v3;
	v39 =	vadd.f32 v39, v41  }
0xbc: {  	v62 =	vld [tilespmem:s1+$0xF0];
	s12 =	sshra.s32 s12, $0x2;
	v0 =	vmul.f32 v0, v6;
	v37 =	vadd.f32 v37, v42;
	v63 =	vmul.f32 v51, v6  }
0xbd: {  	v46 =	vld [tilespmem:s1+$0x100];
	[tilespmem:s12+$0xC800] =	vst v2;
	v26 =	vmul.f32 v52, v6;
	v25 =	vmul.f32 v53, v6;
	v4 =	vadd.f32 v38, v4  }
0xbe: {  	[tilespmem:s12+$0xC810] =	vst v11;
	v17 =	vmul.f32 v59, v6;
	v24 =	vadd.f32 v40, v24;
	v0 =	vadd.f32 v0, v20  }
0xbf: {  	[tilespmem:s12+$0xC820] =	vst v10;
	v16 =	vmul.f32 v58, v6;
	v20 =	vadd.f32 v63, v21;
	v2 =	vadd.f32 v26, v18  }
0xc0: {  	[tilespmem:s12+$0xC830] =	vst v8;
	v21 =	vmul.f32 v54, v3;
	v18 =	vadd.f32 v25, v19;
	v9 =	vadd.f32 v17, v9  }
0xc1: {  	v19 =	vmul.f32 v55, v3;
	[tilespmem:s12+$0xC870] =	vst v4;
	v4 =	vadd.f32 v15, v7;
	v7 =	vadd.f32 v16, v13  }
0xc2: {  	[tilespmem:s12+$0xC840] =	vst v5;
	v5 =	vmul.f32 v31, v6;
	v0 =	vadd.f32 v60, v0;
	v11 =	vadd.f32 v30, v20  }
0xc3: {  	v10 =	vmul.f32 v35, v3;
	[tilespmem:s12+$0xC850] =	vst v39;
	v2 =	vadd.f32 v21, v2;
	v18 =	vadd.f32 v19, v18  }
0xc4: {  	v8 =	vmul.f32 v56, v3;
	[tilespmem:s12+$0xC860] =	vst v37;
	v5 =	vadd.f32 v5, v12;
	v0 =	vadd.f32 v29, v0  }
0xc5: {  	v6 =	vmul.f32 v61, v6;
	[tilespmem:s12+$0xC880] =	vst v24;
	v11 =	vadd.f32 v34, v11;
	v2 =	vadd.f32 v33, v2  }
0xc6: {  	v12 =	vmul.f32 v62, v3;
	v18 =	vadd.f32 v32, v18;
	v5 =	vadd.f32 v10, v5;
	[tilespmem:s12+$0xC890] =	vst v0  }
0xc7: {  	v3 =	vmul.f32 v46, v3;
	v0 =	vadd.f32 v6, v4;
	v4 =	vadd.f32 v8, v7;
	[tilespmem:s12+$0xC8A0] =	vst v11  }
0xc8: {  	v6 =	vmul.f32 v28, v1;
	v7 =	vadd.f32 v12, v9;
	v5 =	vadd.f32 v23, v5;
	[tilespmem:s12+$0xC8B0] =	vst v2  }
0xc9: {  	v1 =	vmul.f32 v27, v1;
	[tilespmem:s12+$0xC8C0] =	vst v18;
	v0 =	vadd.f32 v3, v0;
	v2 =	vadd.f32 v22, v4  }
0xca: {  	p0 =	seq.s32 s29, $0x3F;
	v3 =	vadd.f32 v6, v7;
	[tilespmem:s12+$0xC8D0] =	vst v5  }
0xcb: {  	s1 =	sshll.u32 @!p0 s29, $0x7;
	v0 =	vadd.f32 v1, v0;
	[tilespmem:s12+$0xC8E0] =	vst v2  }
0xcc: {  	s1 =	sand.u32 @!p0 $0x3FFFFF80, s1;
	[tilespmem:s12+$0xC8F0] =	vst v3  }
0xcd: {  	s14 =	simm.s32 @!p0 $0x20;
	s16 =	simm.s32 @!p0 $0x4000;
	[tilespmem:s12+$0xC900] =	vst v0;
	s12 =	sadd.s32 @!p0 $0x80, s1  }
0xce: {  	[tilespmem:s16], [sflag:$0x1] =	stream.indirect.gather @!p0 [hbm4b:s3+s14], $0x110, s12, s14, $0xb8;
	[tilespmem:$0x1D800] =	vst v63  }
0xcf: {  	_ =	swait.ge [sflag:s22], $0x2200  }
0xd0: {  	[sflag:s22] =	ssyncset.done $0x0  }
0xd1: {  	s12 =	simm.s32 $0x6420;
	[sflag:s22] =	ssyncadd.s32 $0xFFFFDE00  }
0xd2: {  	v2 =	vld [tilespmem:s12+$0x110]  }
0xd3: {  	v4 =	vld [tilespmem:s12+$0x120]  }
0xd4: {  	v5 =	vld [tilespmem:s12+$0x130]  }
0xd5: {  	v7 =	vld [tilespmem:s12+$0x140]  }
0xd6: {  	v8 =	vld [tilespmem:s12+$0x150]  }
0xd7: {  	v9 =	vld [tilespmem:s12+$0x160]  }
0xd8: {  	v10 =	vld [tilespmem:s12+$0x170]  }
0xd9: {  	v11 =	vld [tilespmem:s12+$0x180]  }
0xda: {  	v12 =	vld [tilespmem:s12+$0x190]  }
0xdb: {  	v13 =	vld [tilespmem:s12+$0x1A0]  }
0xdc: {  	v18 =	vld [tilespmem:s12+$0x1B0]  }
0xdd: {  	v19 =	vld [tilespmem:s12+$0x1C0]  }
0xde: {  	v3 =	vld [tilespmem:s12+$0xFFFFFDE0]  }
0xdf: {  	s18 =	simm.s32 $0x0;
	s14 =	sor.u32 $0x1, s0;
	v6 =	vld [tilespmem:s12+$0xFFFFFDF0]  }
0xe0: {  	v1 =	vmov s18;
	s17 =	sshll.u32 s14, $0x5;
	v14 =	vld [tilespmem:s12+$0xFFFFFE00]  }
0xe1: {  	v1 =	vand.u32 $0x1C, v1;
	v0 =	vmov s17;
	v15 =	vld [tilespmem:s12+$0xFFFFFE10]  }
0xe2: {  	v1 =	vor.u32 v0, v1;
	v16 =	vld [tilespmem:s12+$0xFFFFFE20]  }
0xe3: {  	v1 =	vbroadcast v1, $0x0;
	v17 =	vld [tilespmem:s12+$0xFFFFFE30]  }
0xe4: {  	v21 =	vld [tilespmem:s12+$0xFFFFFE40]  }
0xe5: {  	v22 =	vld [tilespmem:s12+$0xFFFFFE50]  }
0xe6: {  	v23 =	vld [tilespmem:s12+$0xFFFFFE60]  }
0xe7: {  	s17 =	simm.s32 $0x1;
	v25 =	vld [tilespmem:s12+$0xFFFFFE80]  }
0xe8: {  	s18 =	simm.s32 $0x3;
	v26 =	vmov s17;
	v30 =	vld [tilespmem:s12+$0xFFFFFE90]  }
0xe9: {  	v24 =	vmov s18;
	s18 =	simm.s32 $0x2;
	v26 =	vand.u32 $0x1D, v26;
	v29 =	vld.idx.msk [tilespmem:v1+s13+$0x0], $0xffff  }
0xea: {  	v27 =	vmov s18;
	v31 =	vld [tilespmem:s12+$0xFFFFFEA0];
	v26 =	vor.u32 v0, v26;
	v1 =	vand.u32 $0x1F, v24  }
0xeb: {  	v27 =	vand.u32 $0x1E, v27;
	v48 =	vld [tilespmem:s12+$0xFFFFFEB0];
	v49 =	vbroadcast v26, $0x0;
	v1 =	vor.u32 v0, v1  }
0xec: {  	v27 =	vor.u32 v0, v27;
	v62 =	vld [tilespmem:s12+$0xFFFFFF40];
	v1 =	vbroadcast v1, $0x0  }
0xed: {  	v50 =	vbroadcast v27, $0x0;
	v24 =	vld [tilespmem:s12+$0xFFFFFE70]  }
0xee: {  	v51 =	vmul.f32 v3, v29;
	v52 =	vmul.f32 v6, v29;
	v3 =	vld [tilespmem:s12+$0xFFFFFEC0]  }
0xef: {  	v53 =	vmul.f32 v14, v29;
	v54 =	vmul.f32 v15, v29;
	v14 =	vld [tilespmem:s12+$0xFFFFFED0]  }
0xf0: {  	v55 =	vmul.f32 v16, v29;
	v56 =	vmul.f32 v17, v29;
	v15 =	vld [tilespmem:s12+$0xFFFFFEE0]  }
0xf1: {  	v21 =	vmul.f32 v21, v29;
	v35 =	vmul.f32 v22, v29;
	v6 =	vld.idx.msk [tilespmem:v49+s13+$0x0], $0xffff  }
0xf2: {  	v36 =	vmul.f32 v23, v29;
	v26 =	vmul.f32 v24, v29;
	v1 =	vld.idx.msk [tilespmem:v1+s13+$0x0], $0xffff  }
0xf3: {  	v20 =	vld [tilespmem:s12+$0x1D0];
	v28 =	vmul.f32 v25, v29;
	v25 =	vmul.f32 v30, v29  }
0xf4: {  	v57 =	vld [tilespmem:s12+$0x10];
	v27 =	vmul.f32 v31, v29;
	v16 =	vmul.f32 v48, v29  }
0xf5: {  	v23 =	vld [tilespmem:s12+$0xFFFFFEF0];
	v17 =	vmul.f32 v3, v29;
	v14 =	vmul.f32 v14, v29  }
0xf6: {  	v58 =	vld [tilespmem:s12+$0x20];
	v15 =	vmul.f32 v15, v29;
	v47 =	vmul.f32 v62, v6  }
0xf7: {  	v22 =	vld [tilespmem:s12+$0x1E0];
	v2 =	vmul.f32 v2, v1;
	v31 =	vmul.f32 v4, v1  }
0xf8: {  	v30 =	vld [tilespmem:s12+$0x0];
	v5 =	vmul.f32 v5, v1;
	v7 =	vmul.f32 v7, v1  }
0xf9: {  	v3 =	vld.idx.msk [tilespmem:v50+s13+$0x0], $0xffff;
	v8 =	vmul.f32 v8, v1;
	v39 =	vmul.f32 v9, v1  }
0xfa: {  	v24 =	vld [tilespmem:s12+$0x1F0];
	v37 =	vmul.f32 v10, v1;
	v10 =	vmul.f32 v23, v6  }
0xfb: {  	v59 =	vld [tilespmem:s12+$0xFFFFFF00];
	v4 =	vimm.f32 $0.0e+00;
	v38 =	vmul.f32 v11, v1;
	v40 =	vmul.f32 v12, v1  }
0xfc: {  	v61 =	vld [tilespmem:s12+$0x60];
	v29 =	vmul.f32 v13, v1;
	v34 =	vmul.f32 v18, v1;
	v9 =	vadd.f32 v51, v4  }
0xfd: {  	v11 =	vld [tilespmem:s12+$0xFFFFFF10];
	v33 =	vmul.f32 v19, v1;
	v32 =	vmul.f32 v20, v1  }
0xfe: {  	v13 =	vld [tilespmem:s12+$0xFFFFFF30];
	v23 =	vmul.f32 v22, v1;
	v12 =	vmul.f32 v30, v3;
	v9 =	vadd.f32 v10, v9  }
0xff: {  	v22 =	vmul.f32 v24, v1;
	v60 =	vadd.f32 v53, v4;
	v43 =	vadd.f32 v54, v4;
	v10 =	vld [tilespmem:s12+$0xFFFFFF20]  }
0x100: {  	v20 =	vld [tilespmem:s12+$0x40];
	v24 =	vmul.f32 v59, v6;
	v44 =	vadd.f32 v55, v4;
	v9 =	vadd.f32 v12, v9  }
0x101: {  	v50 =	vadd.f32 v56, v4;
	v49 =	vadd.f32 v21, v4;
	v18 =	vmul.f32 v57, v3;
	v12 =	vld [tilespmem:s12+$0x30]  }
0x102: {  	v19 =	vmul.f32 v58, v3;
	v30 =	vld [tilespmem:s12+$0x50];
	v2 =	vadd.f32 v2, v9;
	v9 =	vadd.f32 v52, v4  }
0x103: {  	v21 =	vimm.f32 $0.0e+00;
	v11 =	vmul.f32 v11, v6;
	v13 =	vmul.f32 v13, v6  }
0x104: {  	v42 =	vmul.f32 v61, v3;
	v10 =	vmul.f32 v10, v6;
	v9 =	vadd.f32 v24, v9  }
0x105: {  	v63 =	vld [tilespmem:s12+$0xFFFFFF60];
	v20 =	vmul.f32 v20, v3;
	v11 =	vadd.f32 v11, v60;
	v13 =	vadd.f32 v13, v44  }
0x106: {  	v24 =	vld [tilespmem:s12+$0xFFFFFF50];
	v12 =	vmul.f32 v12, v3;
	v10 =	vadd.f32 v10, v43;
	v9 =	vadd.f32 v18, v9  }
0x107: {  	v41 =	vmul.f32 v30, v3;
	v13 =	vadd.f32 v20, v13;
	v18 =	vadd.f32 v19, v11  }
0x108: {  	v44 =	vld [tilespmem:s12+$0xFFFFFF70];
	v20 =	vimm.f32 $0.0e+00;
	v12 =	vadd.f32 v12, v10;
	v11 =	vadd.f32 v31, v9  }
0x109: {  	v46 =	vld [tilespmem:s12+$0x70];
	v19 =	vimm.f32 $0.0e+00;
	v10 =	vadd.f32 v5, v18;
	v5 =	vadd.f32 v8, v13  }
0x10a: {  	v45 =	vld [tilespmem:s12+$0x80];
	v31 =	vmul.f32 v63, v6;
	v18 =	vimm.f32 $0.0e+00;
	v13 =	vimm.f32 $0.0e+00  }
0x10b: {  	v43 =	vld [tilespmem:s12+$0x90];
	v8 =	vimm.f32 $0.0e+00;
	v48 =	vmul.f32 v24, v6;
	v9 =	vadd.f32 v7, v12  }
0x10c: {  	s16 =	simm.s32 $0x4;
	v30 =	vld [tilespmem:s12+$0xA0];
	v24 =	vimm.f32 $0.0e+00;
	v12 =	vimm.f32 $0.0e+00;
	v7 =	vimm.f32 $0.0e+00  }
.LBB2_5:
0x10d: {  	p1 =	sne.s32 s16, $0x1C;
	v4 =	vadd.f32 v35, v4;
	v24 =	vadd.f32 v36, v24;
	v35 =	vmul.f32 v44, v6;
	v36 =	vld [tilespmem:s12+$0xFFFFFF80]  }
0x10e: {  	v44 =	vadd.f32 v47, v50;
	v47 =	vadd.f32 v48, v49;
	v48 =	vld [tilespmem:s12+$0xFFFFFF90];
	v46 =	vmul.f32 v46, v3  }
0x10f: {  	v4 =	vadd.f32 v31, v4;
	v24 =	vadd.f32 v35, v24;
	v35 =	vld [tilespmem:s12+$0xFFFFFFA0];
	v31 =	vmul.f32 v45, v3  }
0x110: {  	v45 =	vld [tilespmem:s12+$0xFFFFFFB0];
	v41 =	vadd.f32 v41, v44;
	v42 =	vadd.f32 v42, v47;
	v43 =	vmul.f32 v43, v3  }
0x111: {  	v4 =	vadd.f32 v46, v4;
	v24 =	vadd.f32 v31, v24;
	v44 =	vmul.f32 v30, v3;
	v46 =	vld [tilespmem:s12+$0xB0]  }
0x112: {  	v36 =	vmul.f32 v36, v6;
	v47 =	vld [tilespmem:s12+$0xC0];
	v30 =	vadd.f32 v39, v41;
	v31 =	vadd.f32 v37, v42  }
0x113: {  	v37 =	vmul.f32 v48, v6;
	v39 =	vld [tilespmem:s12+$0xD0];
	v4 =	vadd.f32 v38, v4;
	v24 =	vadd.f32 v40, v24  }
0x114: {  	v20 =	vadd.f32 v26, v20;
	v21 =	vadd.f32 v28, v21;
	v26 =	vmul.f32 v35, v6;
	v28 =	vld [tilespmem:s12+$0xE0]  }
0x115: {  	v18 =	vadd.f32 v25, v18;
	v19 =	vadd.f32 v27, v19;
	v25 =	vmul.f32 v45, v6;
	v27 =	vld [tilespmem:s12+$0xFFFFFFC0]  }
0x116: {  	v20 =	vadd.f32 v36, v20;
	v21 =	vadd.f32 v37, v21;
	v35 =	vld [tilespmem:s12+$0xFFFFFFD0];
	v36 =	vmul.f32 v46, v3  }
0x117: {  	v18 =	vadd.f32 v26, v18;
	v19 =	vadd.f32 v25, v19;
	v25 =	vld [tilespmem:s12+$0xFFFFFFE0];
	v26 =	vmul.f32 v47, v3  }
0x118: {  	v20 =	vadd.f32 v43, v20;
	v21 =	vadd.f32 v44, v21;
	v37 =	vld [tilespmem:s12+$0xFFFFFFF0];
	v38 =	vmul.f32 v39, v3  }
0x119: {  	v18 =	vadd.f32 v36, v18;
	v19 =	vadd.f32 v26, v19;
	v26 =	vmul.f32 v28, v3;
	v28 =	vld [tilespmem:s12+$0xF0]  }
0x11a: {  	v20 =	vadd.f32 v29, v20;
	v21 =	vadd.f32 v34, v21;
	v27 =	vmul.f32 v27, v6;
	v36 =	vld [tilespmem:s12+$0x100]  }
0x11b: {  	v18 =	vadd.f32 v33, v18;
	v29 =	vmul.f32 v35, v6;
	v19 =	vadd.f32 v32, v19;
	v32 =	vld [tilespmem:s12+$0x200]  }
0x11c: {  	v13 =	vadd.f32 v16, v13;
	v12 =	vadd.f32 v17, v12;
	v16 =	vmul.f32 v25, v6;
	v17 =	vld [tilespmem:s12+$0x210];
	s12 =	sadd.s32 $0x440, s12  }
0x11d: {  	v8 =	vadd.f32 v14, v8;
	v7 =	vadd.f32 v15, v7;
	v33 =	vld [tilespmem:s12+$0x110];
	v6 =	vmul.f32 v37, v6  }
0x11e: {  	v13 =	vadd.f32 v27, v13;
	v12 =	vadd.f32 v29, v12;
	v34 =	vld [tilespmem:s12+$0x120];
	v14 =	vmul.f32 v28, v3  }
0x11f: {  	v8 =	vadd.f32 v16, v8;
	v29 =	vld [tilespmem:s12+$0x130];
	v6 =	vadd.f32 v6, v7;
	v3 =	vmul.f32 v36, v3  }
0x120: {  	v7 =	vadd.f32 v38, v13;
	v12 =	vadd.f32 v26, v12;
	v37 =	vld [tilespmem:s12+$0x140];
	v15 =	vmul.f32 v32, v1  }
0x121: {  	v8 =	vadd.f32 v14, v8;
	v32 =	vld [tilespmem:s12+$0x150];
	v3 =	vadd.f32 v3, v6;
	v1 =	vmul.f32 v17, v1  }
0x122: {  	v13 =	vadd.f32 v23, v7;
	v12 =	vadd.f32 v22, v12;
	v38 =	vld [tilespmem:s12+$0x160]  }
0x123: {  	v8 =	vadd.f32 v15, v8;
	v22 =	vld [tilespmem:s12+$0x170];
	v7 =	vadd.f32 v1, v3  }
0x124: {  	v23 =	vld [tilespmem:s12+$0x180]  }
0x125: {  	v40 =	vld [tilespmem:s12+$0x190]  }
0x126: {  	v41 =	vld [tilespmem:s12+$0x1A0]  }
0x127: {  	v42 =	vld [tilespmem:s12+$0x1B0]  }
0x128: {  	v43 =	vld [tilespmem:s12+$0x1C0]  }
0x129: {  	v44 =	vld [tilespmem:s12+$0x1D0]  }
0x12a: {  	v1 =	vmov s16;
	v3 =	vld [tilespmem:s12+$0xFFFFFDE0]  }
0x12b: {  	v1 =	vand.u32 $0x1C, v1;
	v6 =	vld [tilespmem:s12+$0xFFFFFDF0]  }
0x12c: {  	v1 =	vor.u32 v0, v1;
	v14 =	vld [tilespmem:s12+$0xFFFFFE00]  }
0x12d: {  	v1 =	vbroadcast v1, $0x0;
	v15 =	vld [tilespmem:s12+$0xFFFFFE10]  }
0x12e: {  	v16 =	vld [tilespmem:s12+$0xFFFFFE20]  }
0x12f: {  	v17 =	vld [tilespmem:s12+$0xFFFFFE30]  }
0x130: {  	v25 =	vld [tilespmem:s12+$0xFFFFFE40]  }
0x131: {  	s17 =	sadd.s32 $0x3, s16;
	v26 =	vld [tilespmem:s12+$0xFFFFFE50]  }
0x132: {  	v28 =	vmov s17;
	v27 =	vld [tilespmem:s12+$0xFFFFFE60]  }
0x133: {  	v39 =	vld.idx.msk [tilespmem:v1+s13+$0x0], $0xffff;
	v1 =	vand.u32 $0x1F, v28  }
0x134: {  	s18 =	sadd.s32 $0x2, s16;
	s17 =	sadd.s32 $0x1, s16;
	v28 =	vld [tilespmem:s12+$0xFFFFFE70];
	v1 =	vor.u32 v0, v1  }
0x135: {  	v35 =	vmov s17;
	v36 =	vmov s18;
	v45 =	vld [tilespmem:s12+$0xFFFFFE80];
	v1 =	vbroadcast v1, $0x0  }
0x136: {  	v35 =	vand.u32 $0x1D, v35;
	v36 =	vand.u32 $0x1E, v36;
	v46 =	vld [tilespmem:s12+$0xFFFFFE90]  }
0x137: {  	v35 =	vor.u32 v0, v35;
	v36 =	vor.u32 v0, v36;
	v47 =	vld [tilespmem:s12+$0xFFFFFEA0]  }
0x138: {  	v49 =	vbroadcast v35, $0x0;
	v50 =	vbroadcast v36, $0x0;
	v48 =	vld [tilespmem:s12+$0xFFFFFEB0]  }
0x139: {  	v51 =	vmul.f32 v3, v39;
	v52 =	vmul.f32 v6, v39;
	v3 =	vld [tilespmem:s12+$0xFFFFFEC0]  }
0x13a: {  	v53 =	vmul.f32 v14, v39;
	v54 =	vmul.f32 v15, v39;
	v14 =	vld [tilespmem:s12+$0xFFFFFED0]  }
0x13b: {  	v55 =	vmul.f32 v16, v39;
	v56 =	vmul.f32 v17, v39;
	v1 =	vld.idx.msk [tilespmem:v1+s13+$0x0], $0xffff  }
0x13c: {  	v57 =	vmul.f32 v25, v39;
	v35 =	vmul.f32 v26, v39;
	v15 =	vld [tilespmem:s12+$0xFFFFFEE0]  }
0x13d: {  	v36 =	vmul.f32 v27, v39;
	v26 =	vmul.f32 v28, v39;
	v58 =	vld [tilespmem:s12+$0x1E0]  }
0x13e: {  	v28 =	vmul.f32 v45, v39;
	v25 =	vmul.f32 v46, v39;
	v45 =	vld [tilespmem:s12+$0x1F0]  }
0x13f: {  	v27 =	vmul.f32 v47, v39;
	v16 =	vmul.f32 v48, v39;
	v6 =	vld.idx.msk [tilespmem:v49+s13+$0x0], $0xffff  }
0x140: {  	v17 =	vmul.f32 v3, v39;
	v14 =	vmul.f32 v14, v39;
	v46 =	vld [tilespmem:s12+$0xFFFFFEF0]  }
0x141: {  	v47 =	vmul.f32 v33, v1;
	v15 =	vmul.f32 v15, v39;
	v3 =	vld.idx.msk [tilespmem:v50+s13+$0x0], $0xffff  }
0x142: {  	v48 =	vmul.f32 v34, v1;
	v49 =	vmul.f32 v29, v1;
	v33 =	vld [tilespmem:s12+$0x0]  }
0x143: {  	v59 =	vmul.f32 v37, v1;
	v60 =	vmul.f32 v32, v1;
	v50 =	vld [tilespmem:s12+$0x10]  }
0x144: {  	v37 =	vmul.f32 v22, v1;
	v39 =	vmul.f32 v38, v1;
	v61 =	vld [tilespmem:s12+$0x20]  }
0x145: {  	v2 =	vadd.f32 v51, v2;
	v38 =	vmul.f32 v23, v1;
	v22 =	vmul.f32 v46, v6;
	v46 =	vld [tilespmem:s12+$0xFFFFFF00]  }
0x146: {  	v40 =	vmul.f32 v40, v1;
	v29 =	vmul.f32 v41, v1;
	v51 =	vld [tilespmem:s12+$0xFFFFFF10]  }
0x147: {  	v34 =	vmul.f32 v42, v1;
	v2 =	vadd.f32 v22, v2;
	v41 =	vld [tilespmem:s12+$0xFFFFFF20];
	v22 =	vmul.f32 v33, v3  }
0x148: {  	v32 =	vmul.f32 v44, v1;
	v33 =	vmul.f32 v43, v1;
	v42 =	vld [tilespmem:s12+$0xFFFFFF30]  }
0x149: {  	v23 =	vmul.f32 v58, v1;
	v2 =	vadd.f32 v22, v2;
	v43 =	vld [tilespmem:s12+$0x30];
	v22 =	vmul.f32 v45, v1  }
0x14a: {  	v45 =	vmul.f32 v50, v3;
	v50 =	vmul.f32 v61, v3;
	v44 =	vld [tilespmem:s12+$0x40]  }
0x14b: {  	v46 =	vmul.f32 v46, v6;
	v51 =	vmul.f32 v51, v6;
	v58 =	vld [tilespmem:s12+$0x50];
	v2 =	vadd.f32 v47, v2  }
0x14c: {  	v11 =	vadd.f32 v52, v11;
	v10 =	vadd.f32 v53, v10;
	v41 =	vmul.f32 v41, v6;
	v47 =	vld [tilespmem:s12+$0x60]  }
0x14d: {  	v9 =	vadd.f32 v54, v9;
	v5 =	vadd.f32 v55, v5;
	v42 =	vmul.f32 v42, v6;
	v52 =	vld [tilespmem:s12+$0xFFFFFF40]  }
0x14e: {  	v11 =	vadd.f32 v46, v11;
	v10 =	vadd.f32 v51, v10;
	v51 =	vld [tilespmem:s12+$0xFFFFFF50];
	v43 =	vmul.f32 v43, v3  }
0x14f: {  	v9 =	vadd.f32 v41, v9;
	v5 =	vadd.f32 v42, v5;
	v53 =	vld [tilespmem:s12+$0xFFFFFF60];
	v42 =	vmul.f32 v44, v3  }
.Ltmp1:
0x150: {  	v11 =	vadd.f32 v45, v11;
	v10 =	vadd.f32 v50, v10;
	v44 =	vld [tilespmem:s12+$0xFFFFFF70];
	v41 =	vmul.f32 v58, v3;
	(pc) =	sbr.rel @p1 .LBB2_5-.Ltmp1, $4  }
0x151: {  	v9 =	vadd.f32 v43, v9;
	v5 =	vadd.f32 v42, v5;
	v42 =	vmul.f32 v47, v3;
	v46 =	vld [tilespmem:s12+$0x70]  }
0x152: {  	v11 =	vadd.f32 v48, v11;
	v10 =	vadd.f32 v49, v10;
	v47 =	vmul.f32 v52, v6;
	v45 =	vld [tilespmem:s12+$0x80]  }
0x153: {  	v9 =	vadd.f32 v59, v9;
	v48 =	vmul.f32 v51, v6;
	v43 =	vld [tilespmem:s12+$0x90];
	v5 =	vadd.f32 v60, v5  }
0x154: {  	s16 =	sadd.s32 $0x4, s16;
	v50 =	vadd.f32 v56, v30;
	v49 =	vadd.f32 v57, v31;
	v31 =	vmul.f32 v53, v6;
	v30 =	vld [tilespmem:s12+$0xA0]  }
0x155: {  	v0 =	vld [tilespmem:s12+$0xFFFFFF80]  }
0x156: {  	v51 =	vld [tilespmem:s12+$0xFFFFFF90]  }
0x157: {  	v52 =	vld [tilespmem:s12+$0xFFFFFFA0]  }
0x158: {  	v53 =	vld [tilespmem:s12+$0xFFFFFFB0]  }
0x159: {  	v54 =	vld [tilespmem:s12+$0xB0]  }
0x15a: {  	v55 =	vld [tilespmem:s12+$0xC0];
	v4 =	vadd.f32 v35, v4;
	v24 =	vadd.f32 v36, v24  }
0x15b: {  	v35 =	vld [tilespmem:s12+$0xD0];
	v20 =	vadd.f32 v26, v20;
	v21 =	vadd.f32 v28, v21  }
0x15c: {  	v56 =	vld [tilespmem:s12+$0xE0];
	v18 =	vadd.f32 v25, v18;
	v19 =	vadd.f32 v27, v19  }
0x15d: {  	v58 =	vld [tilespmem:s12+$0xFFFFFFD0];
	v13 =	vadd.f32 v16, v13;
	v12 =	vadd.f32 v17, v12  }
0x15e: {  	v62 =	vmul.f32 v44, v6;
	v59 =	vld [tilespmem:s12+$0xFFFFFFE0];
	v8 =	vadd.f32 v14, v8;
	v63 =	vadd.f32 v47, v50  }
0x15f: {  	v61 =	vld [tilespmem:s12+$0xFFFFFFF0];
	v48 =	vadd.f32 v48, v49;
	v46 =	vmul.f32 v46, v3;
	v4 =	vadd.f32 v31, v4  }
0x160: {  	v28 =	vld [tilespmem:s12+$0x200];
	v24 =	vadd.f32 v62, v24;
	v57 =	vmul.f32 v45, v3;
	v41 =	vadd.f32 v41, v63  }
0x161: {  	s14 =	smul.u32 $0x440, s14;
	v27 =	vld [tilespmem:s12+$0x210];
	v42 =	vadd.f32 v42, v48;
	v60 =	vmul.f32 v43, v3;
	v4 =	vadd.f32 v46, v4  }
0x162: {  	v31 =	vld [tilespmem:s12+$0xFFFFFFC0];
	v24 =	vadd.f32 v57, v24;
	v30 =	vmul.f32 v30, v3;
	v39 =	vadd.f32 v39, v41  }
0x163: {  	v62 =	vld [tilespmem:s12+$0xF0];
	s16 =	sshra.s32 s14, $0x2;
	v0 =	vmul.f32 v0, v6;
	v37 =	vadd.f32 v37, v42;
	v63 =	vmul.f32 v51, v6  }
0x164: {  	v46 =	vld [tilespmem:s12+$0x100];
	[tilespmem:s16+$0xC800] =	vst v2;
	v26 =	vmul.f32 v52, v6;
	v25 =	vmul.f32 v53, v6;
	v4 =	vadd.f32 v38, v4  }
0x165: {  	[tilespmem:s16+$0xC810] =	vst v11;
	v17 =	vmul.f32 v59, v6;
	v24 =	vadd.f32 v40, v24;
	v0 =	vadd.f32 v0, v20  }
0x166: {  	[tilespmem:s16+$0xC820] =	vst v10;
	v16 =	vmul.f32 v58, v6;
	v20 =	vadd.f32 v63, v21;
	v2 =	vadd.f32 v26, v18  }
0x167: {  	[tilespmem:s16+$0xC830] =	vst v9;
	v21 =	vmul.f32 v54, v3;
	v18 =	vadd.f32 v25, v19;
	v8 =	vadd.f32 v17, v8  }
0x168: {  	v19 =	vmul.f32 v55, v3;
	[tilespmem:s16+$0xC870] =	vst v4;
	v4 =	vadd.f32 v15, v7;
	v7 =	vadd.f32 v16, v12  }
0x169: {  	[tilespmem:s16+$0xC840] =	vst v5;
	v5 =	vmul.f32 v31, v6;
	v0 =	vadd.f32 v60, v0;
	v11 =	vadd.f32 v30, v20  }
0x16a: {  	v10 =	vmul.f32 v35, v3;
	[tilespmem:s16+$0xC850] =	vst v39;
	v2 =	vadd.f32 v21, v2;
	v18 =	vadd.f32 v19, v18  }
0x16b: {  	v9 =	vmul.f32 v56, v3;
	[tilespmem:s16+$0xC860] =	vst v37;
	v5 =	vadd.f32 v5, v13;
	v0 =	vadd.f32 v29, v0  }
0x16c: {  	v6 =	vmul.f32 v61, v6;
	[tilespmem:s16+$0xC880] =	vst v24;
	v11 =	vadd.f32 v34, v11;
	v2 =	vadd.f32 v33, v2  }
0x16d: {  	v12 =	vmul.f32 v62, v3;
	v18 =	vadd.f32 v32, v18;
	v5 =	vadd.f32 v10, v5;
	[tilespmem:s16+$0xC890] =	vst v0  }
0x16e: {  	v3 =	vmul.f32 v46, v3;
	v0 =	vadd.f32 v6, v4;
	v4 =	vadd.f32 v9, v7;
	[tilespmem:s16+$0xC8A0] =	vst v11  }
0x16f: {  	v6 =	vmul.f32 v28, v1;
	v7 =	vadd.f32 v12, v8;
	v5 =	vadd.f32 v23, v5;
	[tilespmem:s16+$0xC8B0] =	vst v2  }
0x170: {  	v1 =	vmul.f32 v27, v1;
	[tilespmem:s16+$0xC8C0] =	vst v18;
	v0 =	vadd.f32 v3, v0;
	v2 =	vadd.f32 v22, v4  }
0x171: {  	v3 =	vadd.f32 v6, v7;
	[tilespmem:s16+$0xC8D0] =	vst v5  }
0x172: {  	v0 =	vadd.f32 v1, v0;
	[tilespmem:s16+$0xC8E0] =	vst v2  }
0x173: {  	[tilespmem:s16+$0xC8F0] =	vst v3  }
0x174: {  	s14 =	simm.s32 @!p0 $0x20;
	s12 =	sadd.s32 @!p0 $0xA0, s1;
	[tilespmem:s16+$0xC900] =	vst v0;
	s16 =	simm.s32 @!p0 $0x6200  }
0x175: {  	[tilespmem:s16], [sflag:$0x2] =	stream.indirect.gather @!p0 [hbm4b:s3+s14], $0x110, s12, s14, $0xb8;
	[tilespmem:$0x1D800] =	vst v63  }
0x176: {  	_ =	swait.ge [sflag:s23], $0x2200  }
0x177: {  	[sflag:s23] =	ssyncset.done $0x0  }
0x178: {  	s12 =	simm.s32 $0x8620;
	[sflag:s23] =	ssyncadd.s32 $0xFFFFDE00  }
0x179: {  	v2 =	vld [tilespmem:s12+$0x110]  }
0x17a: {  	v4 =	vld [tilespmem:s12+$0x120]  }
0x17b: {  	v5 =	vld [tilespmem:s12+$0x130]  }
0x17c: {  	v7 =	vld [tilespmem:s12+$0x140]  }
0x17d: {  	v8 =	vld [tilespmem:s12+$0x150]  }
0x17e: {  	v9 =	vld [tilespmem:s12+$0x160]  }
0x17f: {  	v10 =	vld [tilespmem:s12+$0x170]  }
0x180: {  	v11 =	vld [tilespmem:s12+$0x180]  }
0x181: {  	v12 =	vld [tilespmem:s12+$0x190]  }
0x182: {  	v13 =	vld [tilespmem:s12+$0x1A0]  }
0x183: {  	v18 =	vld [tilespmem:s12+$0x1B0]  }
0x184: {  	v19 =	vld [tilespmem:s12+$0x1C0]  }
0x185: {  	v3 =	vld [tilespmem:s12+$0xFFFFFDE0]  }
0x186: {  	s0 =	sor.u32 $0x2, s0;
	s17 =	simm.s32 $0x0;
	v6 =	vld [tilespmem:s12+$0xFFFFFDF0]  }
0x187: {  	s18 =	sshll.u32 s0, $0x5;
	v1 =	vmov s17;
	v14 =	vld [tilespmem:s12+$0xFFFFFE00]  }
0x188: {  	v1 =	vand.u32 $0x1C, v1;
	v0 =	vmov s18;
	v15 =	vld [tilespmem:s12+$0xFFFFFE10]  }
0x189: {  	v1 =	vor.u32 v0, v1;
	v16 =	vld [tilespmem:s12+$0xFFFFFE20]  }
0x18a: {  	v1 =	vbroadcast v1, $0x0;
	v17 =	vld [tilespmem:s12+$0xFFFFFE30]  }
0x18b: {  	v21 =	vld [tilespmem:s12+$0xFFFFFE40]  }
0x18c: {  	v22 =	vld [tilespmem:s12+$0xFFFFFE50]  }
0x18d: {  	v23 =	vld [tilespmem:s12+$0xFFFFFE60]  }
0x18e: {  	s17 =	simm.s32 $0x1;
	v25 =	vld [tilespmem:s12+$0xFFFFFE80]  }
0x18f: {  	v26 =	vmov s17;
	s16 =	simm.s32 $0x3;
	v30 =	vld [tilespmem:s12+$0xFFFFFE90]  }
0x190: {  	s18 =	simm.s32 $0x2;
	v26 =	vand.u32 $0x1D, v26;
	v24 =	vmov s16;
	v29 =	vld.idx.msk [tilespmem:v1+s13+$0x0], $0xffff  }
0x191: {  	v27 =	vmov s18;
	v26 =	vor.u32 v0, v26;
	v31 =	vld [tilespmem:s12+$0xFFFFFEA0];
	v1 =	vand.u32 $0x1F, v24  }
0x192: {  	v27 =	vand.u32 $0x1E, v27;
	v49 =	vbroadcast v26, $0x0;
	v48 =	vld [tilespmem:s12+$0xFFFFFEB0];
	v1 =	vor.u32 v0, v1  }
0x193: {  	v27 =	vor.u32 v0, v27;
	v62 =	vld [tilespmem:s12+$0xFFFFFF40];
	v1 =	vbroadcast v1, $0x0  }
0x194: {  	v50 =	vbroadcast v27, $0x0;
	v24 =	vld [tilespmem:s12+$0xFFFFFE70]  }
0x195: {  	v51 =	vmul.f32 v3, v29;
	v52 =	vmul.f32 v6, v29;
	v3 =	vld [tilespmem:s12+$0xFFFFFEC0]  }
0x196: {  	v53 =	vmul.f32 v14, v29;
	v54 =	vmul.f32 v15, v29;
	v14 =	vld [tilespmem:s12+$0xFFFFFED0]  }
0x197: {  	v55 =	vmul.f32 v16, v29;
	v56 =	vmul.f32 v17, v29;
	v15 =	vld [tilespmem:s12+$0xFFFFFEE0]  }
0x198: {  	v21 =	vmul.f32 v21, v29;
	v35 =	vmul.f32 v22, v29;
	v6 =	vld.idx.msk [tilespmem:v49+s13+$0x0], $0xffff  }
0x199: {  	v36 =	vmul.f32 v23, v29;
	v26 =	vmul.f32 v24, v29;
	v1 =	vld.idx.msk [tilespmem:v1+s13+$0x0], $0xffff  }
0x19a: {  	v20 =	vld [tilespmem:s12+$0x1D0];
	v28 =	vmul.f32 v25, v29;
	v25 =	vmul.f32 v30, v29  }
0x19b: {  	v57 =	vld [tilespmem:s12+$0x10];
	v27 =	vmul.f32 v31, v29;
	v16 =	vmul.f32 v48, v29  }
0x19c: {  	v23 =	vld [tilespmem:s12+$0xFFFFFEF0];
	v17 =	vmul.f32 v3, v29;
	v14 =	vmul.f32 v14, v29  }
0x19d: {  	v58 =	vld [tilespmem:s12+$0x20];
	v15 =	vmul.f32 v15, v29;
	v47 =	vmul.f32 v62, v6  }
0x19e: {  	v22 =	vld [tilespmem:s12+$0x1E0];
	v2 =	vmul.f32 v2, v1;
	v31 =	vmul.f32 v4, v1  }
0x19f: {  	v30 =	vld [tilespmem:s12+$0x0];
	v5 =	vmul.f32 v5, v1;
	v7 =	vmul.f32 v7, v1  }
0x1a0: {  	v3 =	vld.idx.msk [tilespmem:v50+s13+$0x0], $0xffff;
	v8 =	vmul.f32 v8, v1;
	v39 =	vmul.f32 v9, v1  }
0x1a1: {  	v24 =	vld [tilespmem:s12+$0x1F0];
	v37 =	vmul.f32 v10, v1;
	v10 =	vmul.f32 v23, v6  }
0x1a2: {  	v59 =	vld [tilespmem:s12+$0xFFFFFF00];
	v4 =	vimm.f32 $0.0e+00;
	v38 =	vmul.f32 v11, v1;
	v40 =	vmul.f32 v12, v1  }
0x1a3: {  	v61 =	vld [tilespmem:s12+$0x60];
	v29 =	vmul.f32 v13, v1;
	v34 =	vmul.f32 v18, v1;
	v9 =	vadd.f32 v51, v4  }
0x1a4: {  	v11 =	vld [tilespmem:s12+$0xFFFFFF10];
	v33 =	vmul.f32 v19, v1;
	v32 =	vmul.f32 v20, v1  }
0x1a5: {  	v13 =	vld [tilespmem:s12+$0xFFFFFF30];
	v23 =	vmul.f32 v22, v1;
	v12 =	vmul.f32 v30, v3;
	v9 =	vadd.f32 v10, v9  }
0x1a6: {  	v22 =	vmul.f32 v24, v1;
	v60 =	vadd.f32 v53, v4;
	v43 =	vadd.f32 v54, v4;
	v10 =	vld [tilespmem:s12+$0xFFFFFF20]  }
0x1a7: {  	v20 =	vld [tilespmem:s12+$0x40];
	v24 =	vmul.f32 v59, v6;
	v44 =	vadd.f32 v55, v4;
	v9 =	vadd.f32 v12, v9  }
0x1a8: {  	v50 =	vadd.f32 v56, v4;
	v49 =	vadd.f32 v21, v4;
	v18 =	vmul.f32 v57, v3;
	v12 =	vld [tilespmem:s12+$0x30]  }
0x1a9: {  	v19 =	vmul.f32 v58, v3;
	v30 =	vld [tilespmem:s12+$0x50];
	v2 =	vadd.f32 v2, v9;
	v9 =	vadd.f32 v52, v4  }
0x1aa: {  	v21 =	vimm.f32 $0.0e+00;
	v11 =	vmul.f32 v11, v6;
	v13 =	vmul.f32 v13, v6  }
0x1ab: {  	v42 =	vmul.f32 v61, v3;
	v10 =	vmul.f32 v10, v6;
	v9 =	vadd.f32 v24, v9  }
0x1ac: {  	v63 =	vld [tilespmem:s12+$0xFFFFFF60];
	v20 =	vmul.f32 v20, v3;
	v11 =	vadd.f32 v11, v60;
	v13 =	vadd.f32 v13, v44  }
0x1ad: {  	v24 =	vld [tilespmem:s12+$0xFFFFFF50];
	v12 =	vmul.f32 v12, v3;
	v10 =	vadd.f32 v10, v43;
	v9 =	vadd.f32 v18, v9  }
0x1ae: {  	v41 =	vmul.f32 v30, v3;
	v13 =	vadd.f32 v20, v13;
	v18 =	vadd.f32 v19, v11  }
0x1af: {  	v44 =	vld [tilespmem:s12+$0xFFFFFF70];
	v20 =	vimm.f32 $0.0e+00;
	v12 =	vadd.f32 v12, v10;
	v11 =	vadd.f32 v31, v9  }
0x1b0: {  	v46 =	vld [tilespmem:s12+$0x70];
	v19 =	vimm.f32 $0.0e+00;
	v10 =	vadd.f32 v5, v18;
	v5 =	vadd.f32 v8, v13  }
0x1b1: {  	v45 =	vld [tilespmem:s12+$0x80];
	v31 =	vmul.f32 v63, v6;
	v18 =	vimm.f32 $0.0e+00;
	v13 =	vimm.f32 $0.0e+00  }
0x1b2: {  	v43 =	vld [tilespmem:s12+$0x90];
	v8 =	vimm.f32 $0.0e+00;
	v48 =	vmul.f32 v24, v6;
	v9 =	vadd.f32 v7, v12  }
0x1b3: {  	s14 =	simm.s32 $0x4;
	v30 =	vld [tilespmem:s12+$0xA0];
	v24 =	vimm.f32 $0.0e+00;
	v12 =	vimm.f32 $0.0e+00;
	v7 =	vimm.f32 $0.0e+00  }
.LBB2_7:
0x1b4: {  	p1 =	sne.s32 s14, $0x1C;
	v4 =	vadd.f32 v35, v4;
	v24 =	vadd.f32 v36, v24;
	v35 =	vmul.f32 v44, v6;
	v36 =	vld [tilespmem:s12+$0xFFFFFF80]  }
0x1b5: {  	v44 =	vadd.f32 v47, v50;
	v47 =	vadd.f32 v48, v49;
	v48 =	vld [tilespmem:s12+$0xFFFFFF90];
	v46 =	vmul.f32 v46, v3  }
0x1b6: {  	v4 =	vadd.f32 v31, v4;
	v24 =	vadd.f32 v35, v24;
	v35 =	vld [tilespmem:s12+$0xFFFFFFA0];
	v31 =	vmul.f32 v45, v3  }
0x1b7: {  	v45 =	vld [tilespmem:s12+$0xFFFFFFB0];
	v41 =	vadd.f32 v41, v44;
	v42 =	vadd.f32 v42, v47;
	v43 =	vmul.f32 v43, v3  }
0x1b8: {  	v4 =	vadd.f32 v46, v4;
	v24 =	vadd.f32 v31, v24;
	v44 =	vmul.f32 v30, v3;
	v46 =	vld [tilespmem:s12+$0xB0]  }
0x1b9: {  	v36 =	vmul.f32 v36, v6;
	v47 =	vld [tilespmem:s12+$0xC0];
	v30 =	vadd.f32 v39, v41;
	v31 =	vadd.f32 v37, v42  }
0x1ba: {  	v37 =	vmul.f32 v48, v6;
	v39 =	vld [tilespmem:s12+$0xD0];
	v4 =	vadd.f32 v38, v4;
	v24 =	vadd.f32 v40, v24  }
0x1bb: {  	v20 =	vadd.f32 v26, v20;
	v21 =	vadd.f32 v28, v21;
	v26 =	vmul.f32 v35, v6;
	v28 =	vld [tilespmem:s12+$0xE0]  }
0x1bc: {  	v18 =	vadd.f32 v25, v18;
	v19 =	vadd.f32 v27, v19;
	v25 =	vmul.f32 v45, v6;
	v27 =	vld [tilespmem:s12+$0xFFFFFFC0]  }
0x1bd: {  	v20 =	vadd.f32 v36, v20;
	v21 =	vadd.f32 v37, v21;
	v35 =	vld [tilespmem:s12+$0xFFFFFFD0];
	v36 =	vmul.f32 v46, v3  }
0x1be: {  	v18 =	vadd.f32 v26, v18;
	v19 =	vadd.f32 v25, v19;
	v25 =	vld [tilespmem:s12+$0xFFFFFFE0];
	v26 =	vmul.f32 v47, v3  }
0x1bf: {  	v20 =	vadd.f32 v43, v20;
	v21 =	vadd.f32 v44, v21;
	v37 =	vld [tilespmem:s12+$0xFFFFFFF0];
	v38 =	vmul.f32 v39, v3  }
0x1c0: {  	v18 =	vadd.f32 v36, v18;
	v19 =	vadd.f32 v26, v19;
	v26 =	vmul.f32 v28, v3;
	v28 =	vld [tilespmem:s12+$0xF0]  }
0x1c1: {  	v20 =	vadd.f32 v29, v20;
	v21 =	vadd.f32 v34, v21;
	v27 =	vmul.f32 v27, v6;
	v36 =	vld [tilespmem:s12+$0x100]  }
0x1c2: {  	v18 =	vadd.f32 v33, v18;
	v29 =	vmul.f32 v35, v6;
	v19 =	vadd.f32 v32, v19;
	v32 =	vld [tilespmem:s12+$0x200]  }
0x1c3: {  	v13 =	vadd.f32 v16, v13;
	v12 =	vadd.f32 v17, v12;
	v16 =	vmul.f32 v25, v6;
	v17 =	vld [tilespmem:s12+$0x210];
	s12 =	sadd.s32 $0x440, s12  }
0x1c4: {  	v8 =	vadd.f32 v14, v8;
	v7 =	vadd.f32 v15, v7;
	v33 =	vld [tilespmem:s12+$0x110];
	v6 =	vmul.f32 v37, v6  }
0x1c5: {  	v13 =	vadd.f32 v27, v13;
	v12 =	vadd.f32 v29, v12;
	v34 =	vld [tilespmem:s12+$0x120];
	v14 =	vmul.f32 v28, v3  }
0x1c6: {  	v8 =	vadd.f32 v16, v8;
	v29 =	vld [tilespmem:s12+$0x130];
	v6 =	vadd.f32 v6, v7;
	v3 =	vmul.f32 v36, v3  }
0x1c7: {  	v7 =	vadd.f32 v38, v13;
	v12 =	vadd.f32 v26, v12;
	v37 =	vld [tilespmem:s12+$0x140];
	v15 =	vmul.f32 v32, v1  }
0x1c8: {  	v8 =	vadd.f32 v14, v8;
	v32 =	vld [tilespmem:s12+$0x150];
	v3 =	vadd.f32 v3, v6;
	v1 =	vmul.f32 v17, v1  }
0x1c9: {  	v13 =	vadd.f32 v23, v7;
	v12 =	vadd.f32 v22, v12;
	v38 =	vld [tilespmem:s12+$0x160]  }
0x1ca: {  	v8 =	vadd.f32 v15, v8;
	v22 =	vld [tilespmem:s12+$0x170];
	v7 =	vadd.f32 v1, v3  }
0x1cb: {  	v23 =	vld [tilespmem:s12+$0x180]  }
0x1cc: {  	v40 =	vld [tilespmem:s12+$0x190]  }
0x1cd: {  	v41 =	vld [tilespmem:s12+$0x1A0]  }
0x1ce: {  	v42 =	vld [tilespmem:s12+$0x1B0]  }
0x1cf: {  	v43 =	vld [tilespmem:s12+$0x1C0]  }
0x1d0: {  	v44 =	vld [tilespmem:s12+$0x1D0]  }
0x1d1: {  	v1 =	vmov s14;
	v3 =	vld [tilespmem:s12+$0xFFFFFDE0]  }
0x1d2: {  	v1 =	vand.u32 $0x1C, v1;
	v6 =	vld [tilespmem:s12+$0xFFFFFDF0]  }
0x1d3: {  	v1 =	vor.u32 v0, v1;
	v14 =	vld [tilespmem:s12+$0xFFFFFE00]  }
0x1d4: {  	v1 =	vbroadcast v1, $0x0;
	v15 =	vld [tilespmem:s12+$0xFFFFFE10]  }
0x1d5: {  	v16 =	vld [tilespmem:s12+$0xFFFFFE20]  }
0x1d6: {  	v17 =	vld [tilespmem:s12+$0xFFFFFE30]  }
0x1d7: {  	v25 =	vld [tilespmem:s12+$0xFFFFFE40]  }
0x1d8: {  	s16 =	sadd.s32 $0x3, s14;
	v26 =	vld [tilespmem:s12+$0xFFFFFE50]  }
0x1d9: {  	v28 =	vmov s16;
	v27 =	vld [tilespmem:s12+$0xFFFFFE60]  }
0x1da: {  	v39 =	vld.idx.msk [tilespmem:v1+s13+$0x0], $0xffff;
	v1 =	vand.u32 $0x1F, v28  }
0x1db: {  	s17 =	sadd.s32 $0x2, s14;
	s16 =	sadd.s32 $0x1, s14;
	v28 =	vld [tilespmem:s12+$0xFFFFFE70];
	v1 =	vor.u32 v0, v1  }
0x1dc: {  	v35 =	vmov s16;
	v36 =	vmov s17;
	v45 =	vld [tilespmem:s12+$0xFFFFFE80];
	v1 =	vbroadcast v1, $0x0  }
0x1dd: {  	v35 =	vand.u32 $0x1D, v35;
	v36 =	vand.u32 $0x1E, v36;
	v46 =	vld [tilespmem:s12+$0xFFFFFE90]  }
0x1de: {  	v35 =	vor.u32 v0, v35;
	v36 =	vor.u32 v0, v36;
	v47 =	vld [tilespmem:s12+$0xFFFFFEA0]  }
0x1df: {  	v49 =	vbroadcast v35, $0x0;
	v50 =	vbroadcast v36, $0x0;
	v48 =	vld [tilespmem:s12+$0xFFFFFEB0]  }
0x1e0: {  	v51 =	vmul.f32 v3, v39;
	v52 =	vmul.f32 v6, v39;
	v3 =	vld [tilespmem:s12+$0xFFFFFEC0]  }
0x1e1: {  	v53 =	vmul.f32 v14, v39;
	v54 =	vmul.f32 v15, v39;
	v14 =	vld [tilespmem:s12+$0xFFFFFED0]  }
0x1e2: {  	v55 =	vmul.f32 v16, v39;
	v56 =	vmul.f32 v17, v39;
	v1 =	vld.idx.msk [tilespmem:v1+s13+$0x0], $0xffff  }
0x1e3: {  	v57 =	vmul.f32 v25, v39;
	v35 =	vmul.f32 v26, v39;
	v15 =	vld [tilespmem:s12+$0xFFFFFEE0]  }
0x1e4: {  	v36 =	vmul.f32 v27, v39;
	v26 =	vmul.f32 v28, v39;
	v58 =	vld [tilespmem:s12+$0x1E0]  }
0x1e5: {  	v28 =	vmul.f32 v45, v39;
	v25 =	vmul.f32 v46, v39;
	v45 =	vld [tilespmem:s12+$0x1F0]  }
0x1e6: {  	v27 =	vmul.f32 v47, v39;
	v16 =	vmul.f32 v48, v39;
	v6 =	vld.idx.msk [tilespmem:v49+s13+$0x0], $0xffff  }
0x1e7: {  	v17 =	vmul.f32 v3, v39;
	v14 =	vmul.f32 v14, v39;
	v46 =	vld [tilespmem:s12+$0xFFFFFEF0]  }
0x1e8: {  	v47 =	vmul.f32 v33, v1;
	v15 =	vmul.f32 v15, v39;
	v3 =	vld.idx.msk [tilespmem:v50+s13+$0x0], $0xffff  }
0x1e9: {  	v48 =	vmul.f32 v34, v1;
	v49 =	vmul.f32 v29, v1;
	v33 =	vld [tilespmem:s12+$0x0]  }
0x1ea: {  	v59 =	vmul.f32 v37, v1;
	v60 =	vmul.f32 v32, v1;
	v50 =	vld [tilespmem:s12+$0x10]  }
0x1eb: {  	v37 =	vmul.f32 v22, v1;
	v39 =	vmul.f32 v38, v1;
	v61 =	vld [tilespmem:s12+$0x20]  }
0x1ec: {  	v2 =	vadd.f32 v51, v2;
	v38 =	vmul.f32 v23, v1;
	v22 =	vmul.f32 v46, v6;
	v46 =	vld [tilespmem:s12+$0xFFFFFF00]  }
0x1ed: {  	v40 =	vmul.f32 v40, v1;
	v29 =	vmul.f32 v41, v1;
	v51 =	vld [tilespmem:s12+$0xFFFFFF10]  }
0x1ee: {  	v34 =	vmul.f32 v42, v1;
	v2 =	vadd.f32 v22, v2;
	v41 =	vld [tilespmem:s12+$0xFFFFFF20];
	v22 =	vmul.f32 v33, v3  }
0x1ef: {  	v32 =	vmul.f32 v44, v1;
	v33 =	vmul.f32 v43, v1;
	v42 =	vld [tilespmem:s12+$0xFFFFFF30]  }
0x1f0: {  	v23 =	vmul.f32 v58, v1;
	v2 =	vadd.f32 v22, v2;
	v43 =	vld [tilespmem:s12+$0x30];
	v22 =	vmul.f32 v45, v1  }
0x1f1: {  	v45 =	vmul.f32 v50, v3;
	v50 =	vmul.f32 v61, v3;
	v44 =	vld [tilespmem:s12+$0x40]  }
0x1f2: {  	v46 =	vmul.f32 v46, v6;
	v51 =	vmul.f32 v51, v6;
	v58 =	vld [tilespmem:s12+$0x50];
	v2 =	vadd.f32 v47, v2  }
0x1f3: {  	v11 =	vadd.f32 v52, v11;
	v10 =	vadd.f32 v53, v10;
	v41 =	vmul.f32 v41, v6;
	v47 =	vld [tilespmem:s12+$0x60]  }
0x1f4: {  	v9 =	vadd.f32 v54, v9;
	v5 =	vadd.f32 v55, v5;
	v42 =	vmul.f32 v42, v6;
	v52 =	vld [tilespmem:s12+$0xFFFFFF40]  }
0x1f5: {  	v11 =	vadd.f32 v46, v11;
	v10 =	vadd.f32 v51, v10;
	v51 =	vld [tilespmem:s12+$0xFFFFFF50];
	v43 =	vmul.f32 v43, v3  }
0x1f6: {  	v9 =	vadd.f32 v41, v9;
	v5 =	vadd.f32 v42, v5;
	v53 =	vld [tilespmem:s12+$0xFFFFFF60];
	v42 =	vmul.f32 v44, v3  }
.Ltmp2:
0x1f7: {  	v11 =	vadd.f32 v45, v11;
	v10 =	vadd.f32 v50, v10;
	v44 =	vld [tilespmem:s12+$0xFFFFFF70];
	v41 =	vmul.f32 v58, v3;
	(pc) =	sbr.rel @p1 .LBB2_7-.Ltmp2, $4  }
0x1f8: {  	v9 =	vadd.f32 v43, v9;
	v5 =	vadd.f32 v42, v5;
	v42 =	vmul.f32 v47, v3;
	v46 =	vld [tilespmem:s12+$0x70]  }
0x1f9: {  	v11 =	vadd.f32 v48, v11;
	v10 =	vadd.f32 v49, v10;
	v47 =	vmul.f32 v52, v6;
	v45 =	vld [tilespmem:s12+$0x80]  }
0x1fa: {  	v9 =	vadd.f32 v59, v9;
	v48 =	vmul.f32 v51, v6;
	v43 =	vld [tilespmem:s12+$0x90];
	v5 =	vadd.f32 v60, v5  }
0x1fb: {  	s14 =	sadd.s32 $0x4, s14;
	v50 =	vadd.f32 v56, v30;
	v49 =	vadd.f32 v57, v31;
	v31 =	vmul.f32 v53, v6;
	v30 =	vld [tilespmem:s12+$0xA0]  }
0x1fc: {  	v0 =	vld [tilespmem:s12+$0xFFFFFF80]  }
0x1fd: {  	v51 =	vld [tilespmem:s12+$0xFFFFFF90]  }
0x1fe: {  	v52 =	vld [tilespmem:s12+$0xFFFFFFA0]  }
0x1ff: {  	v53 =	vld [tilespmem:s12+$0xFFFFFFB0]  }
0x200: {  	v54 =	vld [tilespmem:s12+$0xB0]  }
0x201: {  	v55 =	vld [tilespmem:s12+$0xC0];
	v4 =	vadd.f32 v35, v4;
	v24 =	vadd.f32 v36, v24  }
0x202: {  	v35 =	vld [tilespmem:s12+$0xD0];
	v20 =	vadd.f32 v26, v20;
	v21 =	vadd.f32 v28, v21  }
0x203: {  	v56 =	vld [tilespmem:s12+$0xE0];
	v18 =	vadd.f32 v25, v18;
	v19 =	vadd.f32 v27, v19  }
0x204: {  	v58 =	vld [tilespmem:s12+$0xFFFFFFD0];
	v13 =	vadd.f32 v16, v13;
	v12 =	vadd.f32 v17, v12  }
0x205: {  	v62 =	vmul.f32 v44, v6;
	v59 =	vld [tilespmem:s12+$0xFFFFFFE0];
	v8 =	vadd.f32 v14, v8;
	v63 =	vadd.f32 v47, v50  }
0x206: {  	v61 =	vld [tilespmem:s12+$0xFFFFFFF0];
	v48 =	vadd.f32 v48, v49;
	v46 =	vmul.f32 v46, v3;
	v4 =	vadd.f32 v31, v4  }
0x207: {  	v28 =	vld [tilespmem:s12+$0x200];
	v24 =	vadd.f32 v62, v24;
	v57 =	vmul.f32 v45, v3;
	v41 =	vadd.f32 v41, v63  }
0x208: {  	s0 =	smul.u32 $0x440, s0;
	v27 =	vld [tilespmem:s12+$0x210];
	v42 =	vadd.f32 v42, v48;
	v60 =	vmul.f32 v43, v3;
	v4 =	vadd.f32 v46, v4  }
0x209: {  	v31 =	vld [tilespmem:s12+$0xFFFFFFC0];
	v24 =	vadd.f32 v57, v24;
	v30 =	vmul.f32 v30, v3;
	v39 =	vadd.f32 v39, v41  }
0x20a: {  	v62 =	vld [tilespmem:s12+$0xF0];
	s0 =	sshra.s32 s0, $0x2;
	v0 =	vmul.f32 v0, v6;
	v37 =	vadd.f32 v37, v42;
	v63 =	vmul.f32 v51, v6  }
0x20b: {  	v46 =	vld [tilespmem:s12+$0x100];
	[tilespmem:s0+$0xC800] =	vst v2;
	v26 =	vmul.f32 v52, v6;
	v25 =	vmul.f32 v53, v6;
	v4 =	vadd.f32 v38, v4  }
0x20c: {  	[tilespmem:s0+$0xC810] =	vst v11;
	v17 =	vmul.f32 v59, v6;
	v24 =	vadd.f32 v40, v24;
	v0 =	vadd.f32 v0, v20  }
0x20d: {  	[tilespmem:s0+$0xC820] =	vst v10;
	v16 =	vmul.f32 v58, v6;
	v20 =	vadd.f32 v63, v21;
	v2 =	vadd.f32 v26, v18  }
0x20e: {  	[tilespmem:s0+$0xC830] =	vst v9;
	v21 =	vmul.f32 v54, v3;
	v18 =	vadd.f32 v25, v19;
	v8 =	vadd.f32 v17, v8  }
0x20f: {  	v19 =	vmul.f32 v55, v3;
	[tilespmem:s0+$0xC870] =	vst v4;
	v4 =	vadd.f32 v15, v7;
	v7 =	vadd.f32 v16, v12  }
0x210: {  	[tilespmem:s0+$0xC840] =	vst v5;
	v5 =	vmul.f32 v31, v6;
	v0 =	vadd.f32 v60, v0;
	v11 =	vadd.f32 v30, v20  }
0x211: {  	v10 =	vmul.f32 v35, v3;
	[tilespmem:s0+$0xC850] =	vst v39;
	v2 =	vadd.f32 v21, v2;
	v18 =	vadd.f32 v19, v18  }
0x212: {  	v9 =	vmul.f32 v56, v3;
	[tilespmem:s0+$0xC860] =	vst v37;
	v5 =	vadd.f32 v5, v13;
	v0 =	vadd.f32 v29, v0  }
0x213: {  	v6 =	vmul.f32 v61, v6;
	[tilespmem:s0+$0xC880] =	vst v24;
	v11 =	vadd.f32 v34, v11;
	v2 =	vadd.f32 v33, v2  }
0x214: {  	v12 =	vmul.f32 v62, v3;
	v18 =	vadd.f32 v32, v18;
	v5 =	vadd.f32 v10, v5;
	[tilespmem:s0+$0xC890] =	vst v0  }
0x215: {  	v3 =	vmul.f32 v46, v3;
	v0 =	vadd.f32 v6, v4;
	v4 =	vadd.f32 v9, v7;
	[tilespmem:s0+$0xC8A0] =	vst v11  }
0x216: {  	v6 =	vmul.f32 v28, v1;
	v7 =	vadd.f32 v12, v8;
	v5 =	vadd.f32 v23, v5;
	[tilespmem:s0+$0xC8B0] =	vst v2  }
0x217: {  	v1 =	vmul.f32 v27, v1;
	[tilespmem:s0+$0xC8C0] =	vst v18;
	v0 =	vadd.f32 v3, v0;
	v2 =	vadd.f32 v22, v4  }
0x218: {  	v3 =	vadd.f32 v6, v7;
	[tilespmem:s0+$0xC8D0] =	vst v5  }
0x219: {  	v0 =	vadd.f32 v1, v0;
	[tilespmem:s0+$0xC8E0] =	vst v2  }
0x21a: {  	[tilespmem:s0+$0xC8F0] =	vst v3  }
0x21b: {  	s12 =	simm.s32 @!p0 $0x8400;
	[tilespmem:s0+$0xC900] =	vst v0;
	s0 =	sadd.s32 @!p0 $0xC0, s1;
	s1 =	simm.s32 @!p0 $0x20  }
0x21c: {  	[tilespmem:s12], [sflag:$0x3] =	stream.indirect.gather @!p0 [hbm4b:s3+s1], $0x110, s0, s1, $0xb8;
	[tilespmem:$0x1D800] =	vst v63  }
0x21d: {  	_ =	swait.ge [sflag:s24], $0x2200  }
0x21e: {  	[sflag:s24] =	ssyncset.done $0x0  }
0x21f: {  	s0 =	simm.s32 $0xA820;
	[sflag:s24] =	ssyncadd.s32 $0xFFFFDE00  }
0x220: {  	v2 =	vld [tilespmem:s0+$0x110]  }
0x221: {  	v4 =	vld [tilespmem:s0+$0x120]  }
0x222: {  	v5 =	vld [tilespmem:s0+$0x130]  }
0x223: {  	v7 =	vld [tilespmem:s0+$0x140]  }
0x224: {  	v8 =	vld [tilespmem:s0+$0x150]  }
0x225: {  	v9 =	vld [tilespmem:s0+$0x160]  }
0x226: {  	v10 =	vld [tilespmem:s0+$0x170]  }
0x227: {  	v11 =	vld [tilespmem:s0+$0x180]  }
0x228: {  	v12 =	vld [tilespmem:s0+$0x190]  }
0x229: {  	v13 =	vld [tilespmem:s0+$0x1A0]  }
0x22a: {  	v18 =	vld [tilespmem:s0+$0x1B0]  }
0x22b: {  	v19 =	vld [tilespmem:s0+$0x1C0]  }
0x22c: {  	v3 =	vld [tilespmem:s0+$0xFFFFFDE0]  }
0x22d: {  	s16 =	simm.s32 $0x0;
	v6 =	vld [tilespmem:s0+$0xFFFFFDF0]  }
0x22e: {  	v1 =	vmov s16;
	v14 =	vld [tilespmem:s0+$0xFFFFFE00]  }
0x22f: {  	v1 =	vand.u32 $0x1C, v1;
	v0 =	vmov s31;
	v15 =	vld [tilespmem:s0+$0xFFFFFE10]  }
0x230: {  	v1 =	vor.u32 v0, v1;
	v16 =	vld [tilespmem:s0+$0xFFFFFE20]  }
0x231: {  	v1 =	vbroadcast v1, $0x0;
	v17 =	vld [tilespmem:s0+$0xFFFFFE30]  }
0x232: {  	v21 =	vld [tilespmem:s0+$0xFFFFFE40]  }
0x233: {  	v22 =	vld [tilespmem:s0+$0xFFFFFE50]  }
0x234: {  	v23 =	vld [tilespmem:s0+$0xFFFFFE60]  }
0x235: {  	s18 =	simm.s32 $0x1;
	v25 =	vld [tilespmem:s0+$0xFFFFFE80]  }
0x236: {  	s17 =	simm.s32 $0x3;
	v26 =	vmov s18;
	v30 =	vld [tilespmem:s0+$0xFFFFFE90]  }
0x237: {  	v24 =	vmov s17;
	v26 =	vand.u32 $0x1D, v26;
	s31 =	simm.s32 $0x2;
	v29 =	vld.idx.msk [tilespmem:v1+s13+$0x0], $0xffff  }
0x238: {  	v27 =	vmov s31;
	v26 =	vor.u32 v0, v26;
	v31 =	vld [tilespmem:s0+$0xFFFFFEA0];
	v1 =	vand.u32 $0x1F, v24  }
0x239: {  	v27 =	vand.u32 $0x1E, v27;
	v49 =	vbroadcast v26, $0x0;
	v48 =	vld [tilespmem:s0+$0xFFFFFEB0];
	v1 =	vor.u32 v0, v1  }
0x23a: {  	v27 =	vor.u32 v0, v27;
	v62 =	vld [tilespmem:s0+$0xFFFFFF40];
	v1 =	vbroadcast v1, $0x0  }
0x23b: {  	v50 =	vbroadcast v27, $0x0;
	v24 =	vld [tilespmem:s0+$0xFFFFFE70]  }
0x23c: {  	v51 =	vmul.f32 v3, v29;
	v52 =	vmul.f32 v6, v29;
	v3 =	vld [tilespmem:s0+$0xFFFFFEC0]  }
0x23d: {  	v53 =	vmul.f32 v14, v29;
	v54 =	vmul.f32 v15, v29;
	v14 =	vld [tilespmem:s0+$0xFFFFFED0]  }
0x23e: {  	v55 =	vmul.f32 v16, v29;
	v56 =	vmul.f32 v17, v29;
	v15 =	vld [tilespmem:s0+$0xFFFFFEE0]  }
0x23f: {  	v21 =	vmul.f32 v21, v29;
	v35 =	vmul.f32 v22, v29;
	v6 =	vld.idx.msk [tilespmem:v49+s13+$0x0], $0xffff  }
0x240: {  	v36 =	vmul.f32 v23, v29;
	v26 =	vmul.f32 v24, v29;
	v1 =	vld.idx.msk [tilespmem:v1+s13+$0x0], $0xffff  }
0x241: {  	v20 =	vld [tilespmem:s0+$0x1D0];
	v28 =	vmul.f32 v25, v29;
	v25 =	vmul.f32 v30, v29  }
0x242: {  	v57 =	vld [tilespmem:s0+$0x10];
	v27 =	vmul.f32 v31, v29;
	v16 =	vmul.f32 v48, v29  }
0x243: {  	v23 =	vld [tilespmem:s0+$0xFFFFFEF0];
	v17 =	vmul.f32 v3, v29;
	v14 =	vmul.f32 v14, v29  }
0x244: {  	v58 =	vld [tilespmem:s0+$0x20];
	v15 =	vmul.f32 v15, v29;
	v47 =	vmul.f32 v62, v6  }
0x245: {  	v22 =	vld [tilespmem:s0+$0x1E0];
	v2 =	vmul.f32 v2, v1;
	v4 =	vmul.f32 v4, v1  }
0x246: {  	v30 =	vld [tilespmem:s0+$0x0];
	v31 =	vmul.f32 v5, v1;
	v7 =	vmul.f32 v7, v1  }
0x247: {  	v3 =	vld.idx.msk [tilespmem:v50+s13+$0x0], $0xffff;
	v8 =	vmul.f32 v8, v1;
	v37 =	vmul.f32 v9, v1  }
0x248: {  	v24 =	vld [tilespmem:s0+$0x1F0];
	v38 =	vmul.f32 v10, v1;
	v10 =	vmul.f32 v23, v6  }
0x249: {  	v59 =	vld [tilespmem:s0+$0xFFFFFF00];
	v5 =	vimm.f32 $0.0e+00;
	v39 =	vmul.f32 v11, v1;
	v40 =	vmul.f32 v12, v1  }
0x24a: {  	v61 =	vld [tilespmem:s0+$0x60];
	v29 =	vmul.f32 v13, v1;
	v34 =	vmul.f32 v18, v1;
	v9 =	vadd.f32 v51, v5  }
0x24b: {  	v11 =	vld [tilespmem:s0+$0xFFFFFF10];
	v33 =	vmul.f32 v19, v1;
	v32 =	vmul.f32 v20, v1  }
0x24c: {  	v13 =	vld [tilespmem:s0+$0xFFFFFF30];
	v23 =	vmul.f32 v22, v1;
	v12 =	vmul.f32 v30, v3;
	v9 =	vadd.f32 v10, v9  }
0x24d: {  	v22 =	vmul.f32 v24, v1;
	v60 =	vadd.f32 v53, v5;
	v43 =	vadd.f32 v54, v5;
	v10 =	vld [tilespmem:s0+$0xFFFFFF20]  }
0x24e: {  	v20 =	vld [tilespmem:s0+$0x40];
	v24 =	vmul.f32 v59, v6;
	v44 =	vadd.f32 v55, v5;
	v9 =	vadd.f32 v12, v9  }
0x24f: {  	v50 =	vadd.f32 v56, v5;
	v49 =	vadd.f32 v21, v5;
	v18 =	vmul.f32 v57, v3;
	v12 =	vld [tilespmem:s0+$0x30]  }
0x250: {  	v19 =	vmul.f32 v58, v3;
	v30 =	vld [tilespmem:s0+$0x50];
	v2 =	vadd.f32 v2, v9;
	v9 =	vadd.f32 v52, v5  }
0x251: {  	v21 =	vimm.f32 $0.0e+00;
	v11 =	vmul.f32 v11, v6;
	v13 =	vmul.f32 v13, v6  }
0x252: {  	v42 =	vmul.f32 v61, v3;
	v10 =	vmul.f32 v10, v6;
	v9 =	vadd.f32 v24, v9  }
0x253: {  	v63 =	vld [tilespmem:s0+$0xFFFFFF60];
	v20 =	vmul.f32 v20, v3;
	v11 =	vadd.f32 v11, v60;
	v13 =	vadd.f32 v13, v44  }
0x254: {  	v24 =	vld [tilespmem:s0+$0xFFFFFF50];
	v12 =	vmul.f32 v12, v3;
	v10 =	vadd.f32 v10, v43;
	v9 =	vadd.f32 v18, v9  }
0x255: {  	v41 =	vmul.f32 v30, v3;
	v13 =	vadd.f32 v20, v13;
	v18 =	vadd.f32 v19, v11  }
0x256: {  	v44 =	vld [tilespmem:s0+$0xFFFFFF70];
	v20 =	vimm.f32 $0.0e+00;
	v12 =	vadd.f32 v12, v10;
	v11 =	vadd.f32 v4, v9  }
0x257: {  	v45 =	vld [tilespmem:s0+$0x70];
	v19 =	vimm.f32 $0.0e+00;
	v10 =	vadd.f32 v31, v18;
	v4 =	vadd.f32 v8, v13  }
0x258: {  	v46 =	vld [tilespmem:s0+$0x80];
	v31 =	vmul.f32 v63, v6;
	v18 =	vimm.f32 $0.0e+00;
	v13 =	vimm.f32 $0.0e+00  }
0x259: {  	v43 =	vld [tilespmem:s0+$0x90];
	v8 =	vimm.f32 $0.0e+00;
	v48 =	vmul.f32 v24, v6;
	v9 =	vadd.f32 v7, v12  }
0x25a: {  	s1 =	simm.s32 $0x4;
	v30 =	vld [tilespmem:s0+$0xA0];
	v24 =	vimm.f32 $0.0e+00;
	v12 =	vimm.f32 $0.0e+00;
	v7 =	vimm.f32 $0.0e+00  }
.LBB2_9:
0x25b: {  	p0 =	sne.s32 s1, $0x1C;
	v5 =	vadd.f32 v35, v5;
	v24 =	vadd.f32 v36, v24;
	v35 =	vmul.f32 v44, v6;
	v36 =	vld [tilespmem:s0+$0xFFFFFF80]  }
0x25c: {  	v44 =	vadd.f32 v47, v50;
	v47 =	vadd.f32 v48, v49;
	v48 =	vld [tilespmem:s0+$0xFFFFFF90];
	v45 =	vmul.f32 v45, v3  }
0x25d: {  	v5 =	vadd.f32 v31, v5;
	v24 =	vadd.f32 v35, v24;
	v35 =	vld [tilespmem:s0+$0xFFFFFFA0];
	v31 =	vmul.f32 v46, v3  }
0x25e: {  	v46 =	vld [tilespmem:s0+$0xFFFFFFB0];
	v41 =	vadd.f32 v41, v44;
	v42 =	vadd.f32 v42, v47;
	v43 =	vmul.f32 v43, v3  }
0x25f: {  	v5 =	vadd.f32 v45, v5;
	v24 =	vadd.f32 v31, v24;
	v44 =	vmul.f32 v30, v3;
	v45 =	vld [tilespmem:s0+$0xB0]  }
0x260: {  	v36 =	vmul.f32 v36, v6;
	v47 =	vld [tilespmem:s0+$0xC0];
	v30 =	vadd.f32 v37, v41;
	v31 =	vadd.f32 v38, v42  }
0x261: {  	v37 =	vmul.f32 v48, v6;
	v38 =	vld [tilespmem:s0+$0xD0];
	v5 =	vadd.f32 v39, v5;
	v24 =	vadd.f32 v40, v24  }
0x262: {  	v20 =	vadd.f32 v26, v20;
	v21 =	vadd.f32 v28, v21;
	v26 =	vmul.f32 v35, v6;
	v28 =	vld [tilespmem:s0+$0xE0]  }
0x263: {  	v18 =	vadd.f32 v25, v18;
	v19 =	vadd.f32 v27, v19;
	v25 =	vmul.f32 v46, v6;
	v27 =	vld [tilespmem:s0+$0xFFFFFFC0]  }
0x264: {  	v20 =	vadd.f32 v36, v20;
	v21 =	vadd.f32 v37, v21;
	v35 =	vld [tilespmem:s0+$0xFFFFFFD0];
	v36 =	vmul.f32 v45, v3  }
0x265: {  	v18 =	vadd.f32 v26, v18;
	v19 =	vadd.f32 v25, v19;
	v25 =	vld [tilespmem:s0+$0xFFFFFFE0];
	v26 =	vmul.f32 v47, v3  }
0x266: {  	v20 =	vadd.f32 v43, v20;
	v21 =	vadd.f32 v44, v21;
	v37 =	vld [tilespmem:s0+$0xFFFFFFF0];
	v38 =	vmul.f32 v38, v3  }
0x267: {  	v18 =	vadd.f32 v36, v18;
	v19 =	vadd.f32 v26, v19;
	v26 =	vmul.f32 v28, v3;
	v28 =	vld [tilespmem:s0+$0xF0]  }
0x268: {  	v20 =	vadd.f32 v29, v20;
	v21 =	vadd.f32 v34, v21;
	v27 =	vmul.f32 v27, v6;
	v36 =	vld [tilespmem:s0+$0x100]  }
0x269: {  	v18 =	vadd.f32 v33, v18;
	v29 =	vmul.f32 v35, v6;
	v19 =	vadd.f32 v32, v19;
	v32 =	vld [tilespmem:s0+$0x200]  }
0x26a: {  	v13 =	vadd.f32 v16, v13;
	v12 =	vadd.f32 v17, v12;
	v16 =	vmul.f32 v25, v6;
	v17 =	vld [tilespmem:s0+$0x210];
	s0 =	sadd.s32 $0x440, s0  }
0x26b: {  	v8 =	vadd.f32 v14, v8;
	v7 =	vadd.f32 v15, v7;
	v33 =	vld [tilespmem:s0+$0x110];
	v6 =	vmul.f32 v37, v6  }
0x26c: {  	v13 =	vadd.f32 v27, v13;
	v12 =	vadd.f32 v29, v12;
	v34 =	vld [tilespmem:s0+$0x120];
	v14 =	vmul.f32 v28, v3  }
0x26d: {  	v8 =	vadd.f32 v16, v8;
	v29 =	vld [tilespmem:s0+$0x130];
	v6 =	vadd.f32 v6, v7;
	v3 =	vmul.f32 v36, v3  }
0x26e: {  	v7 =	vadd.f32 v38, v13;
	v12 =	vadd.f32 v26, v12;
	v37 =	vld [tilespmem:s0+$0x140];
	v15 =	vmul.f32 v32, v1  }
0x26f: {  	v8 =	vadd.f32 v14, v8;
	v32 =	vld [tilespmem:s0+$0x150];
	v3 =	vadd.f32 v3, v6;
	v1 =	vmul.f32 v17, v1  }
0x270: {  	v13 =	vadd.f32 v23, v7;
	v12 =	vadd.f32 v22, v12;
	v38 =	vld [tilespmem:s0+$0x160]  }
0x271: {  	v8 =	vadd.f32 v15, v8;
	v22 =	vld [tilespmem:s0+$0x170];
	v7 =	vadd.f32 v1, v3  }
0x272: {  	v23 =	vld [tilespmem:s0+$0x180]  }
0x273: {  	v40 =	vld [tilespmem:s0+$0x190]  }
0x274: {  	v41 =	vld [tilespmem:s0+$0x1A0]  }
0x275: {  	v42 =	vld [tilespmem:s0+$0x1B0]  }
0x276: {  	v43 =	vld [tilespmem:s0+$0x1C0]  }
0x277: {  	v44 =	vld [tilespmem:s0+$0x1D0]  }
0x278: {  	v1 =	vmov s1;
	v3 =	vld [tilespmem:s0+$0xFFFFFDE0]  }
0x279: {  	v1 =	vand.u32 $0x1C, v1;
	v6 =	vld [tilespmem:s0+$0xFFFFFDF0]  }
0x27a: {  	v1 =	vor.u32 v0, v1;
	v14 =	vld [tilespmem:s0+$0xFFFFFE00]  }
0x27b: {  	v1 =	vbroadcast v1, $0x0;
	v15 =	vld [tilespmem:s0+$0xFFFFFE10]  }
0x27c: {  	v16 =	vld [tilespmem:s0+$0xFFFFFE20]  }
0x27d: {  	v17 =	vld [tilespmem:s0+$0xFFFFFE30]  }
0x27e: {  	v25 =	vld [tilespmem:s0+$0xFFFFFE40]  }
0x27f: {  	s12 =	sadd.s32 $0x3, s1;
	v26 =	vld [tilespmem:s0+$0xFFFFFE50]  }
0x280: {  	v28 =	vmov s12;
	v27 =	vld [tilespmem:s0+$0xFFFFFE60]  }
0x281: {  	v39 =	vld.idx.msk [tilespmem:v1+s13+$0x0], $0xffff;
	v1 =	vand.u32 $0x1F, v28  }
0x282: {  	s14 =	sadd.s32 $0x2, s1;
	s12 =	sadd.s32 $0x1, s1;
	v28 =	vld [tilespmem:s0+$0xFFFFFE70];
	v1 =	vor.u32 v0, v1  }
0x283: {  	v35 =	vmov s12;
	v36 =	vmov s14;
	v45 =	vld [tilespmem:s0+$0xFFFFFE80];
	v1 =	vbroadcast v1, $0x0  }
0x284: {  	v35 =	vand.u32 $0x1D, v35;
	v36 =	vand.u32 $0x1E, v36;
	v46 =	vld [tilespmem:s0+$0xFFFFFE90]  }
0x285: {  	v35 =	vor.u32 v0, v35;
	v36 =	vor.u32 v0, v36;
	v47 =	vld [tilespmem:s0+$0xFFFFFEA0]  }
0x286: {  	v49 =	vbroadcast v35, $0x0;
	v50 =	vbroadcast v36, $0x0;
	v48 =	vld [tilespmem:s0+$0xFFFFFEB0]  }
0x287: {  	v51 =	vmul.f32 v3, v39;
	v52 =	vmul.f32 v6, v39;
	v3 =	vld [tilespmem:s0+$0xFFFFFEC0]  }
0x288: {  	v53 =	vmul.f32 v14, v39;
	v54 =	vmul.f32 v15, v39;
	v14 =	vld [tilespmem:s0+$0xFFFFFED0]  }
0x289: {  	v55 =	vmul.f32 v16, v39;
	v56 =	vmul.f32 v17, v39;
	v1 =	vld.idx.msk [tilespmem:v1+s13+$0x0], $0xffff  }
0x28a: {  	v57 =	vmul.f32 v25, v39;
	v35 =	vmul.f32 v26, v39;
	v15 =	vld [tilespmem:s0+$0xFFFFFEE0]  }
0x28b: {  	v36 =	vmul.f32 v27, v39;
	v26 =	vmul.f32 v28, v39;
	v58 =	vld [tilespmem:s0+$0x1E0]  }
0x28c: {  	v28 =	vmul.f32 v45, v39;
	v25 =	vmul.f32 v46, v39;
	v45 =	vld [tilespmem:s0+$0x1F0]  }
0x28d: {  	v27 =	vmul.f32 v47, v39;
	v16 =	vmul.f32 v48, v39;
	v6 =	vld.idx.msk [tilespmem:v49+s13+$0x0], $0xffff  }
0x28e: {  	v17 =	vmul.f32 v3, v39;
	v14 =	vmul.f32 v14, v39;
	v46 =	vld [tilespmem:s0+$0xFFFFFEF0]  }
0x28f: {  	v47 =	vmul.f32 v33, v1;
	v15 =	vmul.f32 v15, v39;
	v3 =	vld.idx.msk [tilespmem:v50+s13+$0x0], $0xffff  }
0x290: {  	v48 =	vmul.f32 v34, v1;
	v49 =	vmul.f32 v29, v1;
	v33 =	vld [tilespmem:s0+$0x0]  }
0x291: {  	v59 =	vmul.f32 v37, v1;
	v60 =	vmul.f32 v32, v1;
	v50 =	vld [tilespmem:s0+$0x10]  }
0x292: {  	v37 =	vmul.f32 v38, v1;
	v38 =	vmul.f32 v22, v1;
	v61 =	vld [tilespmem:s0+$0x20]  }
0x293: {  	v2 =	vadd.f32 v51, v2;
	v39 =	vmul.f32 v23, v1;
	v22 =	vmul.f32 v46, v6;
	v46 =	vld [tilespmem:s0+$0xFFFFFF00]  }
0x294: {  	v40 =	vmul.f32 v40, v1;
	v29 =	vmul.f32 v41, v1;
	v51 =	vld [tilespmem:s0+$0xFFFFFF10]  }
0x295: {  	v34 =	vmul.f32 v42, v1;
	v2 =	vadd.f32 v22, v2;
	v41 =	vld [tilespmem:s0+$0xFFFFFF20];
	v22 =	vmul.f32 v33, v3  }
0x296: {  	v32 =	vmul.f32 v44, v1;
	v33 =	vmul.f32 v43, v1;
	v42 =	vld [tilespmem:s0+$0xFFFFFF30]  }
0x297: {  	v23 =	vmul.f32 v58, v1;
	v2 =	vadd.f32 v22, v2;
	v43 =	vld [tilespmem:s0+$0x30];
	v22 =	vmul.f32 v45, v1  }
0x298: {  	v45 =	vmul.f32 v50, v3;
	v50 =	vmul.f32 v61, v3;
	v44 =	vld [tilespmem:s0+$0x40]  }
0x299: {  	v46 =	vmul.f32 v46, v6;
	v51 =	vmul.f32 v51, v6;
	v58 =	vld [tilespmem:s0+$0x50];
	v2 =	vadd.f32 v47, v2  }
0x29a: {  	v11 =	vadd.f32 v52, v11;
	v10 =	vadd.f32 v53, v10;
	v41 =	vmul.f32 v41, v6;
	v47 =	vld [tilespmem:s0+$0x60]  }
0x29b: {  	v9 =	vadd.f32 v54, v9;
	v4 =	vadd.f32 v55, v4;
	v42 =	vmul.f32 v42, v6;
	v52 =	vld [tilespmem:s0+$0xFFFFFF40]  }
0x29c: {  	v11 =	vadd.f32 v46, v11;
	v10 =	vadd.f32 v51, v10;
	v51 =	vld [tilespmem:s0+$0xFFFFFF50];
	v43 =	vmul.f32 v43, v3  }
0x29d: {  	v9 =	vadd.f32 v41, v9;
	v4 =	vadd.f32 v42, v4;
	v53 =	vld [tilespmem:s0+$0xFFFFFF60];
	v42 =	vmul.f32 v44, v3  }
.Ltmp3:
0x29e: {  	v11 =	vadd.f32 v45, v11;
	v10 =	vadd.f32 v50, v10;
	v44 =	vld [tilespmem:s0+$0xFFFFFF70];
	v41 =	vmul.f32 v58, v3;
	(pc) =	sbr.rel @p0 .LBB2_9-.Ltmp3, $4  }
0x29f: {  	v9 =	vadd.f32 v43, v9;
	v4 =	vadd.f32 v42, v4;
	v42 =	vmul.f32 v47, v3;
	v45 =	vld [tilespmem:s0+$0x70]  }
0x2a0: {  	v11 =	vadd.f32 v48, v11;
	v10 =	vadd.f32 v49, v10;
	v47 =	vmul.f32 v52, v6;
	v46 =	vld [tilespmem:s0+$0x80]  }
0x2a1: {  	v9 =	vadd.f32 v59, v9;
	v48 =	vmul.f32 v51, v6;
	v43 =	vld [tilespmem:s0+$0x90];
	v4 =	vadd.f32 v60, v4  }
0x2a2: {  	s1 =	sadd.s32 $0x4, s1;
	v50 =	vadd.f32 v56, v30;
	v49 =	vadd.f32 v57, v31;
	v31 =	vmul.f32 v53, v6;
	v30 =	vld [tilespmem:s0+$0xA0]  }
0x2a3: {  	v0 =	vld [tilespmem:s0+$0xFFFFFF80]  }
0x2a4: {  	v51 =	vld [tilespmem:s0+$0xFFFFFF90]  }
0x2a5: {  	v52 =	vld [tilespmem:s0+$0xFFFFFFA0]  }
0x2a6: {  	v53 =	vld [tilespmem:s0+$0xFFFFFFB0]  }
0x2a7: {  	v54 =	vld [tilespmem:s0+$0xB0];
	v5 =	vadd.f32 v35, v5  }
0x2a8: {  	v35 =	vld [tilespmem:s0+$0xC0];
	v24 =	vadd.f32 v36, v24;
	v20 =	vadd.f32 v26, v20  }
0x2a9: {  	v61 =	vmul.f32 v44, v6;
	v44 =	vld [tilespmem:s0+$0xFFFFFFD0];
	v21 =	vadd.f32 v28, v21;
	v18 =	vadd.f32 v25, v18  }
0x2aa: {  	v36 =	vld [tilespmem:s0+$0xFFFFFFE0];
	v19 =	vadd.f32 v27, v19;
	v13 =	vadd.f32 v16, v13  }
0x2ab: {  	v55 =	vld [tilespmem:s0+$0xF0];
	v12 =	vadd.f32 v17, v12;
	v8 =	vadd.f32 v14, v8  }
0x2ac: {  	v57 =	vld [tilespmem:s0+$0x100];
	v62 =	vadd.f32 v47, v50;
	v48 =	vadd.f32 v48, v49;
	v45 =	vmul.f32 v45, v3  }
0x2ad: {  	v59 =	vld [tilespmem:s0+$0x200];
	v5 =	vadd.f32 v31, v5;
	v24 =	vadd.f32 v61, v24;
	v63 =	vmul.f32 v46, v3  }
0x2ae: {  	v27 =	vld [tilespmem:s0+$0x210];
	v41 =	vadd.f32 v41, v62;
	v42 =	vadd.f32 v42, v48  }
0x2af: {  	s1 =	smul.u32 $0x440, s30;
	v49 =	vld [tilespmem:s0+$0xFFFFFFC0];
	v50 =	vmul.f32 v43, v3;
	v5 =	vadd.f32 v45, v5;
	v24 =	vadd.f32 v63, v24  }
0x2b0: {  	v47 =	vld [tilespmem:s0+$0xD0];
	v30 =	vmul.f32 v30, v3;
	v37 =	vadd.f32 v37, v41;
	v0 =	vmul.f32 v0, v6  }
0x2b1: {  	v31 =	vld [tilespmem:s0+$0xE0];
	s31 =	sshra.s32 s1, $0x2;
	v38 =	vadd.f32 v38, v42;
	v56 =	vmul.f32 v51, v6;
	v58 =	vmul.f32 v52, v6  }
0x2b2: {  	v41 =	vld [tilespmem:s0+$0xFFFFFFF0];
	v60 =	vmul.f32 v53, v6;
	v62 =	vmul.f32 v54, v3;
	[tilespmem:s31+$0xC800] =	vst v2;
	v52 =	vadd.f32 v15, v7  }
0x2b3: {  	[tilespmem:s31+$0xC810] =	vst v11;
	v51 =	vmul.f32 v36, v6;
	v5 =	vadd.f32 v39, v5;
	v24 =	vadd.f32 v40, v24  }
0x2b4: {  	[tilespmem:s31+$0xC820] =	vst v10;
	v49 =	vmul.f32 v49, v6;
	v0 =	vadd.f32 v0, v20;
	v61 =	vadd.f32 v56, v21  }
0x2b5: {  	v43 =	vmul.f32 v35, v3;
	[tilespmem:s31+$0xC830] =	vst v9;
	v63 =	vadd.f32 v58, v18;
	v26 =	vadd.f32 v60, v19  }
0x2b6: {  	[tilespmem:s31+$0xC840] =	vst v4;
	v55 =	vmul.f32 v55, v3;
	v8 =	vadd.f32 v51, v8;
	v4 =	vadd.f32 v49, v13  }
0x2b7: {  	v59 =	vmul.f32 v59, v1;
	[tilespmem:s31+$0xC850] =	vst v37;
	v0 =	vadd.f32 v50, v0;
	v45 =	vadd.f32 v30, v61  }
0x2b8: {  	v47 =	vmul.f32 v47, v3;
	[tilespmem:s31+$0xC860] =	vst v38;
	v2 =	vadd.f32 v62, v63;
	v18 =	vadd.f32 v43, v26  }
0x2b9: {  	[tilespmem:s31+$0xC870] =	vst v5;
	v50 =	vmul.f32 v44, v6;
	v60 =	vadd.f32 v55, v8;
	v0 =	vadd.f32 v29, v0  }
0x2ba: {  	[tilespmem:s31+$0xC880] =	vst v24;
	v53 =	vmul.f32 v41, v6;
	v4 =	vadd.f32 v47, v4;
	v11 =	vadd.f32 v34, v45  }
0x2bb: {  	v48 =	vmul.f32 v31, v3;
	v2 =	vadd.f32 v33, v2;
	v54 =	vadd.f32 v50, v12;
	[tilespmem:s31+$0xC890] =	vst v0  }
0x2bc: {  	s29 =	sadd.s32 $0x1, s29;
	v57 =	vmul.f32 v57, v3;
	v18 =	vadd.f32 v32, v18;
	v56 =	vadd.f32 v53, v52;
	[tilespmem:s31+$0xC8A0] =	vst v11  }
0x2bd: {  	p0 =	sne.s32 s29, $0x40;
	v63 =	vadd.f32 v59, v60;
	v58 =	vadd.f32 v48, v54;
	[tilespmem:s31+$0xC8B0] =	vst v2  }
.Ltmp4:
0x2be: {  	v61 =	vmul.f32 v27, v1;
	v4 =	vadd.f32 v23, v4;
	[tilespmem:s31+$0xC8C0] =	vst v18;
	v0 =	vadd.f32 v57, v56;
	(pc) =	sbr.rel @p0 .LBB2_2-.Ltmp4, $4  }
0x2bf: {  	[tilespmem:s31+$0xC8F0] =	vst v63;
	v62 =	vadd.f32 v22, v58  }
0x2c0: {  	[tilespmem:s31+$0xC8D0] =	vst v4;
	v0 =	vadd.f32 v61, v0  }
0x2c1: {  	[tilespmem:s31+$0xC8E0] =	vst v62  }
0x2c2: {  	[tilespmem:s31+$0xC900] =	vst v0  }
0x2c3: {  	[hbm4b:s8+s2] =	stream.linear.scatter [tilespmem:s25], [sflag:$0x5], $0x8800, $0x38;
	[tilespmem:$0x1D800] =	vst v63  }
0x2c4: {  	s28 =	sadd.s32 $0x1, s28;
	_ =	swait.ge [sflag:s11], $0x8800  }
0x2c5: {  	p0 =	sne.s32 s28, s10;
	[sflag:s11] =	ssyncset.done $0x0  }
.Ltmp5:
0x2c6: {  	[sflag:s11] =	ssyncadd.s32 $0xFFFF7800;
	(pc) =	sbr.rel @p0 .LBB2_1-.Ltmp5, $4  }
0x2c7: {  	[hbm4b:s9+s2] =	stream.linear.scatter [tilespmem:s26], [sflag:$0x5], $0x8800, $0x38;
	[tilespmem:$0x1D800] =	vst v63  }
0x2c8: {  	_ =	swait.ge [sflag:s11], $0x8800  }
0x2c9: {  	[sflag:s11] =	ssyncset.done $0x0  }
0x2ca: {  	[sflag:s11] =	ssyncadd.s32 $0xFFFF7800  }
0x2cb: {  	_ =	sfence.sel $0x180000  }
0x2cc: {  	[bflag:$0x0] =	sbarrier.arrive $0xFFFF  }
0x2cd: {  	_ =	strace $0x90000047  }
0x2ce: {  	s0 =	stileid.u32;
	[bflag:$0x2] =	sbarrier.arrive $0xFFFF  }
0x2cf: {  	p0 =	sne.s32 s0, $0x0;
	s0 =	rddreg [dreg:$0x1]  }
0x2d0: {  	s0 =	sadd.s32 @!p0 $0x100000, s0  }
0x2d1: {  	[sflag:s0] =	ssyncadd.tile.s32 @!p0 $0x1;
	_ =	shalt  }
.Lfunc_end2:
_tile_overlayer_lowered:
.L_overlay_start_2:
0x2d2: {  	(tag) =	ssettag $0x2  }
0x2d3: {  	s0 =	rddreg [dreg:$0x0];
	s2 =	stileid.u32  }
0x2d4: {  	s1 =	rddreg [dreg:$0x1];
	p0 =	sne.s32 s2, $0x0  }
0x2d5: {  	s3 =	rddreg [dreg:$0x2];
	[bflag:$0x3] =	sbarrier.arrive $0xFFFF;
	s2 =	simm.s32 @!p0 $0x1C05  }
0x2d6: {  	[timem:s3], [sflag:s2] =	dma.local @!p0 [hbm:s0], s1  }
0x2d7: {  	s0 =	simm.s32 @!p0 $0x5  }
0x2d8: {  	_ =	swait.ge @!p0 [sflag:s0], s1  }
0x2d9: {  	s1 =	ssub.s32 @!p0 $0x0, s1;
	[sflag:s0] =	ssyncset.done @!p0 $0x0  }
0x2da: {  	[sflag:s0] =	ssyncadd.s32 @!p0 s1  }
0x2db: {  	[bflag:$0x3] =	sbarrier.arrive $0xFFFF  }
0x2dc: {  	_ =	shalt  }

</sc_bundles>
